<compile_context>
chip_gen: v7x
topology: tpu7x:2x2x1
jax: 0.10.2.dev20260603
libtpu: 0.0.44.dev20260713+nightly
codegen_flags: <defaults>
</compile_context>

<pallas_src>
import functools

import jax
import jax.numpy as jnp
from jax import lax
from jax.experimental import pallas as pl
from jax.experimental.pallas import tpu as pltpu
from jax.experimental.pallas import tpu_sc as plsc

_B = 16384
_H = 200
_V = 1000000
_D = 64
_C = 2

_NC = 2
_NS = 16
_NW = _NC * _NS

_IDX_PER_STREAM = 128
_NSTREAM = (_B * _H) // _IDX_PER_STREAM
_STREAMS_PER_TILE = _NSTREAM // _NW
_K = 25
_CHUNKS = _STREAMS_PER_TILE // _K

_STAGE = 62504
_LAST = _V - 15 * _STAGE


def _project_body(embt_ref, wt_ref, out_ref):
    e = embt_ref[...]
    wt = wt_ref[...]
    dwv = (wt[:, 0:1] - wt[:, 1:2]) * (1.0 / _H)
    p = lax.dot_general(dwv, e, (((0,), (0,)), ((), ())),
                        preferred_element_type=jnp.float32)
    out_ref[...] = p.reshape(p.shape[1])


def _project(embt, wt):
    blk = 51200
    grid = -(-_V // blk)
    return pl.pallas_call(
        _project_body,
        grid=(grid,),
        in_specs=[
            pl.BlockSpec((_D, blk), lambda i: (0, i)),
            pl.BlockSpec((_D, _C), lambda i: (0, 0)),
        ],
        out_specs=pl.BlockSpec((blk,), lambda i: (i,)),
        out_shape=jax.ShapeDtypeStruct((_V,), jnp.float32),
    )(embt, wt)


def _gather_body(xr_hbm, q_hbm, out_hbm,
                 q_sh, idx_a, idx_b, rows_a, rows_b,
                 stage_sem, isem_a, isem_b, gsem_a, gsem_b, ssem_a, ssem_b):
    sid = lax.axis_index("s")
    wid = sid * _NC + lax.axis_index("c")
    base = wid * _STREAMS_PER_TILE

    @pl.when(sid < _NS - 1)
    def _():
        st0 = sid * _STAGE
        pltpu.async_copy(q_hbm.at[pl.ds(st0, _STAGE)],
                         q_sh.at[pl.ds(st0, _STAGE)], stage_sem).wait()

    @pl.when(sid == _NS - 1)
    def _():
        st0 = (_NS - 1) * _STAGE
        pltpu.async_copy(q_hbm.at[pl.ds(st0, _LAST)],
                         q_sh.at[pl.ds(st0, _LAST)], stage_sem).wait()

    plsc.subcore_barrier()

    def idx_slice(t):
        return xr_hbm.at[pl.ds(base + t * _K, _K)]

    def out_slice(t):
        return out_hbm.at[pl.ds(base + t * _K, _K)]

    pltpu.async_copy(idx_slice(0), idx_a, isem_a)
    pltpu.async_copy(idx_slice(1), idx_b, isem_b)

    def half_step(t, last_t, idx_v, rows_v, isem, gsem, ssem):
        pltpu.make_async_copy(idx_slice(t), idx_v, isem).wait()

        @pl.when(t >= 2)
        def _():
            pltpu.make_async_copy(rows_v, out_slice(t - 2), ssem).wait()

        cps = [
            pltpu.async_copy(q_sh.at[idx_v.at[k]], rows_v.at[k], gsem)
            for k in range(_K)
        ]
        for cp in cps:
            cp.wait()

        @pl.when(t + 2 <= last_t)
        def _():
            pltpu.async_copy(idx_slice(t + 2), idx_v, isem)

        pltpu.async_copy(rows_v, out_slice(t), ssem)

    def dstep(m, carry):
        half_step(2 * m, _CHUNKS - 1, idx_a, rows_a, isem_a, gsem_a, ssem_a)
        half_step(2 * m + 1, _CHUNKS - 1, idx_b, rows_b, isem_b, gsem_b, ssem_b)
        return carry

    lax.fori_loop(0, _CHUNKS // 2, dstep, 0)

    pltpu.make_async_copy(rows_a, out_slice(_CHUNKS - 2), ssem_a).wait()
    pltpu.make_async_copy(rows_b, out_slice(_CHUNKS - 1), ssem_b).wait()


def _gather(xr, qp):
    mesh = plsc.VectorSubcoreMesh(core_axis_name="c", subcore_axis_name="s")
    kern = functools.partial(
        pl.kernel,
        mesh=mesh,
        out_type=jax.ShapeDtypeStruct((_NSTREAM, _IDX_PER_STREAM),
                                      jnp.float32),
        scratch_types=[
            pltpu.VMEM_SHARED((_V,), jnp.float32),
            pltpu.VMEM((_K, _IDX_PER_STREAM), jnp.int32),
            pltpu.VMEM((_K, _IDX_PER_STREAM), jnp.int32),
            pltpu.VMEM((_K, _IDX_PER_STREAM), jnp.float32),
            pltpu.VMEM((_K, _IDX_PER_STREAM), jnp.float32),
            pltpu.SemaphoreType.DMA,
            pltpu.SemaphoreType.DMA,
            pltpu.SemaphoreType.DMA,
            pltpu.SemaphoreType.DMA,
            pltpu.SemaphoreType.DMA,
            pltpu.SemaphoreType.DMA,
            pltpu.SemaphoreType.DMA,
        ],
        compiler_params=pltpu.CompilerParams(use_tc_tiling_on_sc=False),
    )(_gather_body)
    return kern(xr, qp)


def _head_body(g_ref, b_ref, out_ref, acc_ref):
    i = pl.program_id(0)
    part = jnp.sum(g_ref[...].reshape(25, 128, 128), axis=0)

    @pl.when(i == 0)
    def _():
        acc_ref[...] = part

    @pl.when(i > 0)
    def _():
        acc_ref[...] = acc_ref[...] + part

    @pl.when(i == pl.num_programs(0) - 1)
    def _():
        bb = b_ref[...]
        d = acc_ref[...] + (bb[0, 0] - bb[0, 1])
        r2 = lax.broadcasted_iota(jnp.int32, (_C, 128, 128), 0)
        z = jnp.where(r2 == 0, -d[None], d[None])
        sp = jnp.maximum(z, 0.0) + jnp.log1p(jnp.exp(-jnp.abs(z)))
        out_ref[...] = -sp


def _head(g, b2):
    rows_per_blk = 3200
    grid = _NSTREAM // rows_per_blk
    return pl.pallas_call(
        _head_body,
        grid=(grid,),
        in_specs=[
            pl.BlockSpec((rows_per_blk, _IDX_PER_STREAM), lambda i: (i, 0)),
            pl.BlockSpec((1, _C), lambda i: (0, 0)),
        ],
        out_specs=pl.BlockSpec((_C, 128, 128), lambda i: (0, 0, 0)),
        out_shape=jax.ShapeDtypeStruct((_C, 128, 128), jnp.float32),
        scratch_shapes=[pltpu.VMEM((128, 128), jnp.float32)],
    )(g, b2)


def kernel(x, emb_table, W, b):
    q = _project(emb_table.T, W.T)
    xr = x.T.reshape(_NSTREAM, _IDX_PER_STREAM)
    g = _gather(xr, q)
    out_t = _head(g, b.reshape(1, _C))
    return out_t.reshape(_C, _B).T

# --- scband reference (transcript-rebuilt; emitter-appended) ---
"""Pipeline reference for scband-base-model-71322226917729 (READ-ONLY COPY).

The authoritative reference and input builder live on the scoring server;
editing this copy changes nothing except your own understanding.
"""

import jax, jax.numpy as jnp
import numpy as np

VOCAB = 1000000
EMBED_DIM = 64
NUM_CLASSES = 2
BATCH = 16384
HIST = 200

def setup_inputs(seed: int = 0) -> dict:
    key = jax.random.key(seed)
    k1, k2, k3, k4 = jax.random.split(key, 4)
    x = jax.random.randint(k1, (BATCH, HIST), 0, VOCAB, dtype=jnp.int64 if jax.config.jax_enable_x64 else jnp.int32)
    emb_table = jax.random.normal(k2, (VOCAB, EMBED_DIM), dtype=jnp.float32)
    W = jax.random.normal(k3, (NUM_CLASSES, EMBED_DIM), dtype=jnp.float32) * (1.0 / np.sqrt(EMBED_DIM))
    b = jax.random.normal(k4, (NUM_CLASSES,), dtype=jnp.float32) * 0.01
    return {"x": x, "emb_table": emb_table, "W": W, "b": b}

def reference(x, emb_table, W, b):
    # embedding lookup: [B, L] -> [B, L, D]
    e = jnp.take(emb_table, x, axis=0)
    # mean over sequence dim
    m = jnp.mean(e, axis=1)
    # linear
    logits = m @ W.T + b
    # log_softmax over classes (dim=1)
    out = jax.nn.log_softmax(logits, axis=1)
    return out

if __name__ == "__main__":
    import jax
    _d = setup_inputs()
    print(jax.jit(kernel)(*tuple(_d.values())))

</pallas_src>

<mosaic_0001>
#map = affine_map<(d0, d1) -> (0, 0)>
#map1 = affine_map<(d0, d1) -> (0)>
module attributes {stable_mosaic.version = 14 : i64} {
  func.func @_gather_body(%arg0: i32, %arg1: i32, %arg2: memref<25600x128xi32, #tpu.memory_space<hbm>>, %arg3: memref<1000000xf32, #tpu.memory_space<hbm>>, %arg4: memref<25600x128xf32, #tpu.memory_space<hbm>>, %arg5: memref<1000000xf32, #tpu.memory_space<vmem_shared>>, %arg6: memref<25x128xi32, #tpu.memory_space<vmem>>, %arg7: memref<25x128xi32, #tpu.memory_space<vmem>>, %arg8: memref<25x128xf32, #tpu.memory_space<vmem>>, %arg9: memref<25x128xf32, #tpu.memory_space<vmem>>, %arg10: memref<!tpu.dma_semaphore, #tpu.memory_space<semaphore_mem>>, %arg11: memref<!tpu.dma_semaphore, #tpu.memory_space<semaphore_mem>>, %arg12: memref<!tpu.dma_semaphore, #tpu.memory_space<semaphore_mem>>, %arg13: memref<!tpu.dma_semaphore, #tpu.memory_space<semaphore_mem>>, %arg14: memref<!tpu.dma_semaphore, #tpu.memory_space<semaphore_mem>>, %arg15: memref<!tpu.dma_semaphore, #tpu.memory_space<semaphore_mem>>, %arg16: memref<!tpu.dma_semaphore, #tpu.memory_space<semaphore_mem>>) attributes {dimension_semantics = [#tpu.dimension_semantics<core_parallel>, #tpu.dimension_semantics<subcore_parallel>], iteration_bounds = array<i64: 2, 16>, scalar_prefetch = 0 : i64, scratch_operands = 12 : i64, tpu.core_type = #tpu.core_type<sc_vector_subcore>, window_params = [{transform_indices = #map}, {transform_indices = #map1}, {transform_indices = #map}]} {
    %mul3A = arith.constant 2 : i32
    %mul3A_0 = arith.muli %arg1, %mul3A : i32
    %add3A = arith.addi %mul3A_0, %arg0 : i32
    %mul3A_1 = arith.constant 800 : i32
    %mul3A_2 = arith.muli %add3A, %mul3A_1 : i32
    %lt3A = arith.constant 15 : i32
    %lt3A_3 = arith.cmpi slt, %arg1, %lt3A : i32
    %convert_element_type3A = arith.extui %lt3A_3 : i1 to i32
    %cond3A = arith.constant 0 : i32
    %cond3A_4 = arith.cmpi ne, %convert_element_type3A, %cond3A : i32
    scf.if %cond3A_4 {
      %mul3A_36 = arith.constant 62504 : i32
      %mul3A_37 = arith.muli %arg1, %mul3A_36 : i32
      %dma_start3A_38 = tpu.memref_slice %arg5[%mul3A_37] : memref<1000000xf32, #tpu.memory_space<vmem_shared>> -> memref<62504xf32, #tpu.memory_space<vmem_shared>>
      %dma_start3A_39 = tpu.memref_slice %arg3[%mul3A_37] : memref<1000000xf32, #tpu.memory_space<hbm>> -> memref<62504xf32, #tpu.memory_space<hbm>>
      tpu.enqueue_dma source(%dma_start3A_39 : memref<62504xf32, #tpu.memory_space<hbm>>) target(%dma_start3A_38 : memref<62504xf32, #tpu.memory_space<vmem_shared>>) target_semaphore(%arg10 : memref<!tpu.dma_semaphore, #tpu.memory_space<semaphore_mem>>)
      %dma_wait3A_40 = tpu.memref_slice %arg5[%mul3A_37] : memref<1000000xf32, #tpu.memory_space<vmem_shared>> -> memref<62504xf32, #tpu.memory_space<vmem_shared>>
      %dma_wait3A_41 = tpu.memref_slice %arg3[%mul3A_37] : memref<1000000xf32, #tpu.memory_space<hbm>> -> memref<62504xf32, #tpu.memory_space<hbm>>
      tpu.wait_dma2 semaphore(%arg10 : memref<!tpu.dma_semaphore, #tpu.memory_space<semaphore_mem>>) src(%dma_wait3A_41 : memref<62504xf32, #tpu.memory_space<hbm>>) dst(%dma_wait3A_40 : memref<62504xf32, #tpu.memory_space<vmem_shared>>)
    } else {
    }
    %eq3A = arith.constant 15 : i32
    %eq3A_5 = arith.cmpi eq, %arg1, %eq3A : i32
    %convert_element_type3A_6 = arith.extui %eq3A_5 : i1 to i32
    %cond3A_7 = arith.constant 0 : i32
    %cond3A_8 = arith.cmpi ne, %convert_element_type3A_6, %cond3A_7 : i32
    scf.if %cond3A_8 {
      %dma_start3A_36 = arith.constant 937560 : i32
      %dma_start3A_37 = tpu.memref_slice %arg5[%dma_start3A_36] : memref<1000000xf32, #tpu.memory_space<vmem_shared>> -> memref<62440xf32, #tpu.memory_space<vmem_shared>>
      %dma_start3A_38 = arith.constant 937560 : i32
      %dma_start3A_39 = tpu.memref_slice %arg3[%dma_start3A_38] : memref<1000000xf32, #tpu.memory_space<hbm>> -> memref<62440xf32, #tpu.memory_space<hbm>>
      tpu.enqueue_dma source(%dma_start3A_39 : memref<62440xf32, #tpu.memory_space<hbm>>) target(%dma_start3A_37 : memref<62440xf32, #tpu.memory_space<vmem_shared>>) target_semaphore(%arg10 : memref<!tpu.dma_semaphore, #tpu.memory_space<semaphore_mem>>)
      %dma_wait3A_40 = arith.constant 937560 : i32
      %dma_wait3A_41 = tpu.memref_slice %arg5[%dma_wait3A_40] : memref<1000000xf32, #tpu.memory_space<vmem_shared>> -> memref<62440xf32, #tpu.memory_space<vmem_shared>>
      %dma_wait3A_42 = arith.constant 937560 : i32
      %dma_wait3A_43 = tpu.memref_slice %arg3[%dma_wait3A_42] : memref<1000000xf32, #tpu.memory_space<hbm>> -> memref<62440xf32, #tpu.memory_space<hbm>>
      tpu.wait_dma2 semaphore(%arg10 : memref<!tpu.dma_semaphore, #tpu.memory_space<semaphore_mem>>) src(%dma_wait3A_43 : memref<62440xf32, #tpu.memory_space<hbm>>) dst(%dma_wait3A_41 : memref<62440xf32, #tpu.memory_space<vmem_shared>>)
    } else {
    }
    %barrier3A = arith.constant 0 : index
    tpu.barrier barrier_id(%barrier3A)
    %add3A_9 = arith.constant 0 : i32
    %add3A_10 = arith.addi %mul3A_2, %add3A_9 : i32
    %dma_start3A = arith.constant 0 : i32
    %dma_start3A_11 = tpu.memref_slice %arg2[%add3A_10, %dma_start3A] : memref<25600x128xi32, #tpu.memory_space<hbm>> -> memref<25x128xi32, #tpu.memory_space<hbm>>
    %dma_start3A_12 = arith.constant 0 : i32
    %dma_start3A_13 = tpu.memref_slice %arg2[%add3A_10, %dma_start3A_12] : memref<25600x128xi32, #tpu.memory_space<hbm>> -> memref<25x128xi32, #tpu.memory_space<hbm>>
    tpu.enqueue_dma source(%dma_start3A_13 : memref<25x128xi32, #tpu.memory_space<hbm>>) target(%arg6 : memref<25x128xi32, #tpu.memory_space<vmem>>) target_semaphore(%arg11 : memref<!tpu.dma_semaphore, #tpu.memory_space<semaphore_mem>>)
    %add3A_14 = arith.constant 25 : i32
    %add3A_15 = arith.addi %mul3A_2, %add3A_14 : i32
    %dma_start3A_16 = arith.constant 0 : i32
    %dma_start3A_17 = tpu.memref_slice %arg2[%add3A_15, %dma_start3A_16] : memref<25600x128xi32, #tpu.memory_space<hbm>> -> memref<25x128xi32, #tpu.memory_space<hbm>>
    %dma_start3A_18 = arith.constant 0 : i32
    %dma_start3A_19 = tpu.memref_slice %arg2[%add3A_15, %dma_start3A_18] : memref<25600x128xi32, #tpu.memory_space<hbm>> -> memref<25x128xi32, #tpu.memory_space<hbm>>
    tpu.enqueue_dma source(%dma_start3A_19 : memref<25x128xi32, #tpu.memory_space<hbm>>) target(%arg7 : memref<25x128xi32, #tpu.memory_space<vmem>>) target_semaphore(%arg12 : memref<!tpu.dma_semaphore, #tpu.memory_space<semaphore_mem>>)
    %scan3A = arith.constant 0 : i32
    %scan3A_20 = arith.constant 0 : i32
    %scan3A_21 = arith.constant 16 : i32
    %scan3A_22 = arith.addi %scan3A_20, %scan3A_21 : i32
    %scan3A_23 = arith.constant 1 : i32
    scf.for %scan3A_36 = %scan3A_20 to %scan3A_22 step %scan3A_23  : i32 {
      %mul3A_37 = arith.constant 2 : i32
      %mul3A_38 = arith.muli %mul3A_37, %scan3A_36 : i32
      %mul3A_39 = arith.constant 25 : i32
      %mul3A_40 = arith.muli %mul3A_38, %mul3A_39 : i32
      %add3A_41 = arith.addi %mul3A_2, %mul3A_40 : i32
      %dma_wait3A_42 = arith.constant 0 : i32
      %dma_wait3A_43 = tpu.memref_slice %arg2[%add3A_41, %dma_wait3A_42] : memref<25600x128xi32, #tpu.memory_space<hbm>> -> memref<25x128xi32, #tpu.memory_space<hbm>>
      %dma_wait3A_44 = arith.constant 0 : i32
      %dma_wait3A_45 = tpu.memref_slice %arg2[%add3A_41, %dma_wait3A_44] : memref<25600x128xi32, #tpu.memory_space<hbm>> -> memref<25x128xi32, #tpu.memory_space<hbm>>
      tpu.wait_dma2 semaphore(%arg11 : memref<!tpu.dma_semaphore, #tpu.memory_space<semaphore_mem>>) src(%dma_wait3A_45 : memref<25x128xi32, #tpu.memory_space<hbm>>) dst(%arg6 : memref<25x128xi32, #tpu.memory_space<vmem>>)
      %ge3A = arith.constant 2 : i32
      %ge3A_46 = arith.cmpi sge, %mul3A_38, %ge3A : i32
      %convert_element_type3A_47 = arith.extui %ge3A_46 : i1 to i32
      %cond3A_48 = arith.constant 0 : i32
      %cond3A_49 = arith.cmpi ne, %convert_element_type3A_47, %cond3A_48 : i32
      scf.if %cond3A_49 {
        %sub3A = arith.constant 2 : i32
        %sub3A_1093 = arith.subi %mul3A_38, %sub3A : i32
        %mul3A_1094 = arith.constant 25 : i32
        %mul3A_1095 = arith.muli %sub3A_1093, %mul3A_1094 : i32
        %add3A_1096 = arith.addi %mul3A_2, %mul3A_1095 : i32
        %dma_wait3A_1097 = arith.constant 0 : i32
        %dma_wait3A_1098 = tpu.memref_slice %arg4[%add3A_1096, %dma_wait3A_1097] : memref<25600x128xf32, #tpu.memory_space<hbm>> -> memref<25x128xf32, #tpu.memory_space<hbm>>
        %dma_wait3A_1099 = arith.constant 0 : i32
        %dma_wait3A_1100 = tpu.memref_slice %arg4[%add3A_1096, %dma_wait3A_1099] : memref<25600x128xf32, #tpu.memory_space<hbm>> -> memref<25x128xf32, #tpu.memory_space<hbm>>
        tpu.wait_dma2 semaphore(%arg15 : memref<!tpu.dma_semaphore, #tpu.memory_space<semaphore_mem>>) src(%arg8 : memref<25x128xf32, #tpu.memory_space<vmem>>) dst(%dma_wait3A_1100 : memref<25x128xf32, #tpu.memory_space<hbm>>)
      } else {
      }
      %dma_start3A_50 = arith.constant 0 : i32
      %dma_start3A_51 = arith.constant 0 : i32
      %dma_start3A_52 = arith.constant 0 : i32
      %dma_start3A_53 = tpu.memref_slice %arg8[%dma_start3A_51, %dma_start3A_52] : memref<25x128xf32, #tpu.memory_space<vmem>> -> memref<1x128xf32, #tpu.memory_space<vmem>>
      %dma_start3A_54 = tpu.memref_squeeze %dma_start3A_53 : memref<1x128xf32, #tpu.memory_space<vmem>> -> memref<128xf32, #tpu.memory_space<vmem>>
      %dma_start3A_55 = arith.constant 0 : i32
      %dma_start3A_56 = tpu.memref_slice %arg6[%dma_start3A_50, %dma_start3A_55] : memref<25x128xi32, #tpu.memory_space<vmem>> -> memref<1x128xi32, #tpu.memory_space<vmem>>
      %dma_start3A_57 = tpu.memref_squeeze %dma_start3A_56 : memref<1x128xi32, #tpu.memory_space<vmem>> -> memref<128xi32, #tpu.memory_space<vmem>>
      %dma_start3A_58 = arith.constant 0 : i32
      %dma_start3A_59 = tpu.memref_slice %arg5[%dma_start3A_58] : memref<1000000xf32, #tpu.memory_space<vmem_shared>> -> memref<1000000xf32, #tpu.memory_space<vmem_shared>>
      tpu.enqueue_indirect_dma source(%dma_start3A_59 : memref<1000000xf32, #tpu.memory_space<vmem_shared>>) target(%dma_start3A_54 : memref<128xf32, #tpu.memory_space<vmem>>) offsets(%dma_start3A_57 : memref<128xi32, #tpu.memory_space<vmem>>) semaphore(%arg13 : memref<!tpu.dma_semaphore, #tpu.memory_space<semaphore_mem>>)
      %dma_start3A_60 = arith.constant 1 : i32
      %dma_start3A_61 = arith.constant 1 : i32
      %dma_start3A_62 = arith.constant 0 : i32
      %dma_start3A_63 = tpu.memref_slice %arg8[%dma_start3A_61, %dma_start3A_62] : memref<25x128xf32, #tpu.memory_space<vmem>> -> memref<1x128xf32, #tpu.memory_space<vmem>>
      %dma_start3A_64 = tpu.memref_squeeze %dma_start3A_63 : memref<1x128xf32, #tpu.memory_space<vmem>> -> memref<128xf32, #tpu.memory_space<vmem>>
      %dma_start3A_65 = arith.constant 0 : i32
      %dma_start3A_66 = tpu.memref_slice %arg6[%dma_start3A_60, %dma_start3A_65] : memref<25x128xi32, #tpu.memory_space<vmem>> -> memref<1x128xi32, #tpu.memory_space<vmem>>
      %dma_start3A_67 = tpu.memref_squeeze %dma_start3A_66 : memref<1x128xi32, #tpu.memory_space<vmem>> -> memref<128xi32, #tpu.memory_space<vmem>>
      %dma_start3A_68 = arith.constant 0 : i32
      %dma_start3A_69 = tpu.memref_slice %arg5[%dma_start3A_68] : memref<1000000xf32, #tpu.memory_space<vmem_shared>> -> memref<1000000xf32, #tpu.memory_space<vmem_shared>>
      tpu.enqueue_indirect_dma source(%dma_start3A_69 : memref<1000000xf32, #tpu.memory_space<vmem_shared>>) target(%dma_start3A_64 : memref<128xf32, #tpu.memory_space<vmem>>) offsets(%dma_start3A_67 : memref<128xi32, #tpu.memory_space<vmem>>) semaphore(%arg13 : memref<!tpu.dma_semaphore, #tpu.memory_space<semaphore_mem>>)
      %dma_start3A_70 = arith.constant 2 : i32
      %dma_start3A_71 = arith.constant 2 : i32
      %dma_start3A_72 = arith.constant 0 : i32
      %dma_start3A_73 = tpu.memref_slice %arg8[%dma_start3A_71, %dma_start3A_72] : memref<25x128xf32, #tpu.memory_space<vmem>> -> memref<1x128xf32, #tpu.memory_space<vmem>>
      %dma_start3A_74 = tpu.memref_squeeze %dma_start3A_73 : memref<1x128xf32, #tpu.memory_space<vmem>> -> memref<128xf32, #tpu.memory_space<vmem>>
      %dma_start3A_75 = arith.constant 0 : i32
      %dma_start3A_76 = tpu.memref_slice %arg6[%dma_start3A_70, %dma_start3A_75] : memref<25x128xi32, #tpu.memory_space<vmem>> -> memref<1x128xi32, #tpu.memory_space<vmem>>
      %dma_start3A_77 = tpu.memref_squeeze %dma_start3A_76 : memref<1x128xi32, #tpu.memory_space<vmem>> -> memref<128xi32, #tpu.memory_space<vmem>>
      %dma_start3A_78 = arith.constant 0 : i32
      %dma_start3A_79 = tpu.memref_slice %arg5[%dma_start3A_78] : memref<1000000xf32, #tpu.memory_space<vmem_shared>> -> memref<1000000xf32, #tpu.memory_space<vmem_shared>>
      tpu.enqueue_indirect_dma source(%dma_start3A_79 : memref<1000000xf32, #tpu.memory_space<vmem_shared>>) target(%dma_start3A_74 : memref<128xf32, #tpu.memory_space<vmem>>) offsets(%dma_start3A_77 : memref<128xi32, #tpu.memory_space<vmem>>) semaphore(%arg13 : memref<!tpu.dma_semaphore, #tpu.memory_space<semaphore_mem>>)
      %dma_start3A_80 = arith.constant 3 : i32
      %dma_start3A_81 = arith.constant 3 : i32
      %dma_start3A_82 = arith.constant 0 : i32
      %dma_start3A_83 = tpu.memref_slice %arg8[%dma_start3A_81, %dma_start3A_82] : memref<25x128xf32, #tpu.memory_space<vmem>> -> memref<1x128xf32, #tpu.memory_space<vmem>>
      %dma_start3A_84 = tpu.memref_squeeze %dma_start3A_83 : memref<1x128xf32, #tpu.memory_space<vmem>> -> memref<128xf32, #tpu.memory_space<vmem>>
      %dma_start3A_85 = arith.constant 0 : i32
      %dma_start3A_86 = tpu.memref_slice %arg6[%dma_start3A_80, %dma_start3A_85] : memref<25x128xi32, #tpu.memory_space<vmem>> -> memref<1x128xi32, #tpu.memory_space<vmem>>
      %dma_start3A_87 = tpu.memref_squeeze %dma_start3A_86 : memref<1x128xi32, #tpu.memory_space<vmem>> -> memref<128xi32, #tpu.memory_space<vmem>>
      %dma_start3A_88 = arith.constant 0 : i32
      %dma_start3A_89 = tpu.memref_slice %arg5[%dma_start3A_88] : memref<1000000xf32, #tpu.memory_space<vmem_shared>> -> memref<1000000xf32, #tpu.memory_space<vmem_shared>>
      tpu.enqueue_indirect_dma source(%dma_start3A_89 : memref<1000000xf32, #tpu.memory_space<vmem_shared>>) target(%dma_start3A_84 : memref<128xf32, #tpu.memory_space<vmem>>) offsets(%dma_start3A_87 : memref<128xi32, #tpu.memory_space<vmem>>) semaphore(%arg13 : memref<!tpu.dma_semaphore, #tpu.memory_space<semaphore_mem>>)
      %dma_start3A_90 = arith.constant 4 : i32
      %dma_start3A_91 = arith.constant 4 : i32
      %dma_start3A_92 = arith.constant 0 : i32
      %dma_start3A_93 = tpu.memref_slice %arg8[%dma_start3A_91, %dma_start3A_92] : memref<25x128xf32, #tpu.memory_space<vmem>> -> memref<1x128xf32, #tpu.memory_space<vmem>>
      %dma_start3A_94 = tpu.memref_squeeze %dma_start3A_93 : memref<1x128xf32, #tpu.memory_space<vmem>> -> memref<128xf32, #tpu.memory_space<vmem>>
      %dma_start3A_95 = arith.constant 0 : i32
      %dma_start3A_96 = tpu.memref_slice %arg6[%dma_start3A_90, %dma_start3A_95] : memref<25x128xi32, #tpu.memory_space<vmem>> -> memref<1x128xi32, #tpu.memory_space<vmem>>
      %dma_start3A_97 = tpu.memref_squeeze %dma_start3A_96 : memref<1x128xi32, #tpu.memory_space<vmem>> -> memref<128xi32, #tpu.memory_space<vmem>>
      %dma_start3A_98 = arith.constant 0 : i32
      %dma_start3A_99 = tpu.memref_slice %arg5[%dma_start3A_98] : memref<1000000xf32, #tpu.memory_space<vmem_shared>> -> memref<1000000xf32, #tpu.memory_space<vmem_shared>>
      tpu.enqueue_indirect_dma source(%dma_start3A_99 : memref<1000000xf32, #tpu.memory_space<vmem_shared>>) target(%dma_start3A_94 : memref<128xf32, #tpu.memory_space<vmem>>) offsets(%dma_start3A_97 : memref<128xi32, #tpu.memory_space<vmem>>) semaphore(%arg13 : memref<!tpu.dma_semaphore, #tpu.memory_space<semaphore_mem>>)
      %dma_start3A_100 = arith.constant 5 : i32
      %dma_start3A_101 = arith.constant 5 : i32
      %dma_start3A_102 = arith.constant 0 : i32
      %dma_start3A_103 = tpu.memref_slice %arg8[%dma_start3A_101, %dma_start3A_102] : memref<25x128xf32, #tpu.memory_space<vmem>> -> memref<1x128xf32, #tpu.memory_space<vmem>>
      %dma_start3A_104 = tpu.memref_squeeze %dma_start3A_103 : memref<1x128xf32, #tpu.memory_space<vmem>> -> memref<128xf32, #tpu.memory_space<vmem>>
      %dma_start3A_105 = arith.constant 0 : i32
      %dma_start3A_106 = tpu.memref_slice %arg6[%dma_start3A_100, %dma_start3A_105] : memref<25x128xi32, #tpu.memory_space<vmem>> -> memref<1x128xi32, #tpu.memory_space<vmem>>
      %dma_start3A_107 = tpu.memref_squeeze %dma_start3A_106 : memref<1x128xi32, #tpu.memory_space<vmem>> -> memref<128xi32, #tpu.memory_space<vmem>>
      %dma_start3A_108 = arith.constant 0 : i32
      %dma_start3A_109 = tpu.memref_slice %arg5[%dma_start3A_108] : memref<1000000xf32, #tpu.memory_space<vmem_shared>> -> memref<1000000xf32, #tpu.memory_space<vmem_shared>>
      tpu.enqueue_indirect_dma source(%dma_start3A_109 : memref<1000000xf32, #tpu.memory_space<vmem_shared>>) target(%dma_start3A_104 : memref<128xf32, #tpu.memory_space<vmem>>) offsets(%dma_start3A_107 : memref<128xi32, #tpu.memory_space<vmem>>) semaphore(%arg13 : memref<!tpu.dma_semaphore, #tpu.memory_space<semaphore_mem>>)
      %dma_start3A_110 = arith.constant 6 : i32
      %dma_start3A_111 = arith.constant 6 : i32
      %dma_start3A_112 = arith.constant 0 : i32
      %dma_start3A_113 = tpu.memref_slice %arg8[%dma_start3A_111, %dma_start3A_112] : memref<25x128xf32, #tpu.memory_space<vmem>> -> memref<1x128xf32, #tpu.memory_space<vmem>>
      %dma_start3A_114 = tpu.memref_squeeze %dma_start3A_113 : memref<1x128xf32, #tpu.memory_space<vmem>> -> memref<128xf32, #tpu.memory_space<vmem>>
      %dma_start3A_115 = arith.constant 0 : i32
      %dma_start3A_116 = tpu.memref_slice %arg6[%dma_start3A_110, %dma_start3A_115] : memref<25x128xi32, #tpu.memory_space<vmem>> -> memref<1x128xi32, #tpu.memory_space<vmem>>
      %dma_start3A_117 = tpu.memref_squeeze %dma_start3A_116 : memref<1x128xi32, #tpu.memory_space<vmem>> -> memref<128xi32, #tpu.memory_space<vmem>>
      %dma_start3A_118 = arith.constant 0 : i32
      %dma_start3A_119 = tpu.memref_slice %arg5[%dma_start3A_118] : memref<1000000xf32, #tpu.memory_space<vmem_shared>> -> memref<1000000xf32, #tpu.memory_space<vmem_shared>>
      tpu.enqueue_indirect_dma source(%dma_start3A_119 : memref<1000000xf32, #tpu.memory_space<vmem_shared>>) target(%dma_start3A_114 : memref<128xf32, #tpu.memory_space<vmem>>) offsets(%dma_start3A_117 : memref<128xi32, #tpu.memory_space<vmem>>) semaphore(%arg13 : memref<!tpu.dma_semaphore, #tpu.memory_space<semaphore_mem>>)
      %dma_start3A_120 = arith.constant 7 : i32
      %dma_start3A_121 = arith.constant 7 : i32
      %dma_start3A_122 = arith.constant 0 : i32
      %dma_start3A_123 = tpu.memref_slice %arg8[%dma_start3A_121, %dma_start3A_122] : memref<25x128xf32, #tpu.memory_space<vmem>> -> memref<1x128xf32, #tpu.memory_space<vmem>>
      %dma_start3A_124 = tpu.memref_squeeze %dma_start3A_123 : memref<1x128xf32, #tpu.memory_space<vmem>> -> memref<128xf32, #tpu.memory_space<vmem>>
      %dma_start3A_125 = arith.constant 0 : i32
      %dma_start3A_126 = tpu.memref_slice %arg6[%dma_start3A_120, %dma_start3A_125] : memref<25x128xi32, #tpu.memory_space<vmem>> -> memref<1x128xi32, #tpu.memory_space<vmem>>
      %dma_start3A_127 = tpu.memref_squeeze %dma_start3A_126 : memref<1x128xi32, #tpu.memory_space<vmem>> -> memref<128xi32, #tpu.memory_space<vmem>>
      %dma_start3A_128 = arith.constant 0 : i32
      %dma_start3A_129 = tpu.memref_slice %arg5[%dma_start3A_128] : memref<1000000xf32, #tpu.memory_space<vmem_shared>> -> memref<1000000xf32, #tpu.memory_space<vmem_shared>>
      tpu.enqueue_indirect_dma source(%dma_start3A_129 : memref<1000000xf32, #tpu.memory_space<vmem_shared>>) target(%dma_start3A_124 : memref<128xf32, #tpu.memory_space<vmem>>) offsets(%dma_start3A_127 : memref<128xi32, #tpu.memory_space<vmem>>) semaphore(%arg13 : memref<!tpu.dma_semaphore, #tpu.memory_space<semaphore_mem>>)
      %dma_start3A_130 = arith.constant 8 : i32
      %dma_start3A_131 = arith.constant 8 : i32
      %dma_start3A_132 = arith.constant 0 : i32
      %dma_start3A_133 = tpu.memref_slice %arg8[%dma_start3A_131, %dma_start3A_132] : memref<25x128xf32, #tpu.memory_space<vmem>> -> memref<1x128xf32, #tpu.memory_space<vmem>>
      %dma_start3A_134 = tpu.memref_squeeze %dma_start3A_133 : memref<1x128xf32, #tpu.memory_space<vmem>> -> memref<128xf32, #tpu.memory_space<vmem>>
      %dma_start3A_135 = arith.constant 0 : i32
      %dma_start3A_136 = tpu.memref_slice %arg6[%dma_start3A_130, %dma_start3A_135] : memref<25x128xi32, #tpu.memory_space<vmem>> -> memref<1x128xi32, #tpu.memory_space<vmem>>
      %dma_start3A_137 = tpu.memref_squeeze %dma_start3A_136 : memref<1x128xi32, #tpu.memory_space<vmem>> -> memref<128xi32, #tpu.memory_space<vmem>>
      %dma_start3A_138 = arith.constant 0 : i32
      %dma_start3A_139 = tpu.memref_slice %arg5[%dma_start3A_138] : memref<1000000xf32, #tpu.memory_space<vmem_shared>> -> memref<1000000xf32, #tpu.memory_space<vmem_shared>>
      tpu.enqueue_indirect_dma source(%dma_start3A_139 : memref<1000000xf32, #tpu.memory_space<vmem_shared>>) target(%dma_start3A_134 : memref<128xf32, #tpu.memory_space<vmem>>) offsets(%dma_start3A_137 : memref<128xi32, #tpu.memory_space<vmem>>) semaphore(%arg13 : memref<!tpu.dma_semaphore, #tpu.memory_space<semaphore_mem>>)
      %dma_start3A_140 = arith.constant 9 : i32
      %dma_start3A_141 = arith.constant 9 : i32
      %dma_start3A_142 = arith.constant 0 : i32
      %dma_start3A_143 = tpu.memref_slice %arg8[%dma_start3A_141, %dma_start3A_142] : memref<25x128xf32, #tpu.memory_space<vmem>> -> memref<1x128xf32, #tpu.memory_space<vmem>>
      %dma_start3A_144 = tpu.memref_squeeze %dma_start3A_143 : memref<1x128xf32, #tpu.memory_space<vmem>> -> memref<128xf32, #tpu.memory_space<vmem>>
      %dma_start3A_145 = arith.constant 0 : i32
      %dma_start3A_146 = tpu.memref_slice %arg6[%dma_start3A_140, %dma_start3A_145] : memref<25x128xi32, #tpu.memory_space<vmem>> -> memref<1x128xi32, #tpu.memory_space<vmem>>
      %dma_start3A_147 = tpu.memref_squeeze %dma_start3A_146 : memref<1x128xi32, #tpu.memory_space<vmem>> -> memref<128xi32, #tpu.memory_space<vmem>>
      %dma_start3A_148 = arith.constant 0 : i32
      %dma_start3A_149 = tpu.memref_slice %arg5[%dma_start3A_148] : memref<1000000xf32, #tpu.memory_space<vmem_shared>> -> memref<1000000xf32, #tpu.memory_space<vmem_shared>>
      tpu.enqueue_indirect_dma source(%dma_start3A_149 : memref<1000000xf32, #tpu.memory_space<vmem_shared>>) target(%dma_start3A_144 : memref<128xf32, #tpu.memory_space<vmem>>) offsets(%dma_start3A_147 : memref<128xi32, #tpu.memory_space<vmem>>) semaphore(%arg13 : memref<!tpu.dma_semaphore, #tpu.memory_space<semaphore_mem>>)
      %dma_start3A_150 = arith.constant 10 : i32
      %dma_start3A_151 = arith.constant 10 : i32
      %dma_start3A_152 = arith.constant 0 : i32
      %dma_start3A_153 = tpu.memref_slice %arg8[%dma_start3A_151, %dma_start3A_152] : memref<25x128xf32, #tpu.memory_space<vmem>> -> memref<1x128xf32, #tpu.memory_space<vmem>>
      %dma_start3A_154 = tpu.memref_squeeze %dma_start3A_153 : memref<1x128xf32, #tpu.memory_space<vmem>> -> memref<128xf32, #tpu.memory_space<vmem>>
      %dma_start3A_155 = arith.constant 0 : i32
      %dma_start3A_156 = tpu.memref_slice %arg6[%dma_start3A_150, %dma_start3A_155] : memref<25x128xi32, #tpu.memory_space<vmem>> -> memref<1x128xi32, #tpu.memory_space<vmem>>
      %dma_start3A_157 = tpu.memref_squeeze %dma_start3A_156 : memref<1x128xi32, #tpu.memory_space<vmem>> -> memref<128xi32, #tpu.memory_space<vmem>>
      %dma_start3A_158 = arith.constant 0 : i32
      %dma_start3A_159 = tpu.memref_slice %arg5[%dma_start3A_158] : memref<1000000xf32, #tpu.memory_space<vmem_shared>> -> memref<1000000xf32, #tpu.memory_space<vmem_shared>>
      tpu.enqueue_indirect_dma source(%dma_start3A_159 : memref<1000000xf32, #tpu.memory_space<vmem_shared>>) target(%dma_start3A_154 : memref<128xf32, #tpu.memory_space<vmem>>) offsets(%dma_start3A_157 : memref<128xi32, #tpu.memory_space<vmem>>) semaphore(%arg13 : memref<!tpu.dma_semaphore, #tpu.memory_space<semaphore_mem>>)
      %dma_start3A_160 = arith.constant 11 : i32
      %dma_start3A_161 = arith.constant 11 : i32
      %dma_start3A_162 = arith.constant 0 : i32
      %dma_start3A_163 = tpu.memref_slice %arg8[%dma_start3A_161, %dma_start3A_162] : memref<25x128xf32, #tpu.memory_space<vmem>> -> memref<1x128xf32, #tpu.memory_space<vmem>>
      %dma_start3A_164 = tpu.memref_squeeze %dma_start3A_163 : memref<1x128xf32, #tpu.memory_space<vmem>> -> memref<128xf32, #tpu.memory_space<vmem>>
      %dma_start3A_165 = arith.constant 0 : i32
      %dma_start3A_166 = tpu.memref_slice %arg6[%dma_start3A_160, %dma_start3A_165] : memref<25x128xi32, #tpu.memory_space<vmem>> -> memref<1x128xi32, #tpu.memory_space<vmem>>
      %dma_start3A_167 = tpu.memref_squeeze %dma_start3A_166 : memref<1x128xi32, #tpu.memory_space<vmem>> -> memref<128xi32, #tpu.memory_space<vmem>>
      %dma_start3A_168 = arith.constant 0 : i32
      %dma_start3A_169 = tpu.memref_slice %arg5[%dma_start3A_168] : memref<1000000xf32, #tpu.memory_space<vmem_shared>> -> memref<1000000xf32, #tpu.memory_space<vmem_shared>>
      tpu.enqueue_indirect_dma source(%dma_start3A_169 : memref<1000000xf32, #tpu.memory_space<vmem_shared>>) target(%dma_start3A_164 : memref<128xf32, #tpu.memory_space<vmem>>) offsets(%dma_start3A_167 : memref<128xi32, #tpu.memory_space<vmem>>) semaphore(%arg13 : memref<!tpu.dma_semaphore, #tpu.memory_space<semaphore_mem>>)
      %dma_start3A_170 = arith.constant 12 : i32
      %dma_start3A_171 = arith.constant 12 : i32
      %dma_start3A_172 = arith.constant 0 : i32
      %dma_start3A_173 = tpu.memref_slice %arg8[%dma_start3A_171, %dma_start3A_172] : memref<25x128xf32, #tpu.memory_space<vmem>> -> memref<1x128xf32, #tpu.memory_space<vmem>>
      %dma_start3A_174 = tpu.memref_squeeze %dma_start3A_173 : memref<1x128xf32, #tpu.memory_space<vmem>> -> memref<128xf32, #tpu.memory_space<vmem>>
      %dma_start3A_175 = arith.constant 0 : i32
      %dma_start3A_176 = tpu.memref_slice %arg6[%dma_start3A_170, %dma_start3A_175] : memref<25x128xi32, #tpu.memory_space<vmem>> -> memref<1x128xi32, #tpu.memory_space<vmem>>
      %dma_start3A_177 = tpu.memref_squeeze %dma_start3A_176 : memref<1x128xi32, #tpu.memory_space<vmem>> -> memref<128xi32, #tpu.memory_space<vmem>>
      %dma_start3A_178 = arith.constant 0 : i32
      %dma_start3A_179 = tpu.memref_slice %arg5[%dma_start3A_178] : memref<1000000xf32, #tpu.memory_space<vmem_shared>> -> memref<1000000xf32, #tpu.memory_space<vmem_shared>>
      tpu.enqueue_indirect_dma source(%dma_start3A_179 : memref<1000000xf32, #tpu.memory_space<vmem_shared>>) target(%dma_start3A_174 : memref<128xf32, #tpu.memory_space<vmem>>) offsets(%dma_start3A_177 : memref<128xi32, #tpu.memory_space<vmem>>) semaphore(%arg13 : memref<!tpu.dma_semaphore, #tpu.memory_space<semaphore_mem>>)
      %dma_start3A_180 = arith.constant 13 : i32
      %dma_start3A_181 = arith.constant 13 : i32
      %dma_start3A_182 = arith.constant 0 : i32
      %dma_start3A_183 = tpu.memref_slice %arg8[%dma_start3A_181, %dma_start3A_182] : memref<25x128xf32, #tpu.memory_space<vmem>> -> memref<1x128xf32, #tpu.memory_space<vmem>>
      %dma_start3A_184 = tpu.memref_squeeze %dma_start3A_183 : memref<1x128xf32, #tpu.memory_space<vmem>> -> memref<128xf32, #tpu.memory_space<vmem>>
      %dma_start3A_185 = arith.constant 0 : i32
      %dma_start3A_186 = tpu.memref_slice %arg6[%dma_start3A_180, %dma_start3A_185] : memref<25x128xi32, #tpu.memory_space<vmem>> -> memref<1x128xi32, #tpu.memory_space<vmem>>
      %dma_start3A_187 = tpu.memref_squeeze %dma_start3A_186 : memref<1x128xi32, #tpu.memory_space<vmem>> -> memref<128xi32, #tpu.memory_space<vmem>>
      %dma_start3A_188 = arith.constant 0 : i32
      %dma_start3A_189 = tpu.memref_slice %arg5[%dma_start3A_188] : memref<1000000xf32, #tpu.memory_space<vmem_shared>> -> memref<1000000xf32, #tpu.memory_space<vmem_shared>>
      tpu.enqueue_indirect_dma source(%dma_start3A_189 : memref<1000000xf32, #tpu.memory_space<vmem_shared>>) target(%dma_start3A_184 : memref<128xf32, #tpu.memory_space<vmem>>) offsets(%dma_start3A_187 : memref<128xi32, #tpu.memory_space<vmem>>) semaphore(%arg13 : memref<!tpu.dma_semaphore, #tpu.memory_space<semaphore_mem>>)
      %dma_start3A_190 = arith.constant 14 : i32
      %dma_start3A_191 = arith.constant 14 : i32
      %dma_start3A_192 = arith.constant 0 : i32
      %dma_start3A_193 = tpu.memref_slice %arg8[%dma_start3A_191, %dma_start3A_192] : memref<25x128xf32, #tpu.memory_space<vmem>> -> memref<1x128xf32, #tpu.memory_space<vmem>>
      %dma_start3A_194 = tpu.memref_squeeze %dma_start3A_193 : memref<1x128xf32, #tpu.memory_space<vmem>> -> memref<128xf32, #tpu.memory_space<vmem>>
      %dma_start3A_195 = arith.constant 0 : i32
      %dma_start3A_196 = tpu.memref_slice %arg6[%dma_start3A_190, %dma_start3A_195] : memref<25x128xi32, #tpu.memory_space<vmem>> -> memref<1x128xi32, #tpu.memory_space<vmem>>
      %dma_start3A_197 = tpu.memref_squeeze %dma_start3A_196 : memref<1x128xi32, #tpu.memory_space<vmem>> -> memref<128xi32, #tpu.memory_space<vmem>>
      %dma_start3A_198 = arith.constant 0 : i32
      %dma_start3A_199 = tpu.memref_slice %arg5[%dma_start3A_198] : memref<1000000xf32, #tpu.memory_space<vmem_shared>> -> memref<1000000xf32, #tpu.memory_space<vmem_shared>>
      tpu.enqueue_indirect_dma source(%dma_start3A_199 : memref<1000000xf32, #tpu.memory_space<vmem_shared>>) target(%dma_start3A_194 : memref<128xf32, #tpu.memory_space<vmem>>) offsets(%dma_start3A_197 : memref<128xi32, #tpu.memory_space<vmem>>) semaphore(%arg13 : memref<!tpu.dma_semaphore, #tpu.memory_space<semaphore_mem>>)
      %dma_start3A_200 = arith.constant 15 : i32
      %dma_start3A_201 = arith.constant 15 : i32
      %dma_start3A_202 = arith.constant 0 : i32
      %dma_start3A_203 = tpu.memref_slice %arg8[%dma_start3A_201, %dma_start3A_202] : memref<25x128xf32, #tpu.memory_space<vmem>> -> memref<1x128xf32, #tpu.memory_space<vmem>>
      %dma_start3A_204 = tpu.memref_squeeze %dma_start3A_203 : memref<1x128xf32, #tpu.memory_space<vmem>> -> memref<128xf32, #tpu.memory_space<vmem>>
      %dma_start3A_205 = arith.constant 0 : i32
      %dma_start3A_206 = tpu.memref_slice %arg6[%dma_start3A_200, %dma_start3A_205] : memref<25x128xi32, #tpu.memory_space<vmem>> -> memref<1x128xi32, #tpu.memory_space<vmem>>
      %dma_start3A_207 = tpu.memref_squeeze %dma_start3A_206 : memref<1x128xi32, #tpu.memory_space<vmem>> -> memref<128xi32, #tpu.memory_space<vmem>>
      %dma_start3A_208 = arith.constant 0 : i32
      %dma_start3A_209 = tpu.memref_slice %arg5[%dma_start3A_208] : memref<1000000xf32, #tpu.memory_space<vmem_shared>> -> memref<1000000xf32, #tpu.memory_space<vmem_shared>>
      tpu.enqueue_indirect_dma source(%dma_start3A_209 : memref<1000000xf32, #tpu.memory_space<vmem_shared>>) target(%dma_start3A_204 : memref<128xf32, #tpu.memory_space<vmem>>) offsets(%dma_start3A_207 : memref<128xi32, #tpu.memory_space<vmem>>) semaphore(%arg13 : memref<!tpu.dma_semaphore, #tpu.memory_space<semaphore_mem>>)
      %dma_start3A_210 = arith.constant 16 : i32
      %dma_start3A_211 = arith.constant 16 : i32
      %dma_start3A_212 = arith.constant 0 : i32
      %dma_start3A_213 = tpu.memref_slice %arg8[%dma_start3A_211, %dma_start3A_212] : memref<25x128xf32, #tpu.memory_space<vmem>> -> memref<1x128xf32, #tpu.memory_space<vmem>>
      %dma_start3A_214 = tpu.memref_squeeze %dma_start3A_213 : memref<1x128xf32, #tpu.memory_space<vmem>> -> memref<128xf32, #tpu.memory_space<vmem>>
      %dma_start3A_215 = arith.constant 0 : i32
      %dma_start3A_216 = tpu.memref_slice %arg6[%dma_start3A_210, %dma_start3A_215] : memref<25x128xi32, #tpu.memory_space<vmem>> -> memref<1x128xi32, #tpu.memory_space<vmem>>
      %dma_start3A_217 = tpu.memref_squeeze %dma_start3A_216 : memref<1x128xi32, #tpu.memory_space<vmem>> -> memref<128xi32, #tpu.memory_space<vmem>>
      %dma_start3A_218 = arith.constant 0 : i32
      %dma_start3A_219 = tpu.memref_slice %arg5[%dma_start3A_218] : memref<1000000xf32, #tpu.memory_space<vmem_shared>> -> memref<1000000xf32, #tpu.memory_space<vmem_shared>>
      tpu.enqueue_indirect_dma source(%dma_start3A_219 : memref<1000000xf32, #tpu.memory_space<vmem_shared>>) target(%dma_start3A_214 : memref<128xf32, #tpu.memory_space<vmem>>) offsets(%dma_start3A_217 : memref<128xi32, #tpu.memory_space<vmem>>) semaphore(%arg13 : memref<!tpu.dma_semaphore, #tpu.memory_space<semaphore_mem>>)
      %dma_start3A_220 = arith.constant 17 : i32
      %dma_start3A_221 = arith.constant 17 : i32
      %dma_start3A_222 = arith.constant 0 : i32
      %dma_start3A_223 = tpu.memref_slice %arg8[%dma_start3A_221, %dma_start3A_222] : memref<25x128xf32, #tpu.memory_space<vmem>> -> memref<1x128xf32, #tpu.memory_space<vmem>>
      %dma_start3A_224 = tpu.memref_squeeze %dma_start3A_223 : memref<1x128xf32, #tpu.memory_space<vmem>> -> memref<128xf32, #tpu.memory_space<vmem>>
      %dma_start3A_225 = arith.constant 0 : i32
      %dma_start3A_226 = tpu.memref_slice %arg6[%dma_start3A_220, %dma_start3A_225] : memref<25x128xi32, #tpu.memory_space<vmem>> -> memref<1x128xi32, #tpu.memory_space<vmem>>
      %dma_start3A_227 = tpu.memref_squeeze %dma_start3A_226 : memref<1x128xi32, #tpu.memory_space<vmem>> -> memref<128xi32, #tpu.memory_space<vmem>>
      %dma_start3A_228 = arith.constant 0 : i32
      %dma_start3A_229 = tpu.memref_slice %arg5[%dma_start3A_228] : memref<1000000xf32, #tpu.memory_space<vmem_shared>> -> memref<1000000xf32, #tpu.memory_space<vmem_shared>>
      tpu.enqueue_indirect_dma source(%dma_start3A_229 : memref<1000000xf32, #tpu.memory_space<vmem_shared>>) target(%dma_start3A_224 : memref<128xf32, #tpu.memory_space<vmem>>) offsets(%dma_start3A_227 : memref<128xi32, #tpu.memory_space<vmem>>) semaphore(%arg13 : memref<!tpu.dma_semaphore, #tpu.memory_space<semaphore_mem>>)
      %dma_start3A_230 = arith.constant 18 : i32
      %dma_start3A_231 = arith.constant 18 : i32
      %dma_start3A_232 = arith.constant 0 : i32
      %dma_start3A_233 = tpu.memref_slice %arg8[%dma_start3A_231, %dma_start3A_232] : memref<25x128xf32, #tpu.memory_space<vmem>> -> memref<1x128xf32, #tpu.memory_space<vmem>>
      %dma_start3A_234 = tpu.memref_squeeze %dma_start3A_233 : memref<1x128xf32, #tpu.memory_space<vmem>> -> memref<128xf32, #tpu.memory_space<vmem>>
      %dma_start3A_235 = arith.constant 0 : i32
      %dma_start3A_236 = tpu.memref_slice %arg6[%dma_start3A_230, %dma_start3A_235] : memref<25x128xi32, #tpu.memory_space<vmem>> -> memref<1x128xi32, #tpu.memory_space<vmem>>
      %dma_start3A_237 = tpu.memref_squeeze %dma_start3A_236 : memref<1x128xi32, #tpu.memory_space<vmem>> -> memref<128xi32, #tpu.memory_space<vmem>>
      %dma_start3A_238 = arith.constant 0 : i32
      %dma_start3A_239 = tpu.memref_slice %arg5[%dma_start3A_238] : memref<1000000xf32, #tpu.memory_space<vmem_shared>> -> memref<1000000xf32, #tpu.memory_space<vmem_shared>>
      tpu.enqueue_indirect_dma source(%dma_start3A_239 : memref<1000000xf32, #tpu.memory_space<vmem_shared>>) target(%dma_start3A_234 : memref<128xf32, #tpu.memory_space<vmem>>) offsets(%dma_start3A_237 : memref<128xi32, #tpu.memory_space<vmem>>) semaphore(%arg13 : memref<!tpu.dma_semaphore, #tpu.memory_space<semaphore_mem>>)
      %dma_start3A_240 = arith.constant 19 : i32
      %dma_start3A_241 = arith.constant 19 : i32
      %dma_start3A_242 = arith.constant 0 : i32
      %dma_start3A_243 = tpu.memref_slice %arg8[%dma_start3A_241, %dma_start3A_242] : memref<25x128xf32, #tpu.memory_space<vmem>> -> memref<1x128xf32, #tpu.memory_space<vmem>>
      %dma_start3A_244 = tpu.memref_squeeze %dma_start3A_243 : memref<1x128xf32, #tpu.memory_space<vmem>> -> memref<128xf32, #tpu.memory_space<vmem>>
      %dma_start3A_245 = arith.constant 0 : i32
      %dma_start3A_246 = tpu.memref_slice %arg6[%dma_start3A_240, %dma_start3A_245] : memref<25x128xi32, #tpu.memory_space<vmem>> -> memref<1x128xi32, #tpu.memory_space<vmem>>
      %dma_start3A_247 = tpu.memref_squeeze %dma_start3A_246 : memref<1x128xi32, #tpu.memory_space<vmem>> -> memref<128xi32, #tpu.memory_space<vmem>>
      %dma_start3A_248 = arith.constant 0 : i32
      %dma_start3A_249 = tpu.memref_slice %arg5[%dma_start3A_248] : memref<1000000xf32, #tpu.memory_space<vmem_shared>> -> memref<1000000xf32, #tpu.memory_space<vmem_shared>>
      tpu.enqueue_indirect_dma source(%dma_start3A_249 : memref<1000000xf32, #tpu.memory_space<vmem_shared>>) target(%dma_start3A_244 : memref<128xf32, #tpu.memory_space<vmem>>) offsets(%dma_start3A_247 : memref<128xi32, #tpu.memory_space<vmem>>) semaphore(%arg13 : memref<!tpu.dma_semaphore, #tpu.memory_space<semaphore_mem>>)
      %dma_start3A_250 = arith.constant 20 : i32
      %dma_start3A_251 = arith.constant 20 : i32
      %dma_start3A_252 = arith.constant 0 : i32
      %dma_start3A_253 = tpu.memref_slice %arg8[%dma_start3A_251, %dma_start3A_252] : memref<25x128xf32, #tpu.memory_space<vmem>> -> memref<1x128xf32, #tpu.memory_space<vmem>>
      %dma_start3A_254 = tpu.memref_squeeze %dma_start3A_253 : memref<1x128xf32, #tpu.memory_space<vmem>> -> memref<128xf32, #tpu.memory_space<vmem>>
      %dma_start3A_255 = arith.constant 0 : i32
      %dma_start3A_256 = tpu.memref_slice %arg6[%dma_start3A_250, %dma_start3A_255] : memref<25x128xi32, #tpu.memory_space<vmem>> -> memref<1x128xi32, #tpu.memory_space<vmem>>
      %dma_start3A_257 = tpu.memref_squeeze %dma_start3A_256 : memref<1x128xi32, #tpu.memory_space<vmem>> -> memref<128xi32, #tpu.memory_space<vmem>>
      %dma_start3A_258 = arith.constant 0 : i32
      %dma_start3A_259 = tpu.memref_slice %arg5[%dma_start3A_258] : memref<1000000xf32, #tpu.memory_space<vmem_shared>> -> memref<1000000xf32, #tpu.memory_space<vmem_shared>>
      tpu.enqueue_indirect_dma source(%dma_start3A_259 : memref<1000000xf32, #tpu.memory_space<vmem_shared>>) target(%dma_start3A_254 : memref<128xf32, #tpu.memory_space<vmem>>) offsets(%dma_start3A_257 : memref<128xi32, #tpu.memory_space<vmem>>) semaphore(%arg13 : memref<!tpu.dma_semaphore, #tpu.memory_space<semaphore_mem>>)
      %dma_start3A_260 = arith.constant 21 : i32
      %dma_start3A_261 = arith.constant 21 : i32
      %dma_start3A_262 = arith.constant 0 : i32
      %dma_start3A_263 = tpu.memref_slice %arg8[%dma_start3A_261, %dma_start3A_262] : memref<25x128xf32, #tpu.memory_space<vmem>> -> memref<1x128xf32, #tpu.memory_space<vmem>>
      %dma_start3A_264 = tpu.memref_squeeze %dma_start3A_263 : memref<1x128xf32, #tpu.memory_space<vmem>> -> memref<128xf32, #tpu.memory_space<vmem>>
      %dma_start3A_265 = arith.constant 0 : i32
      %dma_start3A_266 = tpu.memref_slice %arg6[%dma_start3A_260, %dma_start3A_265] : memref<25x128xi32, #tpu.memory_space<vmem>> -> memref<1x128xi32, #tpu.memory_space<vmem>>
      %dma_start3A_267 = tpu.memref_squeeze %dma_start3A_266 : memref<1x128xi32, #tpu.memory_space<vmem>> -> memref<128xi32, #tpu.memory_space<vmem>>
      %dma_start3A_268 = arith.constant 0 : i32
      %dma_start3A_269 = tpu.memref_slice %arg5[%dma_start3A_268] : memref<1000000xf32, #tpu.memory_space<vmem_shared>> -> memref<1000000xf32, #tpu.memory_space<vmem_shared>>
      tpu.enqueue_indirect_dma source(%dma_start3A_269 : memref<1000000xf32, #tpu.memory_space<vmem_shared>>) target(%dma_start3A_264 : memref<128xf32, #tpu.memory_space<vmem>>) offsets(%dma_start3A_267 : memref<128xi32, #tpu.memory_space<vmem>>) semaphore(%arg13 : memref<!tpu.dma_semaphore, #tpu.memory_space<semaphore_mem>>)
      %dma_start3A_270 = arith.constant 22 : i32
      %dma_start3A_271 = arith.constant 22 : i32
      %dma_start3A_272 = arith.constant 0 : i32
      %dma_start3A_273 = tpu.memref_slice %arg8[%dma_start3A_271, %dma_start3A_272] : memref<25x128xf32, #tpu.memory_space<vmem>> -> memref<1x128xf32, #tpu.memory_space<vmem>>
      %dma_start3A_274 = tpu.memref_squeeze %dma_start3A_273 : memref<1x128xf32, #tpu.memory_space<vmem>> -> memref<128xf32, #tpu.memory_space<vmem>>
      %dma_start3A_275 = arith.constant 0 : i32
      %dma_start3A_276 = tpu.memref_slice %arg6[%dma_start3A_270, %dma_start3A_275] : memref<25x128xi32, #tpu.memory_space<vmem>> -> memref<1x128xi32, #tpu.memory_space<vmem>>
      %dma_start3A_277 = tpu.memref_squeeze %dma_start3A_276 : memref<1x128xi32, #tpu.memory_space<vmem>> -> memref<128xi32, #tpu.memory_space<vmem>>
      %dma_start3A_278 = arith.constant 0 : i32
      %dma_start3A_279 = tpu.memref_slice %arg5[%dma_start3A_278] : memref<1000000xf32, #tpu.memory_space<vmem_shared>> -> memref<1000000xf32, #tpu.memory_space<vmem_shared>>
      tpu.enqueue_indirect_dma source(%dma_start3A_279 : memref<1000000xf32, #tpu.memory_space<vmem_shared>>) target(%dma_start3A_274 : memref<128xf32, #tpu.memory_space<vmem>>) offsets(%dma_start3A_277 : memref<128xi32, #tpu.memory_space<vmem>>) semaphore(%arg13 : memref<!tpu.dma_semaphore, #tpu.memory_space<semaphore_mem>>)
      %dma_start3A_280 = arith.constant 23 : i32
      %dma_start3A_281 = arith.constant 23 : i32
      %dma_start3A_282 = arith.constant 0 : i32
      %dma_start3A_283 = tpu.memref_slice %arg8[%dma_start3A_281, %dma_start3A_282] : memref<25x128xf32, #tpu.memory_space<vmem>> -> memref<1x128xf32, #tpu.memory_space<vmem>>
      %dma_start3A_284 = tpu.memref_squeeze %dma_start3A_283 : memref<1x128xf32, #tpu.memory_space<vmem>> -> memref<128xf32, #tpu.memory_space<vmem>>
      %dma_start3A_285 = arith.constant 0 : i32
      %dma_start3A_286 = tpu.memref_slice %arg6[%dma_start3A_280, %dma_start3A_285] : memref<25x128xi32, #tpu.memory_space<vmem>> -> memref<1x128xi32, #tpu.memory_space<vmem>>
      %dma_start3A_287 = tpu.memref_squeeze %dma_start3A_286 : memref<1x128xi32, #tpu.memory_space<vmem>> -> memref<128xi32, #tpu.memory_space<vmem>>
      %dma_start3A_288 = arith.constant 0 : i32
      %dma_start3A_289 = tpu.memref_slice %arg5[%dma_start3A_288] : memref<1000000xf32, #tpu.memory_space<vmem_shared>> -> memref<1000000xf32, #tpu.memory_space<vmem_shared>>
      tpu.enqueue_indirect_dma source(%dma_start3A_289 : memref<1000000xf32, #tpu.memory_space<vmem_shared>>) target(%dma_start3A_284 : memref<128xf32, #tpu.memory_space<vmem>>) offsets(%dma_start3A_287 : memref<128xi32, #tpu.memory_space<vmem>>) semaphore(%arg13 : memref<!tpu.dma_semaphore, #tpu.memory_space<semaphore_mem>>)
      %dma_start3A_290 = arith.constant 24 : i32
      %dma_start3A_291 = arith.constant 24 : i32
      %dma_start3A_292 = arith.constant 0 : i32
      %dma_start3A_293 = tpu.memref_slice %arg8[%dma_start3A_291, %dma_start3A_292] : memref<25x128xf32, #tpu.memory_space<vmem>> -> memref<1x128xf32, #tpu.memory_space<vmem>>
      %dma_start3A_294 = tpu.memref_squeeze %dma_start3A_293 : memref<1x128xf32, #tpu.memory_space<vmem>> -> memref<128xf32, #tpu.memory_space<vmem>>
      %dma_start3A_295 = arith.constant 0 : i32
      %dma_start3A_296 = tpu.memref_slice %arg6[%dma_start3A_290, %dma_start3A_295] : memref<25x128xi32, #tpu.memory_space<vmem>> -> memref<1x128xi32, #tpu.memory_space<vmem>>
      %dma_start3A_297 = tpu.memref_squeeze %dma_start3A_296 : memref<1x128xi32, #tpu.memory_space<vmem>> -> memref<128xi32, #tpu.memory_space<vmem>>
      %dma_start3A_298 = arith.constant 0 : i32
      %dma_start3A_299 = tpu.memref_slice %arg5[%dma_start3A_298] : memref<1000000xf32, #tpu.memory_space<vmem_shared>> -> memref<1000000xf32, #tpu.memory_space<vmem_shared>>
      tpu.enqueue_indirect_dma source(%dma_start3A_299 : memref<1000000xf32, #tpu.memory_space<vmem_shared>>) target(%dma_start3A_294 : memref<128xf32, #tpu.memory_space<vmem>>) offsets(%dma_start3A_297 : memref<128xi32, #tpu.memory_space<vmem>>) semaphore(%arg13 : memref<!tpu.dma_semaphore, #tpu.memory_space<semaphore_mem>>)
      %dma_wait3A_300 = arith.constant 0 : i32
      %dma_wait3A_301 = arith.constant 0 : i32
      %dma_wait3A_302 = arith.constant 0 : i32
      %dma_wait3A_303 = tpu.memref_slice %arg8[%dma_wait3A_301, %dma_wait3A_302] : memref<25x128xf32, #tpu.memory_space<vmem>> -> memref<1x128xf32, #tpu.memory_space<vmem>>
      %dma_wait3A_304 = tpu.memref_squeeze %dma_wait3A_303 : memref<1x128xf32, #tpu.memory_space<vmem>> -> memref<128xf32, #tpu.memory_space<vmem>>
      %dma_wait3A_305 = arith.constant 0 : i32
      %dma_wait3A_306 = tpu.memref_slice %arg6[%dma_wait3A_300, %dma_wait3A_305] : memref<25x128xi32, #tpu.memory_space<vmem>> -> memref<1x128xi32, #tpu.memory_space<vmem>>
      %dma_wait3A_307 = tpu.memref_squeeze %dma_wait3A_306 : memref<1x128xi32, #tpu.memory_space<vmem>> -> memref<128xi32, #tpu.memory_space<vmem>>
      %dma_wait3A_308 = arith.constant 0 : i32
      %dma_wait3A_309 = tpu.memref_slice %arg5[%dma_wait3A_308] : memref<1000000xf32, #tpu.memory_space<vmem_shared>> -> memref<1000000xf32, #tpu.memory_space<vmem_shared>>
      tpu.wait_indirect_dma semaphore(%arg13 : memref<!tpu.dma_semaphore, #tpu.memory_space<semaphore_mem>>) src(%dma_wait3A_309 : memref<1000000xf32, #tpu.memory_space<vmem_shared>>) dst(%dma_wait3A_304 : memref<128xf32, #tpu.memory_space<vmem>>)
      %dma_wait3A_310 = arith.constant 1 : i32
      %dma_wait3A_311 = arith.constant 1 : i32
      %dma_wait3A_312 = arith.constant 0 : i32
      %dma_wait3A_313 = tpu.memref_slice %arg8[%dma_wait3A_311, %dma_wait3A_312] : memref<25x128xf32, #tpu.memory_space<vmem>> -> memref<1x128xf32, #tpu.memory_space<vmem>>
      %dma_wait3A_314 = tpu.memref_squeeze %dma_wait3A_313 : memref<1x128xf32, #tpu.memory_space<vmem>> -> memref<128xf32, #tpu.memory_space<vmem>>
      %dma_wait3A_315 = arith.constant 0 : i32
      %dma_wait3A_316 = tpu.memref_slice %arg6[%dma_wait3A_310, %dma_wait3A_315] : memref<25x128xi32, #tpu.memory_space<vmem>> -> memref<1x128xi32, #tpu.memory_space<vmem>>
      %dma_wait3A_317 = tpu.memref_squeeze %dma_wait3A_316 : memref<1x128xi32, #tpu.memory_space<vmem>> -> memref<128xi32, #tpu.memory_space<vmem>>
      %dma_wait3A_318 = arith.constant 0 : i32
      %dma_wait3A_319 = tpu.memref_slice %arg5[%dma_wait3A_318] : memref<1000000xf32, #tpu.memory_space<vmem_shared>> -> memref<1000000xf32, #tpu.memory_space<vmem_shared>>
      tpu.wait_indirect_dma semaphore(%arg13 : memref<!tpu.dma_semaphore, #tpu.memory_space<semaphore_mem>>) src(%dma_wait3A_319 : memref<1000000xf32, #tpu.memory_space<vmem_shared>>) dst(%dma_wait3A_314 : memref<128xf32, #tpu.memory_space<vmem>>)
      %dma_wait3A_320 = arith.constant 2 : i32
      %dma_wait3A_321 = arith.constant 2 : i32
      %dma_wait3A_322 = arith.constant 0 : i32
      %dma_wait3A_323 = tpu.memref_slice %arg8[%dma_wait3A_321, %dma_wait3A_322] : memref<25x128xf32, #tpu.memory_space<vmem>> -> memref<1x128xf32, #tpu.memory_space<vmem>>
      %dma_wait3A_324 = tpu.memref_squeeze %dma_wait3A_323 : memref<1x128xf32, #tpu.memory_space<vmem>> -> memref<128xf32, #tpu.memory_space<vmem>>
      %dma_wait3A_325 = arith.constant 0 : i32
      %dma_wait3A_326 = tpu.memref_slice %arg6[%dma_wait3A_320, %dma_wait3A_325] : memref<25x128xi32, #tpu.memory_space<vmem>> -> memref<1x128xi32, #tpu.memory_space<vmem>>
      %dma_wait3A_327 = tpu.memref_squeeze %dma_wait3A_326 : memref<1x128xi32, #tpu.memory_space<vmem>> -> memref<128xi32, #tpu.memory_space<vmem>>
      %dma_wait3A_328 = arith.constant 0 : i32
      %dma_wait3A_329 = tpu.memref_slice %arg5[%dma_wait3A_328] : memref<1000000xf32, #tpu.memory_space<vmem_shared>> -> memref<1000000xf32, #tpu.memory_space<vmem_shared>>
      tpu.wait_indirect_dma semaphore(%arg13 : memref<!tpu.dma_semaphore, #tpu.memory_space<semaphore_mem>>) src(%dma_wait3A_329 : memref<1000000xf32, #tpu.memory_space<vmem_shared>>) dst(%dma_wait3A_324 : memref<128xf32, #tpu.memory_space<vmem>>)
      %dma_wait3A_330 = arith.constant 3 : i32
      %dma_wait3A_331 = arith.constant 3 : i32
      %dma_wait3A_332 = arith.constant 0 : i32
      %dma_wait3A_333 = tpu.memref_slice %arg8[%dma_wait3A_331, %dma_wait3A_332] : memref<25x128xf32, #tpu.memory_space<vmem>> -> memref<1x128xf32, #tpu.memory_space<vmem>>
      %dma_wait3A_334 = tpu.memref_squeeze %dma_wait3A_333 : memref<1x128xf32, #tpu.memory_space<vmem>> -> memref<128xf32, #tpu.memory_space<vmem>>
      %dma_wait3A_335 = arith.constant 0 : i32
      %dma_wait3A_336 = tpu.memref_slice %arg6[%dma_wait3A_330, %dma_wait3A_335] : memref<25x128xi32, #tpu.memory_space<vmem>> -> memref<1x128xi32, #tpu.memory_space<vmem>>
      %dma_wait3A_337 = tpu.memref_squeeze %dma_wait3A_336 : memref<1x128xi32, #tpu.memory_space<vmem>> -> memref<128xi32, #tpu.memory_space<vmem>>
      %dma_wait3A_338 = arith.constant 0 : i32
      %dma_wait3A_339 = tpu.memref_slice %arg5[%dma_wait3A_338] : memref<1000000xf32, #tpu.memory_space<vmem_shared>> -> memref<1000000xf32, #tpu.memory_space<vmem_shared>>
      tpu.wait_indirect_dma semaphore(%arg13 : memref<!tpu.dma_semaphore, #tpu.memory_space<semaphore_mem>>) src(%dma_wait3A_339 : memref<1000000xf32, #tpu.memory_space<vmem_shared>>) dst(%dma_wait3A_334 : memref<128xf32, #tpu.memory_space<vmem>>)
      %dma_wait3A_340 = arith.constant 4 : i32
      %dma_wait3A_341 = arith.constant 4 : i32
      %dma_wait3A_342 = arith.constant 0 : i32
      %dma_wait3A_343 = tpu.memref_slice %arg8[%dma_wait3A_341, %dma_wait3A_342] : memref<25x128xf32, #tpu.memory_space<vmem>> -> memref<1x128xf32, #tpu.memory_space<vmem>>
      %dma_wait3A_344 = tpu.memref_squeeze %dma_wait3A_343 : memref<1x128xf32, #tpu.memory_space<vmem>> -> memref<128xf32, #tpu.memory_space<vmem>>
      %dma_wait3A_345 = arith.constant 0 : i32
      %dma_wait3A_346 = tpu.memref_slice %arg6[%dma_wait3A_340, %dma_wait3A_345] : memref<25x128xi32, #tpu.memory_space<vmem>> -> memref<1x128xi32, #tpu.memory_space<vmem>>
      %dma_wait3A_347 = tpu.memref_squeeze %dma_wait3A_346 : memref<1x128xi32, #tpu.memory_space<vmem>> -> memref<128xi32, #tpu.memory_space<vmem>>
      %dma_wait3A_348 = arith.constant 0 : i32
      %dma_wait3A_349 = tpu.memref_slice %arg5[%dma_wait3A_348] : memref<1000000xf32, #tpu.memory_space<vmem_shared>> -> memref<1000000xf32, #tpu.memory_space<vmem_shared>>
      tpu.wait_indirect_dma semaphore(%arg13 : memref<!tpu.dma_semaphore, #tpu.memory_space<semaphore_mem>>) src(%dma_wait3A_349 : memref<1000000xf32, #tpu.memory_space<vmem_shared>>) dst(%dma_wait3A_344 : memref<128xf32, #tpu.memory_space<vmem>>)
      %dma_wait3A_350 = arith.constant 5 : i32
      %dma_wait3A_351 = arith.constant 5 : i32
      %dma_wait3A_352 = arith.constant 0 : i32
      %dma_wait3A_353 = tpu.memref_slice %arg8[%dma_wait3A_351, %dma_wait3A_352] : memref<25x128xf32, #tpu.memory_space<vmem>> -> memref<1x128xf32, #tpu.memory_space<vmem>>
      %dma_wait3A_354 = tpu.memref_squeeze %dma_wait3A_353 : memref<1x128xf32, #tpu.memory_space<vmem>> -> memref<128xf32, #tpu.memory_space<vmem>>
      %dma_wait3A_355 = arith.constant 0 : i32
      %dma_wait3A_356 = tpu.memref_slice %arg6[%dma_wait3A_350, %dma_wait3A_355] : memref<25x128xi32, #tpu.memory_space<vmem>> -> memref<1x128xi32, #tpu.memory_space<vmem>>
      %dma_wait3A_357 = tpu.memref_squeeze %dma_wait3A_356 : memref<1x128xi32, #tpu.memory_space<vmem>> -> memref<128xi32, #tpu.memory_space<vmem>>
      %dma_wait3A_358 = arith.constant 0 : i32
      %dma_wait3A_359 = tpu.memref_slice %arg5[%dma_wait3A_358] : memref<1000000xf32, #tpu.memory_space<vmem_shared>> -> memref<1000000xf32, #tpu.memory_space<vmem_shared>>
      tpu.wait_indirect_dma semaphore(%arg13 : memref<!tpu.dma_semaphore, #tpu.memory_space<semaphore_mem>>) src(%dma_wait3A_359 : memref<1000000xf32, #tpu.memory_space<vmem_shared>>) dst(%dma_wait3A_354 : memref<128xf32, #tpu.memory_space<vmem>>)
      %dma_wait3A_360 = arith.constant 6 : i32
      %dma_wait3A_361 = arith.constant 6 : i32
      %dma_wait3A_362 = arith.constant 0 : i32
      %dma_wait3A_363 = tpu.memref_slice %arg8[%dma_wait3A_361, %dma_wait3A_362] : memref<25x128xf32, #tpu.memory_space<vmem>> -> memref<1x128xf32, #tpu.memory_space<vmem>>
      %dma_wait3A_364 = tpu.memref_squeeze %dma_wait3A_363 : memref<1x128xf32, #tpu.memory_space<vmem>> -> memref<128xf32, #tpu.memory_space<vmem>>
      %dma_wait3A_365 = arith.constant 0 : i32
      %dma_wait3A_366 = tpu.memref_slice %arg6[%dma_wait3A_360, %dma_wait3A_365] : memref<25x128xi32, #tpu.memory_space<vmem>> -> memref<1x128xi32, #tpu.memory_space<vmem>>
      %dma_wait3A_367 = tpu.memref_squeeze %dma_wait3A_366 : memref<1x128xi32, #tpu.memory_space<vmem>> -> memref<128xi32, #tpu.memory_space<vmem>>
      %dma_wait3A_368 = arith.constant 0 : i32
      %dma_wait3A_369 = tpu.memref_slice %arg5[%dma_wait3A_368] : memref<1000000xf32, #tpu.memory_space<vmem_shared>> -> memref<1000000xf32, #tpu.memory_space<vmem_shared>>
      tpu.wait_indirect_dma semaphore(%arg13 : memref<!tpu.dma_semaphore, #tpu.memory_space<semaphore_mem>>) src(%dma_wait3A_369 : memref<1000000xf32, #tpu.memory_space<vmem_shared>>) dst(%dma_wait3A_364 : memref<128xf32, #tpu.memory_space<vmem>>)
      %dma_wait3A_370 = arith.constant 7 : i32
      %dma_wait3A_371 = arith.constant 7 : i32
      %dma_wait3A_372 = arith.constant 0 : i32
      %dma_wait3A_373 = tpu.memref_slice %arg8[%dma_wait3A_371, %dma_wait3A_372] : memref<25x128xf32, #tpu.memory_space<vmem>> -> memref<1x128xf32, #tpu.memory_space<vmem>>
      %dma_wait3A_374 = tpu.memref_squeeze %dma_wait3A_373 : memref<1x128xf32, #tpu.memory_space<vmem>> -> memref<128xf32, #tpu.memory_space<vmem>>
      %dma_wait3A_375 = arith.constant 0 : i32
      %dma_wait3A_376 = tpu.memref_slice %arg6[%dma_wait3A_370, %dma_wait3A_375] : memref<25x128xi32, #tpu.memory_space<vmem>> -> memref<1x128xi32, #tpu.memory_space<vmem>>
      %dma_wait3A_377 = tpu.memref_squeeze %dma_wait3A_376 : memref<1x128xi32, #tpu.memory_space<vmem>> -> memref<128xi32, #tpu.memory_space<vmem>>
      %dma_wait3A_378 = arith.constant 0 : i32
      %dma_wait3A_379 = tpu.memref_slice %arg5[%dma_wait3A_378] : memref<1000000xf32, #tpu.memory_space<vmem_shared>> -> memref<1000000xf32, #tpu.memory_space<vmem_shared>>
      tpu.wait_indirect_dma semaphore(%arg13 : memref<!tpu.dma_semaphore, #tpu.memory_space<semaphore_mem>>) src(%dma_wait3A_379 : memref<1000000xf32, #tpu.memory_space<vmem_shared>>) dst(%dma_wait3A_374 : memref<128xf32, #tpu.memory_space<vmem>>)
      %dma_wait3A_380 = arith.constant 8 : i32
      %dma_wait3A_381 = arith.constant 8 : i32
      %dma_wait3A_382 = arith.constant 0 : i32
      %dma_wait3A_383 = tpu.memref_slice %arg8[%dma_wait3A_381, %dma_wait3A_382] : memref<25x128xf32, #tpu.memory_space<vmem>> -> memref<1x128xf32, #tpu.memory_space<vmem>>
      %dma_wait3A_384 = tpu.memref_squeeze %dma_wait3A_383 : memref<1x128xf32, #tpu.memory_space<vmem>> -> memref<128xf32, #tpu.memory_space<vmem>>
      %dma_wait3A_385 = arith.constant 0 : i32
      %dma_wait3A_386 = tpu.memref_slice %arg6[%dma_wait3A_380, %dma_wait3A_385] : memref<25x128xi32, #tpu.memory_space<vmem>> -> memref<1x128xi32, #tpu.memory_space<vmem>>
      %dma_wait3A_387 = tpu.memref_squeeze %dma_wait3A_386 : memref<1x128xi32, #tpu.memory_space<vmem>> -> memref<128xi32, #tpu.memory_space<vmem>>
      %dma_wait3A_388 = arith.constant 0 : i32
      %dma_wait3A_389 = tpu.memref_slice %arg5[%dma_wait3A_388] : memref<1000000xf32, #tpu.memory_space<vmem_shared>> -> memref<1000000xf32, #tpu.memory_space<vmem_shared>>
      tpu.wait_indirect_dma semaphore(%arg13 : memref<!tpu.dma_semaphore, #tpu.memory_space<semaphore_mem>>) src(%dma_wait3A_389 : memref<1000000xf32, #tpu.memory_space<vmem_shared>>) dst(%dma_wait3A_384 : memref<128xf32, #tpu.memory_space<vmem>>)
      %dma_wait3A_390 = arith.constant 9 : i32
      %dma_wait3A_391 = arith.constant 9 : i32
      %dma_wait3A_392 = arith.constant 0 : i32
      %dma_wait3A_393 = tpu.memref_slice %arg8[%dma_wait3A_391, %dma_wait3A_392] : memref<25x128xf32, #tpu.memory_space<vmem>> -> memref<1x128xf32, #tpu.memory_space<vmem>>
      %dma_wait3A_394 = tpu.memref_squeeze %dma_wait3A_393 : memref<1x128xf32, #tpu.memory_space<vmem>> -> memref<128xf32, #tpu.memory_space<vmem>>
      %dma_wait3A_395 = arith.constant 0 : i32
      %dma_wait3A_396 = tpu.memref_slice %arg6[%dma_wait3A_390, %dma_wait3A_395] : memref<25x128xi32, #tpu.memory_space<vmem>> -> memref<1x128xi32, #tpu.memory_space<vmem>>
      %dma_wait3A_397 = tpu.memref_squeeze %dma_wait3A_396 : memref<1x128xi32, #tpu.memory_space<vmem>> -> memref<128xi32, #tpu.memory_space<vmem>>
      %dma_wait3A_398 = arith.constant 0 : i32
      %dma_wait3A_399 = tpu.memref_slice %arg5[%dma_wait3A_398] : memref<1000000xf32, #tpu.memory_space<vmem_shared>> -> memref<1000000xf32, #tpu.memory_space<vmem_shared>>
      tpu.wait_indirect_dma semaphore(%arg13 : memref<!tpu.dma_semaphore, #tpu.memory_space<semaphore_mem>>) src(%dma_wait3A_399 : memref<1000000xf32, #tpu.memory_space<vmem_shared>>) dst(%dma_wait3A_394 : memref<128xf32, #tpu.memory_space<vmem>>)
      %dma_wait3A_400 = arith.constant 10 : i32
      %dma_wait3A_401 = arith.constant 10 : i32
      %dma_wait3A_402 = arith.constant 0 : i32
      %dma_wait3A_403 = tpu.memref_slice %arg8[%dma_wait3A_401, %dma_wait3A_402] : memref<25x128xf32, #tpu.memory_space<vmem>> -> memref<1x128xf32, #tpu.memory_space<vmem>>
      %dma_wait3A_404 = tpu.memref_squeeze %dma_wait3A_403 : memref<1x128xf32, #tpu.memory_space<vmem>> -> memref<128xf32, #tpu.memory_space<vmem>>
      %dma_wait3A_405 = arith.constant 0 : i32
      %dma_wait3A_406 = tpu.memref_slice %arg6[%dma_wait3A_400, %dma_wait3A_405] : memref<25x128xi32, #tpu.memory_space<vmem>> -> memref<1x128xi32, #tpu.memory_space<vmem>>
      %dma_wait3A_407 = tpu.memref_squeeze %dma_wait3A_406 : memref<1x128xi32, #tpu.memory_space<vmem>> -> memref<128xi32, #tpu.memory_space<vmem>>
      %dma_wait3A_408 = arith.constant 0 : i32
      %dma_wait3A_409 = tpu.memref_slice %arg5[%dma_wait3A_408] : memref<1000000xf32, #tpu.memory_space<vmem_shared>> -> memref<1000000xf32, #tpu.memory_space<vmem_shared>>
      tpu.wait_indirect_dma semaphore(%arg13 : memref<!tpu.dma_semaphore, #tpu.memory_space<semaphore_mem>>) src(%dma_wait3A_409 : memref<1000000xf32, #tpu.memory_space<vmem_shared>>) dst(%dma_wait3A_404 : memref<128xf32, #tpu.memory_space<vmem>>)
      %dma_wait3A_410 = arith.constant 11 : i32
      %dma_wait3A_411 = arith.constant 11 : i32
      %dma_wait3A_412 = arith.constant 0 : i32
      %dma_wait3A_413 = tpu.memref_slice %arg8[%dma_wait3A_411, %dma_wait3A_412] : memref<25x128xf32, #tpu.memory_space<vmem>> -> memref<1x128xf32, #tpu.memory_space<vmem>>
      %dma_wait3A_414 = tpu.memref_squeeze %dma_wait3A_413 : memref<1x128xf32, #tpu.memory_space<vmem>> -> memref<128xf32, #tpu.memory_space<vmem>>
      %dma_wait3A_415 = arith.constant 0 : i32
      %dma_wait3A_416 = tpu.memref_slice %arg6[%dma_wait3A_410, %dma_wait3A_415] : memref<25x128xi32, #tpu.memory_space<vmem>> -> memref<1x128xi32, #tpu.memory_space<vmem>>
      %dma_wait3A_417 = tpu.memref_squeeze %dma_wait3A_416 : memref<1x128xi32, #tpu.memory_space<vmem>> -> memref<128xi32, #tpu.memory_space<vmem>>
      %dma_wait3A_418 = arith.constant 0 : i32
      %dma_wait3A_419 = tpu.memref_slice %arg5[%dma_wait3A_418] : memref<1000000xf32, #tpu.memory_space<vmem_shared>> -> memref<1000000xf32, #tpu.memory_space<vmem_shared>>
      tpu.wait_indirect_dma semaphore(%arg13 : memref<!tpu.dma_semaphore, #tpu.memory_space<semaphore_mem>>) src(%dma_wait3A_419 : memref<1000000xf32, #tpu.memory_space<vmem_shared>>) dst(%dma_wait3A_414 : memref<128xf32, #tpu.memory_space<vmem>>)
      %dma_wait3A_420 = arith.constant 12 : i32
      %dma_wait3A_421 = arith.constant 12 : i32
      %dma_wait3A_422 = arith.constant 0 : i32
      %dma_wait3A_423 = tpu.memref_slice %arg8[%dma_wait3A_421, %dma_wait3A_422] : memref<25x128xf32, #tpu.memory_space<vmem>> -> memref<1x128xf32, #tpu.memory_space<vmem>>
      %dma_wait3A_424 = tpu.memref_squeeze %dma_wait3A_423 : memref<1x128xf32, #tpu.memory_space<vmem>> -> memref<128xf32, #tpu.memory_space<vmem>>
      %dma_wait3A_425 = arith.constant 0 : i32
      %dma_wait3A_426 = tpu.memref_slice %arg6[%dma_wait3A_420, %dma_wait3A_425] : memref<25x128xi32, #tpu.memory_space<vmem>> -> memref<1x128xi32, #tpu.memory_space<vmem>>
      %dma_wait3A_427 = tpu.memref_squeeze %dma_wait3A_426 : memref<1x128xi32, #tpu.memory_space<vmem>> -> memref<128xi32, #tpu.memory_space<vmem>>
      %dma_wait3A_428 = arith.constant 0 : i32
      %dma_wait3A_429 = tpu.memref_slice %arg5[%dma_wait3A_428] : memref<1000000xf32, #tpu.memory_space<vmem_shared>> -> memref<1000000xf32, #tpu.memory_space<vmem_shared>>
      tpu.wait_indirect_dma semaphore(%arg13 : memref<!tpu.dma_semaphore, #tpu.memory_space<semaphore_mem>>) src(%dma_wait3A_429 : memref<1000000xf32, #tpu.memory_space<vmem_shared>>) dst(%dma_wait3A_424 : memref<128xf32, #tpu.memory_space<vmem>>)
      %dma_wait3A_430 = arith.constant 13 : i32
      %dma_wait3A_431 = arith.constant 13 : i32
      %dma_wait3A_432 = arith.constant 0 : i32
      %dma_wait3A_433 = tpu.memref_slice %arg8[%dma_wait3A_431, %dma_wait3A_432] : memref<25x128xf32, #tpu.memory_space<vmem>> -> memref<1x128xf32, #tpu.memory_space<vmem>>
      %dma_wait3A_434 = tpu.memref_squeeze %dma_wait3A_433 : memref<1x128xf32, #tpu.memory_space<vmem>> -> memref<128xf32, #tpu.memory_space<vmem>>
      %dma_wait3A_435 = arith.constant 0 : i32
      %dma_wait3A_436 = tpu.memref_slice %arg6[%dma_wait3A_430, %dma_wait3A_435] : memref<25x128xi32, #tpu.memory_space<vmem>> -> memref<1x128xi32, #tpu.memory_space<vmem>>
      %dma_wait3A_437 = tpu.memref_squeeze %dma_wait3A_436 : memref<1x128xi32, #tpu.memory_space<vmem>> -> memref<128xi32, #tpu.memory_space<vmem>>
      %dma_wait3A_438 = arith.constant 0 : i32
      %dma_wait3A_439 = tpu.memref_slice %arg5[%dma_wait3A_438] : memref<1000000xf32, #tpu.memory_space<vmem_shared>> -> memref<1000000xf32, #tpu.memory_space<vmem_shared>>
      tpu.wait_indirect_dma semaphore(%arg13 : memref<!tpu.dma_semaphore, #tpu.memory_space<semaphore_mem>>) src(%dma_wait3A_439 : memref<1000000xf32, #tpu.memory_space<vmem_shared>>) dst(%dma_wait3A_434 : memref<128xf32, #tpu.memory_space<vmem>>)
      %dma_wait3A_440 = arith.constant 14 : i32
      %dma_wait3A_441 = arith.constant 14 : i32
      %dma_wait3A_442 = arith.constant 0 : i32
      %dma_wait3A_443 = tpu.memref_slice %arg8[%dma_wait3A_441, %dma_wait3A_442] : memref<25x128xf32, #tpu.memory_space<vmem>> -> memref<1x128xf32, #tpu.memory_space<vmem>>
      %dma_wait3A_444 = tpu.memref_squeeze %dma_wait3A_443 : memref<1x128xf32, #tpu.memory_space<vmem>> -> memref<128xf32, #tpu.memory_space<vmem>>
      %dma_wait3A_445 = arith.constant 0 : i32
      %dma_wait3A_446 = tpu.memref_slice %arg6[%dma_wait3A_440, %dma_wait3A_445] : memref<25x128xi32, #tpu.memory_space<vmem>> -> memref<1x128xi32, #tpu.memory_space<vmem>>
      %dma_wait3A_447 = tpu.memref_squeeze %dma_wait3A_446 : memref<1x128xi32, #tpu.memory_space<vmem>> -> memref<128xi32, #tpu.memory_space<vmem>>
      %dma_wait3A_448 = arith.constant 0 : i32
      %dma_wait3A_449 = tpu.memref_slice %arg5[%dma_wait3A_448] : memref<1000000xf32, #tpu.memory_space<vmem_shared>> -> memref<1000000xf32, #tpu.memory_space<vmem_shared>>
      tpu.wait_indirect_dma semaphore(%arg13 : memref<!tpu.dma_semaphore, #tpu.memory_space<semaphore_mem>>) src(%dma_wait3A_449 : memref<1000000xf32, #tpu.memory_space<vmem_shared>>) dst(%dma_wait3A_444 : memref<128xf32, #tpu.memory_space<vmem>>)
      %dma_wait3A_450 = arith.constant 15 : i32
      %dma_wait3A_451 = arith.constant 15 : i32
      %dma_wait3A_452 = arith.constant 0 : i32
      %dma_wait3A_453 = tpu.memref_slice %arg8[%dma_wait3A_451, %dma_wait3A_452] : memref<25x128xf32, #tpu.memory_space<vmem>> -> memref<1x128xf32, #tpu.memory_space<vmem>>
      %dma_wait3A_454 = tpu.memref_squeeze %dma_wait3A_453 : memref<1x128xf32, #tpu.memory_space<vmem>> -> memref<128xf32, #tpu.memory_space<vmem>>
      %dma_wait3A_455 = arith.constant 0 : i32
      %dma_wait3A_456 = tpu.memref_slice %arg6[%dma_wait3A_450, %dma_wait3A_455] : memref<25x128xi32, #tpu.memory_space<vmem>> -> memref<1x128xi32, #tpu.memory_space<vmem>>
      %dma_wait3A_457 = tpu.memref_squeeze %dma_wait3A_456 : memref<1x128xi32, #tpu.memory_space<vmem>> -> memref<128xi32, #tpu.memory_space<vmem>>
      %dma_wait3A_458 = arith.constant 0 : i32
      %dma_wait3A_459 = tpu.memref_slice %arg5[%dma_wait3A_458] : memref<1000000xf32, #tpu.memory_space<vmem_shared>> -> memref<1000000xf32, #tpu.memory_space<vmem_shared>>
      tpu.wait_indirect_dma semaphore(%arg13 : memref<!tpu.dma_semaphore, #tpu.memory_space<semaphore_mem>>) src(%dma_wait3A_459 : memref<1000000xf32, #tpu.memory_space<vmem_shared>>) dst(%dma_wait3A_454 : memref<128xf32, #tpu.memory_space<vmem>>)
      %dma_wait3A_460 = arith.constant 16 : i32
      %dma_wait3A_461 = arith.constant 16 : i32
      %dma_wait3A_462 = arith.constant 0 : i32
      %dma_wait3A_463 = tpu.memref_slice %arg8[%dma_wait3A_461, %dma_wait3A_462] : memref<25x128xf32, #tpu.memory_space<vmem>> -> memref<1x128xf32, #tpu.memory_space<vmem>>
      %dma_wait3A_464 = tpu.memref_squeeze %dma_wait3A_463 : memref<1x128xf32, #tpu.memory_space<vmem>> -> memref<128xf32, #tpu.memory_space<vmem>>
      %dma_wait3A_465 = arith.constant 0 : i32
      %dma_wait3A_466 = tpu.memref_slice %arg6[%dma_wait3A_460, %dma_wait3A_465] : memref<25x128xi32, #tpu.memory_space<vmem>> -> memref<1x128xi32, #tpu.memory_space<vmem>>
      %dma_wait3A_467 = tpu.memref_squeeze %dma_wait3A_466 : memref<1x128xi32, #tpu.memory_space<vmem>> -> memref<128xi32, #tpu.memory_space<vmem>>
      %dma_wait3A_468 = arith.constant 0 : i32
      %dma_wait3A_469 = tpu.memref_slice %arg5[%dma_wait3A_468] : memref<1000000xf32, #tpu.memory_space<vmem_shared>> -> memref<1000000xf32, #tpu.memory_space<vmem_shared>>
      tpu.wait_indirect_dma semaphore(%arg13 : memref<!tpu.dma_semaphore, #tpu.memory_space<semaphore_mem>>) src(%dma_wait3A_469 : memref<1000000xf32, #tpu.memory_space<vmem_shared>>) dst(%dma_wait3A_464 : memref<128xf32, #tpu.memory_space<vmem>>)
      %dma_wait3A_470 = arith.constant 17 : i32
      %dma_wait3A_471 = arith.constant 17 : i32
      %dma_wait3A_472 = arith.constant 0 : i32
      %dma_wait3A_473 = tpu.memref_slice %arg8[%dma_wait3A_471, %dma_wait3A_472] : memref<25x128xf32, #tpu.memory_space<vmem>> -> memref<1x128xf32, #tpu.memory_space<vmem>>
      %dma_wait3A_474 = tpu.memref_squeeze %dma_wait3A_473 : memref<1x128xf32, #tpu.memory_space<vmem>> -> memref<128xf32, #tpu.memory_space<vmem>>
      %dma_wait3A_475 = arith.constant 0 : i32
      %dma_wait3A_476 = tpu.memref_slice %arg6[%dma_wait3A_470, %dma_wait3A_475] : memref<25x128xi32, #tpu.memory_space<vmem>> -> memref<1x128xi32, #tpu.memory_space<vmem>>
      %dma_wait3A_477 = tpu.memref_squeeze %dma_wait3A_476 : memref<1x128xi32, #tpu.memory_space<vmem>> -> memref<128xi32, #tpu.memory_space<vmem>>
      %dma_wait3A_478 = arith.constant 0 : i32
      %dma_wait3A_479 = tpu.memref_slice %arg5[%dma_wait3A_478] : memref<1000000xf32, #tpu.memory_space<vmem_shared>> -> memref<1000000xf32, #tpu.memory_space<vmem_shared>>
      tpu.wait_indirect_dma semaphore(%arg13 : memref<!tpu.dma_semaphore, #tpu.memory_space<semaphore_mem>>) src(%dma_wait3A_479 : memref<1000000xf32, #tpu.memory_space<vmem_shared>>) dst(%dma_wait3A_474 : memref<128xf32, #tpu.memory_space<vmem>>)
      %dma_wait3A_480 = arith.constant 18 : i32
      %dma_wait3A_481 = arith.constant 18 : i32
      %dma_wait3A_482 = arith.constant 0 : i32
      %dma_wait3A_483 = tpu.memref_slice %arg8[%dma_wait3A_481, %dma_wait3A_482] : memref<25x128xf32, #tpu.memory_space<vmem>> -> memref<1x128xf32, #tpu.memory_space<vmem>>
      %dma_wait3A_484 = tpu.memref_squeeze %dma_wait3A_483 : memref<1x128xf32, #tpu.memory_space<vmem>> -> memref<128xf32, #tpu.memory_space<vmem>>
      %dma_wait3A_485 = arith.constant 0 : i32
      %dma_wait3A_486 = tpu.memref_slice %arg6[%dma_wait3A_480, %dma_wait3A_485] : memref<25x128xi32, #tpu.memory_space<vmem>> -> memref<1x128xi32, #tpu.memory_space<vmem>>
      %dma_wait3A_487 = tpu.memref_squeeze %dma_wait3A_486 : memref<1x128xi32, #tpu.memory_space<vmem>> -> memref<128xi32, #tpu.memory_space<vmem>>
      %dma_wait3A_488 = arith.constant 0 : i32
      %dma_wait3A_489 = tpu.memref_slice %arg5[%dma_wait3A_488] : memref<1000000xf32, #tpu.memory_space<vmem_shared>> -> memref<1000000xf32, #tpu.memory_space<vmem_shared>>
      tpu.wait_indirect_dma semaphore(%arg13 : memref<!tpu.dma_semaphore, #tpu.memory_space<semaphore_mem>>) src(%dma_wait3A_489 : memref<1000000xf32, #tpu.memory_space<vmem_shared>>) dst(%dma_wait3A_484 : memref<128xf32, #tpu.memory_space<vmem>>)
      %dma_wait3A_490 = arith.constant 19 : i32
      %dma_wait3A_491 = arith.constant 19 : i32
      %dma_wait3A_492 = arith.constant 0 : i32
      %dma_wait3A_493 = tpu.memref_slice %arg8[%dma_wait3A_491, %dma_wait3A_492] : memref<25x128xf32, #tpu.memory_space<vmem>> -> memref<1x128xf32, #tpu.memory_space<vmem>>
      %dma_wait3A_494 = tpu.memref_squeeze %dma_wait3A_493 : memref<1x128xf32, #tpu.memory_space<vmem>> -> memref<128xf32, #tpu.memory_space<vmem>>
      %dma_wait3A_495 = arith.constant 0 : i32
      %dma_wait3A_496 = tpu.memref_slice %arg6[%dma_wait3A_490, %dma_wait3A_495] : memref<25x128xi32, #tpu.memory_space<vmem>> -> memref<1x128xi32, #tpu.memory_space<vmem>>
      %dma_wait3A_497 = tpu.memref_squeeze %dma_wait3A_496 : memref<1x128xi32, #tpu.memory_space<vmem>> -> memref<128xi32, #tpu.memory_space<vmem>>
      %dma_wait3A_498 = arith.constant 0 : i32
      %dma_wait3A_499 = tpu.memref_slice %arg5[%dma_wait3A_498] : memref<1000000xf32, #tpu.memory_space<vmem_shared>> -> memref<1000000xf32, #tpu.memory_space<vmem_shared>>
      tpu.wait_indirect_dma semaphore(%arg13 : memref<!tpu.dma_semaphore, #tpu.memory_space<semaphore_mem>>) src(%dma_wait3A_499 : memref<1000000xf32, #tpu.memory_space<vmem_shared>>) dst(%dma_wait3A_494 : memref<128xf32, #tpu.memory_space<vmem>>)
      %dma_wait3A_500 = arith.constant 20 : i32
      %dma_wait3A_501 = arith.constant 20 : i32
      %dma_wait3A_502 = arith.constant 0 : i32
      %dma_wait3A_503 = tpu.memref_slice %arg8[%dma_wait3A_501, %dma_wait3A_502] : memref<25x128xf32, #tpu.memory_space<vmem>> -> memref<1x128xf32, #tpu.memory_space<vmem>>
      %dma_wait3A_504 = tpu.memref_squeeze %dma_wait3A_503 : memref<1x128xf32, #tpu.memory_space<vmem>> -> memref<128xf32, #tpu.memory_space<vmem>>
      %dma_wait3A_505 = arith.constant 0 : i32
      %dma_wait3A_506 = tpu.memref_slice %arg6[%dma_wait3A_500, %dma_wait3A_505] : memref<25x128xi32, #tpu.memory_space<vmem>> -> memref<1x128xi32, #tpu.memory_space<vmem>>
      %dma_wait3A_507 = tpu.memref_squeeze %dma_wait3A_506 : memref<1x128xi32, #tpu.memory_space<vmem>> -> memref<128xi32, #tpu.memory_space<vmem>>
      %dma_wait3A_508 = arith.constant 0 : i32
      %dma_wait3A_509 = tpu.memref_slice %arg5[%dma_wait3A_508] : memref<1000000xf32, #tpu.memory_space<vmem_shared>> -> memref<1000000xf32, #tpu.memory_space<vmem_shared>>
      tpu.wait_indirect_dma semaphore(%arg13 : memref<!tpu.dma_semaphore, #tpu.memory_space<semaphore_mem>>) src(%dma_wait3A_509 : memref<1000000xf32, #tpu.memory_space<vmem_shared>>) dst(%dma_wait3A_504 : memref<128xf32, #tpu.memory_space<vmem>>)
      %dma_wait3A_510 = arith.constant 21 : i32
      %dma_wait3A_511 = arith.constant 21 : i32
      %dma_wait3A_512 = arith.constant 0 : i32
      %dma_wait3A_513 = tpu.memref_slice %arg8[%dma_wait3A_511, %dma_wait3A_512] : memref<25x128xf32, #tpu.memory_space<vmem>> -> memref<1x128xf32, #tpu.memory_space<vmem>>
      %dma_wait3A_514 = tpu.memref_squeeze %dma_wait3A_513 : memref<1x128xf32, #tpu.memory_space<vmem>> -> memref<128xf32, #tpu.memory_space<vmem>>
      %dma_wait3A_515 = arith.constant 0 : i32
      %dma_wait3A_516 = tpu.memref_slice %arg6[%dma_wait3A_510, %dma_wait3A_515] : memref<25x128xi32, #tpu.memory_space<vmem>> -> memref<1x128xi32, #tpu.memory_space<vmem>>
      %dma_wait3A_517 = tpu.memref_squeeze %dma_wait3A_516 : memref<1x128xi32, #tpu.memory_space<vmem>> -> memref<128xi32, #tpu.memory_space<vmem>>
      %dma_wait3A_518 = arith.constant 0 : i32
      %dma_wait3A_519 = tpu.memref_slice %arg5[%dma_wait3A_518] : memref<1000000xf32, #tpu.memory_space<vmem_shared>> -> memref<1000000xf32, #tpu.memory_space<vmem_shared>>
      tpu.wait_indirect_dma semaphore(%arg13 : memref<!tpu.dma_semaphore, #tpu.memory_space<semaphore_mem>>) src(%dma_wait3A_519 : memref<1000000xf32, #tpu.memory_space<vmem_shared>>) dst(%dma_wait3A_514 : memref<128xf32, #tpu.memory_space<vmem>>)
      %dma_wait3A_520 = arith.constant 22 : i32
      %dma_wait3A_521 = arith.constant 22 : i32
      %dma_wait3A_522 = arith.constant 0 : i32
      %dma_wait3A_523 = tpu.memref_slice %arg8[%dma_wait3A_521, %dma_wait3A_522] : memref<25x128xf32, #tpu.memory_space<vmem>> -> memref<1x128xf32, #tpu.memory_space<vmem>>
      %dma_wait3A_524 = tpu.memref_squeeze %dma_wait3A_523 : memref<1x128xf32, #tpu.memory_space<vmem>> -> memref<128xf32, #tpu.memory_space<vmem>>
      %dma_wait3A_525 = arith.constant 0 : i32
      %dma_wait3A_526 = tpu.memref_slice %arg6[%dma_wait3A_520, %dma_wait3A_525] : memref<25x128xi32, #tpu.memory_space<vmem>> -> memref<1x128xi32, #tpu.memory_space<vmem>>
      %dma_wait3A_527 = tpu.memref_squeeze %dma_wait3A_526 : memref<1x128xi32, #tpu.memory_space<vmem>> -> memref<128xi32, #tpu.memory_space<vmem>>
      %dma_wait3A_528 = arith.constant 0 : i32
      %dma_wait3A_529 = tpu.memref_slice %arg5[%dma_wait3A_528] : memref<1000000xf32, #tpu.memory_space<vmem_shared>> -> memref<1000000xf32, #tpu.memory_space<vmem_shared>>
      tpu.wait_indirect_dma semaphore(%arg13 : memref<!tpu.dma_semaphore, #tpu.memory_space<semaphore_mem>>) src(%dma_wait3A_529 : memref<1000000xf32, #tpu.memory_space<vmem_shared>>) dst(%dma_wait3A_524 : memref<128xf32, #tpu.memory_space<vmem>>)
      %dma_wait3A_530 = arith.constant 23 : i32
      %dma_wait3A_531 = arith.constant 23 : i32
      %dma_wait3A_532 = arith.constant 0 : i32
      %dma_wait3A_533 = tpu.memref_slice %arg8[%dma_wait3A_531, %dma_wait3A_532] : memref<25x128xf32, #tpu.memory_space<vmem>> -> memref<1x128xf32, #tpu.memory_space<vmem>>
      %dma_wait3A_534 = tpu.memref_squeeze %dma_wait3A_533 : memref<1x128xf32, #tpu.memory_space<vmem>> -> memref<128xf32, #tpu.memory_space<vmem>>
      %dma_wait3A_535 = arith.constant 0 : i32
      %dma_wait3A_536 = tpu.memref_slice %arg6[%dma_wait3A_530, %dma_wait3A_535] : memref<25x128xi32, #tpu.memory_space<vmem>> -> memref<1x128xi32, #tpu.memory_space<vmem>>
      %dma_wait3A_537 = tpu.memref_squeeze %dma_wait3A_536 : memref<1x128xi32, #tpu.memory_space<vmem>> -> memref<128xi32, #tpu.memory_space<vmem>>
      %dma_wait3A_538 = arith.constant 0 : i32
      %dma_wait3A_539 = tpu.memref_slice %arg5[%dma_wait3A_538] : memref<1000000xf32, #tpu.memory_space<vmem_shared>> -> memref<1000000xf32, #tpu.memory_space<vmem_shared>>
      tpu.wait_indirect_dma semaphore(%arg13 : memref<!tpu.dma_semaphore, #tpu.memory_space<semaphore_mem>>) src(%dma_wait3A_539 : memref<1000000xf32, #tpu.memory_space<vmem_shared>>) dst(%dma_wait3A_534 : memref<128xf32, #tpu.memory_space<vmem>>)
      %dma_wait3A_540 = arith.constant 24 : i32
      %dma_wait3A_541 = arith.constant 24 : i32
      %dma_wait3A_542 = arith.constant 0 : i32
      %dma_wait3A_543 = tpu.memref_slice %arg8[%dma_wait3A_541, %dma_wait3A_542] : memref<25x128xf32, #tpu.memory_space<vmem>> -> memref<1x128xf32, #tpu.memory_space<vmem>>
      %dma_wait3A_544 = tpu.memref_squeeze %dma_wait3A_543 : memref<1x128xf32, #tpu.memory_space<vmem>> -> memref<128xf32, #tpu.memory_space<vmem>>
      %dma_wait3A_545 = arith.constant 0 : i32
      %dma_wait3A_546 = tpu.memref_slice %arg6[%dma_wait3A_540, %dma_wait3A_545] : memref<25x128xi32, #tpu.memory_space<vmem>> -> memref<1x128xi32, #tpu.memory_space<vmem>>
      %dma_wait3A_547 = tpu.memref_squeeze %dma_wait3A_546 : memref<1x128xi32, #tpu.memory_space<vmem>> -> memref<128xi32, #tpu.memory_space<vmem>>
      %dma_wait3A_548 = arith.constant 0 : i32
      %dma_wait3A_549 = tpu.memref_slice %arg5[%dma_wait3A_548] : memref<1000000xf32, #tpu.memory_space<vmem_shared>> -> memref<1000000xf32, #tpu.memory_space<vmem_shared>>
      tpu.wait_indirect_dma semaphore(%arg13 : memref<!tpu.dma_semaphore, #tpu.memory_space<semaphore_mem>>) src(%dma_wait3A_549 : memref<1000000xf32, #tpu.memory_space<vmem_shared>>) dst(%dma_wait3A_544 : memref<128xf32, #tpu.memory_space<vmem>>)
      %add3A_550 = arith.constant 2 : i32
      %add3A_551 = arith.addi %mul3A_38, %add3A_550 : i32
      %le3A = arith.constant 31 : i32
      %le3A_552 = arith.cmpi sle, %add3A_551, %le3A : i32
      %convert_element_type3A_553 = arith.extui %le3A_552 : i1 to i32
      %cond3A_554 = arith.constant 0 : i32
      %cond3A_555 = arith.cmpi ne, %convert_element_type3A_553, %cond3A_554 : i32
      scf.if %cond3A_555 {
        %add3A_1093 = arith.constant 2 : i32
        %add3A_1094 = arith.addi %mul3A_38, %add3A_1093 : i32
        %mul3A_1095 = arith.constant 25 : i32
        %mul3A_1096 = arith.muli %add3A_1094, %mul3A_1095 : i32
        %add3A_1097 = arith.addi %mul3A_2, %mul3A_1096 : i32
        %dma_start3A_1098 = arith.constant 0 : i32
        %dma_start3A_1099 = tpu.memref_slice %arg2[%add3A_1097, %dma_start3A_1098] : memref<25600x128xi32, #tpu.memory_space<hbm>> -> memref<25x128xi32, #tpu.memory_space<hbm>>
        %dma_start3A_1100 = arith.constant 0 : i32
        %dma_start3A_1101 = tpu.memref_slice %arg2[%add3A_1097, %dma_start3A_1100] : memref<25600x128xi32, #tpu.memory_space<hbm>> -> memref<25x128xi32, #tpu.memory_space<hbm>>
        tpu.enqueue_dma source(%dma_start3A_1101 : memref<25x128xi32, #tpu.memory_space<hbm>>) target(%arg6 : memref<25x128xi32, #tpu.memory_space<vmem>>) target_semaphore(%arg11 : memref<!tpu.dma_semaphore, #tpu.memory_space<semaphore_mem>>)
      } else {
      }
      %mul3A_556 = arith.constant 25 : i32
      %mul3A_557 = arith.muli %mul3A_38, %mul3A_556 : i32
      %add3A_558 = arith.addi %mul3A_2, %mul3A_557 : i32
      %dma_start3A_559 = arith.constant 0 : i32
      %dma_start3A_560 = tpu.memref_slice %arg4[%add3A_558, %dma_start3A_559] : memref<25600x128xf32, #tpu.memory_space<hbm>> -> memref<25x128xf32, #tpu.memory_space<hbm>>
      %dma_start3A_561 = arith.constant 0 : i32
      %dma_start3A_562 = tpu.memref_slice %arg4[%add3A_558, %dma_start3A_561] : memref<25600x128xf32, #tpu.memory_space<hbm>> -> memref<25x128xf32, #tpu.memory_space<hbm>>
      tpu.enqueue_dma source(%arg8 : memref<25x128xf32, #tpu.memory_space<vmem>>) target(%dma_start3A_562 : memref<25x128xf32, #tpu.memory_space<hbm>>) target_semaphore(%arg15 : memref<!tpu.dma_semaphore, #tpu.memory_space<semaphore_mem>>)
      %mul3A_563 = arith.constant 2 : i32
      %mul3A_564 = arith.muli %mul3A_563, %scan3A_36 : i32
      %add3A_565 = arith.constant 1 : i32
      %add3A_566 = arith.addi %mul3A_564, %add3A_565 : i32
      %mul3A_567 = arith.constant 25 : i32
      %mul3A_568 = arith.muli %add3A_566, %mul3A_567 : i32
      %add3A_569 = arith.addi %mul3A_2, %mul3A_568 : i32
      %dma_wait3A_570 = arith.constant 0 : i32
      %dma_wait3A_571 = tpu.memref_slice %arg2[%add3A_569, %dma_wait3A_570] : memref<25600x128xi32, #tpu.memory_space<hbm>> -> memref<25x128xi32, #tpu.memory_space<hbm>>
      %dma_wait3A_572 = arith.constant 0 : i32
      %dma_wait3A_573 = tpu.memref_slice %arg2[%add3A_569, %dma_wait3A_572] : memref<25600x128xi32, #tpu.memory_space<hbm>> -> memref<25x128xi32, #tpu.memory_space<hbm>>
      tpu.wait_dma2 semaphore(%arg12 : memref<!tpu.dma_semaphore, #tpu.memory_space<semaphore_mem>>) src(%dma_wait3A_573 : memref<25x128xi32, #tpu.memory_space<hbm>>) dst(%arg7 : memref<25x128xi32, #tpu.memory_space<vmem>>)
      %ge3A_574 = arith.constant 2 : i32
      %ge3A_575 = arith.cmpi sge, %add3A_566, %ge3A_574 : i32
      %convert_element_type3A_576 = arith.extui %ge3A_575 : i1 to i32
      %cond3A_577 = arith.constant 0 : i32
      %cond3A_578 = arith.cmpi ne, %convert_element_type3A_576, %cond3A_577 : i32
      scf.if %cond3A_578 {
        %sub3A = arith.constant 2 : i32
        %sub3A_1093 = arith.subi %add3A_566, %sub3A : i32
        %mul3A_1094 = arith.constant 25 : i32
        %mul3A_1095 = arith.muli %sub3A_1093, %mul3A_1094 : i32
        %add3A_1096 = arith.addi %mul3A_2, %mul3A_1095 : i32
        %dma_wait3A_1097 = arith.constant 0 : i32
        %dma_wait3A_1098 = tpu.memref_slice %arg4[%add3A_1096, %dma_wait3A_1097] : memref<25600x128xf32, #tpu.memory_space<hbm>> -> memref<25x128xf32, #tpu.memory_space<hbm>>
        %dma_wait3A_1099 = arith.constant 0 : i32
        %dma_wait3A_1100 = tpu.memref_slice %arg4[%add3A_1096, %dma_wait3A_1099] : memref<25600x128xf32, #tpu.memory_space<hbm>> -> memref<25x128xf32, #tpu.memory_space<hbm>>
        tpu.wait_dma2 semaphore(%arg16 : memref<!tpu.dma_semaphore, #tpu.memory_space<semaphore_mem>>) src(%arg9 : memref<25x128xf32, #tpu.memory_space<vmem>>) dst(%dma_wait3A_1100 : memref<25x128xf32, #tpu.memory_space<hbm>>)
      } else {
      }
      %dma_start3A_579 = arith.constant 0 : i32
      %dma_start3A_580 = arith.constant 0 : i32
      %dma_start3A_581 = arith.constant 0 : i32
      %dma_start3A_582 = tpu.memref_slice %arg9[%dma_start3A_580, %dma_start3A_581] : memref<25x128xf32, #tpu.memory_space<vmem>> -> memref<1x128xf32, #tpu.memory_space<vmem>>
      %dma_start3A_583 = tpu.memref_squeeze %dma_start3A_582 : memref<1x128xf32, #tpu.memory_space<vmem>> -> memref<128xf32, #tpu.memory_space<vmem>>
      %dma_start3A_584 = arith.constant 0 : i32
      %dma_start3A_585 = tpu.memref_slice %arg7[%dma_start3A_579, %dma_start3A_584] : memref<25x128xi32, #tpu.memory_space<vmem>> -> memref<1x128xi32, #tpu.memory_space<vmem>>
      %dma_start3A_586 = tpu.memref_squeeze %dma_start3A_585 : memref<1x128xi32, #tpu.memory_space<vmem>> -> memref<128xi32, #tpu.memory_space<vmem>>
      %dma_start3A_587 = arith.constant 0 : i32
      %dma_start3A_588 = tpu.memref_slice %arg5[%dma_start3A_587] : memref<1000000xf32, #tpu.memory_space<vmem_shared>> -> memref<1000000xf32, #tpu.memory_space<vmem_shared>>
      tpu.enqueue_indirect_dma source(%dma_start3A_588 : memref<1000000xf32, #tpu.memory_space<vmem_shared>>) target(%dma_start3A_583 : memref<128xf32, #tpu.memory_space<vmem>>) offsets(%dma_start3A_586 : memref<128xi32, #tpu.memory_space<vmem>>) semaphore(%arg14 : memref<!tpu.dma_semaphore, #tpu.memory_space<semaphore_mem>>)
      %dma_start3A_589 = arith.constant 1 : i32
      %dma_start3A_590 = arith.constant 1 : i32
      %dma_start3A_591 = arith.constant 0 : i32
      %dma_start3A_592 = tpu.memref_slice %arg9[%dma_start3A_590, %dma_start3A_591] : memref<25x128xf32, #tpu.memory_space<vmem>> -> memref<1x128xf32, #tpu.memory_space<vmem>>
      %dma_start3A_593 = tpu.memref_squeeze %dma_start3A_592 : memref<1x128xf32, #tpu.memory_space<vmem>> -> memref<128xf32, #tpu.memory_space<vmem>>
      %dma_start3A_594 = arith.constant 0 : i32
      %dma_start3A_595 = tpu.memref_slice %arg7[%dma_start3A_589, %dma_start3A_594] : memref<25x128xi32, #tpu.memory_space<vmem>> -> memref<1x128xi32, #tpu.memory_space<vmem>>
      %dma_start3A_596 = tpu.memref_squeeze %dma_start3A_595 : memref<1x128xi32, #tpu.memory_space<vmem>> -> memref<128xi32, #tpu.memory_space<vmem>>
      %dma_start3A_597 = arith.constant 0 : i32
      %dma_start3A_598 = tpu.memref_slice %arg5[%dma_start3A_597] : memref<1000000xf32, #tpu.memory_space<vmem_shared>> -> memref<1000000xf32, #tpu.memory_space<vmem_shared>>
      tpu.enqueue_indirect_dma source(%dma_start3A_598 : memref<1000000xf32, #tpu.memory_space<vmem_shared>>) target(%dma_start3A_593 : memref<128xf32, #tpu.memory_space<vmem>>) offsets(%dma_start3A_596 : memref<128xi32, #tpu.memory_space<vmem>>) semaphore(%arg14 : memref<!tpu.dma_semaphore, #tpu.memory_space<semaphore_mem>>)
      %dma_start3A_599 = arith.constant 2 : i32
      %dma_start3A_600 = arith.constant 2 : i32
      %dma_start3A_601 = arith.constant 0 : i32
      %dma_start3A_602 = tpu.memref_slice %arg9[%dma_start3A_600, %dma_start3A_601] : memref<25x128xf32, #tpu.memory_space<vmem>> -> memref<1x128xf32, #tpu.memory_space<vmem>>
      %dma_start3A_603 = tpu.memref_squeeze %dma_start3A_602 : memref<1x128xf32, #tpu.memory_space<vmem>> -> memref<128xf32, #tpu.memory_space<vmem>>
      %dma_start3A_604 = arith.constant 0 : i32
      %dma_start3A_605 = tpu.memref_slice %arg7[%dma_start3A_599, %dma_start3A_604] : memref<25x128xi32, #tpu.memory_space<vmem>> -> memref<1x128xi32, #tpu.memory_space<vmem>>
      %dma_start3A_606 = tpu.memref_squeeze %dma_start3A_605 : memref<1x128xi32, #tpu.memory_space<vmem>> -> memref<128xi32, #tpu.memory_space<vmem>>
      %dma_start3A_607 = arith.constant 0 : i32
      %dma_start3A_608 = tpu.memref_slice %arg5[%dma_start3A_607] : memref<1000000xf32, #tpu.memory_space<vmem_shared>> -> memref<1000000xf32, #tpu.memory_space<vmem_shared>>
      tpu.enqueue_indirect_dma source(%dma_start3A_608 : memref<1000000xf32, #tpu.memory_space<vmem_shared>>) target(%dma_start3A_603 : memref<128xf32, #tpu.memory_space<vmem>>) offsets(%dma_start3A_606 : memref<128xi32, #tpu.memory_space<vmem>>) semaphore(%arg14 : memref<!tpu.dma_semaphore, #tpu.memory_space<semaphore_mem>>)
      %dma_start3A_609 = arith.constant 3 : i32
      %dma_start3A_610 = arith.constant 3 : i32
      %dma_start3A_611 = arith.constant 0 : i32
      %dma_start3A_612 = tpu.memref_slice %arg9[%dma_start3A_610, %dma_start3A_611] : memref<25x128xf32, #tpu.memory_space<vmem>> -> memref<1x128xf32, #tpu.memory_space<vmem>>
      %dma_start3A_613 = tpu.memref_squeeze %dma_start3A_612 : memref<1x128xf32, #tpu.memory_space<vmem>> -> memref<128xf32, #tpu.memory_space<vmem>>
      %dma_start3A_614 = arith.constant 0 : i32
      %dma_start3A_615 = tpu.memref_slice %arg7[%dma_start3A_609, %dma_start3A_614] : memref<25x128xi32, #tpu.memory_space<vmem>> -> memref<1x128xi32, #tpu.memory_space<vmem>>
      %dma_start3A_616 = tpu.memref_squeeze %dma_start3A_615 : memref<1x128xi32, #tpu.memory_space<vmem>> -> memref<128xi32, #tpu.memory_space<vmem>>
      %dma_start3A_617 = arith.constant 0 : i32
      %dma_start3A_618 = tpu.memref_slice %arg5[%dma_start3A_617] : memref<1000000xf32, #tpu.memory_space<vmem_shared>> -> memref<1000000xf32, #tpu.memory_space<vmem_shared>>
      tpu.enqueue_indirect_dma source(%dma_start3A_618 : memref<1000000xf32, #tpu.memory_space<vmem_shared>>) target(%dma_start3A_613 : memref<128xf32, #tpu.memory_space<vmem>>) offsets(%dma_start3A_616 : memref<128xi32, #tpu.memory_space<vmem>>) semaphore(%arg14 : memref<!tpu.dma_semaphore, #tpu.memory_space<semaphore_mem>>)
      %dma_start3A_619 = arith.constant 4 : i32
      %dma_start3A_620 = arith.constant 4 : i32
      %dma_start3A_621 = arith.constant 0 : i32
      %dma_start3A_622 = tpu.memref_slice %arg9[%dma_start3A_620, %dma_start3A_621] : memref<25x128xf32, #tpu.memory_space<vmem>> -> memref<1x128xf32, #tpu.memory_space<vmem>>
      %dma_start3A_623 = tpu.memref_squeeze %dma_start3A_622 : memref<1x128xf32, #tpu.memory_space<vmem>> -> memref<128xf32, #tpu.memory_space<vmem>>
      %dma_start3A_624 = arith.constant 0 : i32
      %dma_start3A_625 = tpu.memref_slice %arg7[%dma_start3A_619, %dma_start3A_624] : memref<25x128xi32, #tpu.memory_space<vmem>> -> memref<1x128xi32, #tpu.memory_space<vmem>>
      %dma_start3A_626 = tpu.memref_squeeze %dma_start3A_625 : memref<1x128xi32, #tpu.memory_space<vmem>> -> memref<128xi32, #tpu.memory_space<vmem>>
      %dma_start3A_627 = arith.constant 0 : i32
      %dma_start3A_628 = tpu.memref_slice %arg5[%dma_start3A_627] : memref<1000000xf32, #tpu.memory_space<vmem_shared>> -> memref<1000000xf32, #tpu.memory_space<vmem_shared>>
      tpu.enqueue_indirect_dma source(%dma_start3A_628 : memref<1000000xf32, #tpu.memory_space<vmem_shared>>) target(%dma_start3A_623 : memref<128xf32, #tpu.memory_space<vmem>>) offsets(%dma_start3A_626 : memref<128xi32, #tpu.memory_space<vmem>>) semaphore(%arg14 : memref<!tpu.dma_semaphore, #tpu.memory_space<semaphore_mem>>)
      %dma_start3A_629 = arith.constant 5 : i32
      %dma_start3A_630 = arith.constant 5 : i32
      %dma_start3A_631 = arith.constant 0 : i32
      %dma_start3A_632 = tpu.memref_slice %arg9[%dma_start3A_630, %dma_start3A_631] : memref<25x128xf32, #tpu.memory_space<vmem>> -> memref<1x128xf32, #tpu.memory_space<vmem>>
      %dma_start3A_633 = tpu.memref_squeeze %dma_start3A_632 : memref<1x128xf32, #tpu.memory_space<vmem>> -> memref<128xf32, #tpu.memory_space<vmem>>
      %dma_start3A_634 = arith.constant 0 : i32
      %dma_start3A_635 = tpu.memref_slice %arg7[%dma_start3A_629, %dma_start3A_634] : memref<25x128xi32, #tpu.memory_space<vmem>> -> memref<1x128xi32, #tpu.memory_space<vmem>>
      %dma_start3A_636 = tpu.memref_squeeze %dma_start3A_635 : memref<1x128xi32, #tpu.memory_space<vmem>> -> memref<128xi32, #tpu.memory_space<vmem>>
      %dma_start3A_637 = arith.constant 0 : i32
      %dma_start3A_638 = tpu.memref_slice %arg5[%dma_start3A_637] : memref<1000000xf32, #tpu.memory_space<vmem_shared>> -> memref<1000000xf32, #tpu.memory_space<vmem_shared>>
      tpu.enqueue_indirect_dma source(%dma_start3A_638 : memref<1000000xf32, #tpu.memory_space<vmem_shared>>) target(%dma_start3A_633 : memref<128xf32, #tpu.memory_space<vmem>>) offsets(%dma_start3A_636 : memref<128xi32, #tpu.memory_space<vmem>>) semaphore(%arg14 : memref<!tpu.dma_semaphore, #tpu.memory_space<semaphore_mem>>)
      %dma_start3A_639 = arith.constant 6 : i32
      %dma_start3A_640 = arith.constant 6 : i32
      %dma_start3A_641 = arith.constant 0 : i32
      %dma_start3A_642 = tpu.memref_slice %arg9[%dma_start3A_640, %dma_start3A_641] : memref<25x128xf32, #tpu.memory_space<vmem>> -> memref<1x128xf32, #tpu.memory_space<vmem>>
      %dma_start3A_643 = tpu.memref_squeeze %dma_start3A_642 : memref<1x128xf32, #tpu.memory_space<vmem>> -> memref<128xf32, #tpu.memory_space<vmem>>
      %dma_start3A_644 = arith.constant 0 : i32
      %dma_start3A_645 = tpu.memref_slice %arg7[%dma_start3A_639, %dma_start3A_644] : memref<25x128xi32, #tpu.memory_space<vmem>> -> memref<1x128xi32, #tpu.memory_space<vmem>>
      %dma_start3A_646 = tpu.memref_squeeze %dma_start3A_645 : memref<1x128xi32, #tpu.memory_space<vmem>> -> memref<128xi32, #tpu.memory_space<vmem>>
      %dma_start3A_647 = arith.constant 0 : i32
      %dma_start3A_648 = tpu.memref_slice %arg5[%dma_start3A_647] : memref<1000000xf32, #tpu.memory_space<vmem_shared>> -> memref<1000000xf32, #tpu.memory_space<vmem_shared>>
      tpu.enqueue_indirect_dma source(%dma_start3A_648 : memref<1000000xf32, #tpu.memory_space<vmem_shared>>) target(%dma_start3A_643 : memref<128xf32, #tpu.memory_space<vmem>>) offsets(%dma_start3A_646 : memref<128xi32, #tpu.memory_space<vmem>>) semaphore(%arg14 : memref<!tpu.dma_semaphore, #tpu.memory_space<semaphore_mem>>)
      %dma_start3A_649 = arith.constant 7 : i32
      %dma_start3A_650 = arith.constant 7 : i32
      %dma_start3A_651 = arith.constant 0 : i32
      %dma_start3A_652 = tpu.memref_slice %arg9[%dma_start3A_650, %dma_start3A_651] : memref<25x128xf32, #tpu.memory_space<vmem>> -> memref<1x128xf32, #tpu.memory_space<vmem>>
      %dma_start3A_653 = tpu.memref_squeeze %dma_start3A_652 : memref<1x128xf32, #tpu.memory_space<vmem>> -> memref<128xf32, #tpu.memory_space<vmem>>
      %dma_start3A_654 = arith.constant 0 : i32
      %dma_start3A_655 = tpu.memref_slice %arg7[%dma_start3A_649, %dma_start3A_654] : memref<25x128xi32, #tpu.memory_space<vmem>> -> memref<1x128xi32, #tpu.memory_space<vmem>>
      %dma_start3A_656 = tpu.memref_squeeze %dma_start3A_655 : memref<1x128xi32, #tpu.memory_space<vmem>> -> memref<128xi32, #tpu.memory_space<vmem>>
      %dma_start3A_657 = arith.constant 0 : i32
      %dma_start3A_658 = tpu.memref_slice %arg5[%dma_start3A_657] : memref<1000000xf32, #tpu.memory_space<vmem_shared>> -> memref<1000000xf32, #tpu.memory_space<vmem_shared>>
      tpu.enqueue_indirect_dma source(%dma_start3A_658 : memref<1000000xf32, #tpu.memory_space<vmem_shared>>) target(%dma_start3A_653 : memref<128xf32, #tpu.memory_space<vmem>>) offsets(%dma_start3A_656 : memref<128xi32, #tpu.memory_space<vmem>>) semaphore(%arg14 : memref<!tpu.dma_semaphore, #tpu.memory_space<semaphore_mem>>)
      %dma_start3A_659 = arith.constant 8 : i32
      %dma_start3A_660 = arith.constant 8 : i32
      %dma_start3A_661 = arith.constant 0 : i32
      %dma_start3A_662 = tpu.memref_slice %arg9[%dma_start3A_660, %dma_start3A_661] : memref<25x128xf32, #tpu.memory_space<vmem>> -> memref<1x128xf32, #tpu.memory_space<vmem>>
      %dma_start3A_663 = tpu.memref_squeeze %dma_start3A_662 : memref<1x128xf32, #tpu.memory_space<vmem>> -> memref<128xf32, #tpu.memory_space<vmem>>
      %dma_start3A_664 = arith.constant 0 : i32
      %dma_start3A_665 = tpu.memref_slice %arg7[%dma_start3A_659, %dma_start3A_664] : memref<25x128xi32, #tpu.memory_space<vmem>> -> memref<1x128xi32, #tpu.memory_space<vmem>>
      %dma_start3A_666 = tpu.memref_squeeze %dma_start3A_665 : memref<1x128xi32, #tpu.memory_space<vmem>> -> memref<128xi32, #tpu.memory_space<vmem>>
      %dma_start3A_667 = arith.constant 0 : i32
      %dma_start3A_668 = tpu.memref_slice %arg5[%dma_start3A_667] : memref<1000000xf32, #tpu.memory_space<vmem_shared>> -> memref<1000000xf32, #tpu.memory_space<vmem_shared>>
      tpu.enqueue_indirect_dma source(%dma_start3A_668 : memref<1000000xf32, #tpu.memory_space<vmem_shared>>) target(%dma_start3A_663 : memref<128xf32, #tpu.memory_space<vmem>>) offsets(%dma_start3A_666 : memref<128xi32, #tpu.memory_space<vmem>>) semaphore(%arg14 : memref<!tpu.dma_semaphore, #tpu.memory_space<semaphore_mem>>)
      %dma_start3A_669 = arith.constant 9 : i32
      %dma_start3A_670 = arith.constant 9 : i32
      %dma_start3A_671 = arith.constant 0 : i32
      %dma_start3A_672 = tpu.memref_slice %arg9[%dma_start3A_670, %dma_start3A_671] : memref<25x128xf32, #tpu.memory_space<vmem>> -> memref<1x128xf32, #tpu.memory_space<vmem>>
      %dma_start3A_673 = tpu.memref_squeeze %dma_start3A_672 : memref<1x128xf32, #tpu.memory_space<vmem>> -> memref<128xf32, #tpu.memory_space<vmem>>
      %dma_start3A_674 = arith.constant 0 : i32
      %dma_start3A_675 = tpu.memref_slice %arg7[%dma_start3A_669, %dma_start3A_674] : memref<25x128xi32, #tpu.memory_space<vmem>> -> memref<1x128xi32, #tpu.memory_space<vmem>>
      %dma_start3A_676 = tpu.memref_squeeze %dma_start3A_675 : memref<1x128xi32, #tpu.memory_space<vmem>> -> memref<128xi32, #tpu.memory_space<vmem>>
      %dma_start3A_677 = arith.constant 0 : i32
      %dma_start3A_678 = tpu.memref_slice %arg5[%dma_start3A_677] : memref<1000000xf32, #tpu.memory_space<vmem_shared>> -> memref<1000000xf32, #tpu.memory_space<vmem_shared>>
      tpu.enqueue_indirect_dma source(%dma_start3A_678 : memref<1000000xf32, #tpu.memory_space<vmem_shared>>) target(%dma_start3A_673 : memref<128xf32, #tpu.memory_space<vmem>>) offsets(%dma_start3A_676 : memref<128xi32, #tpu.memory_space<vmem>>) semaphore(%arg14 : memref<!tpu.dma_semaphore, #tpu.memory_space<semaphore_mem>>)
      %dma_start3A_679 = arith.constant 10 : i32
      %dma_start3A_680 = arith.constant 10 : i32
      %dma_start3A_681 = arith.constant 0 : i32
      %dma_start3A_682 = tpu.memref_slice %arg9[%dma_start3A_680, %dma_start3A_681] : memref<25x128xf32, #tpu.memory_space<vmem>> -> memref<1x128xf32, #tpu.memory_space<vmem>>
      %dma_start3A_683 = tpu.memref_squeeze %dma_start3A_682 : memref<1x128xf32, #tpu.memory_space<vmem>> -> memref<128xf32, #tpu.memory_space<vmem>>
      %dma_start3A_684 = arith.constant 0 : i32
      %dma_start3A_685 = tpu.memref_slice %arg7[%dma_start3A_679, %dma_start3A_684] : memref<25x128xi32, #tpu.memory_space<vmem>> -> memref<1x128xi32, #tpu.memory_space<vmem>>
      %dma_start3A_686 = tpu.memref_squeeze %dma_start3A_685 : memref<1x128xi32, #tpu.memory_space<vmem>> -> memref<128xi32, #tpu.memory_space<vmem>>
      %dma_start3A_687 = arith.constant 0 : i32
      %dma_start3A_688 = tpu.memref_slice %arg5[%dma_start3A_687] : memref<1000000xf32, #tpu.memory_space<vmem_shared>> -> memref<1000000xf32, #tpu.memory_space<vmem_shared>>
      tpu.enqueue_indirect_dma source(%dma_start3A_688 : memref<1000000xf32, #tpu.memory_space<vmem_shared>>) target(%dma_start3A_683 : memref<128xf32, #tpu.memory_space<vmem>>) offsets(%dma_start3A_686 : memref<128xi32, #tpu.memory_space<vmem>>) semaphore(%arg14 : memref<!tpu.dma_semaphore, #tpu.memory_space<semaphore_mem>>)
      %dma_start3A_689 = arith.constant 11 : i32
      %dma_start3A_690 = arith.constant 11 : i32
      %dma_start3A_691 = arith.constant 0 : i32
      %dma_start3A_692 = tpu.memref_slice %arg9[%dma_start3A_690, %dma_start3A_691] : memref<25x128xf32, #tpu.memory_space<vmem>> -> memref<1x128xf32, #tpu.memory_space<vmem>>
      %dma_start3A_693 = tpu.memref_squeeze %dma_start3A_692 : memref<1x128xf32, #tpu.memory_space<vmem>> -> memref<128xf32, #tpu.memory_space<vmem>>
      %dma_start3A_694 = arith.constant 0 : i32
      %dma_start3A_695 = tpu.memref_slice %arg7[%dma_start3A_689, %dma_start3A_694] : memref<25x128xi32, #tpu.memory_space<vmem>> -> memref<1x128xi32, #tpu.memory_space<vmem>>
      %dma_start3A_696 = tpu.memref_squeeze %dma_start3A_695 : memref<1x128xi32, #tpu.memory_space<vmem>> -> memref<128xi32, #tpu.memory_space<vmem>>
      %dma_start3A_697 = arith.constant 0 : i32
      %dma_start3A_698 = tpu.memref_slice %arg5[%dma_start3A_697] : memref<1000000xf32, #tpu.memory_space<vmem_shared>> -> memref<1000000xf32, #tpu.memory_space<vmem_shared>>
      tpu.enqueue_indirect_dma source(%dma_start3A_698 : memref<1000000xf32, #tpu.memory_space<vmem_shared>>) target(%dma_start3A_693 : memref<128xf32, #tpu.memory_space<vmem>>) offsets(%dma_start3A_696 : memref<128xi32, #tpu.memory_space<vmem>>) semaphore(%arg14 : memref<!tpu.dma_semaphore, #tpu.memory_space<semaphore_mem>>)
      %dma_start3A_699 = arith.constant 12 : i32
      %dma_start3A_700 = arith.constant 12 : i32
      %dma_start3A_701 = arith.constant 0 : i32
      %dma_start3A_702 = tpu.memref_slice %arg9[%dma_start3A_700, %dma_start3A_701] : memref<25x128xf32, #tpu.memory_space<vmem>> -> memref<1x128xf32, #tpu.memory_space<vmem>>
      %dma_start3A_703 = tpu.memref_squeeze %dma_start3A_702 : memref<1x128xf32, #tpu.memory_space<vmem>> -> memref<128xf32, #tpu.memory_space<vmem>>
      %dma_start3A_704 = arith.constant 0 : i32
      %dma_start3A_705 = tpu.memref_slice %arg7[%dma_start3A_699, %dma_start3A_704] : memref<25x128xi32, #tpu.memory_space<vmem>> -> memref<1x128xi32, #tpu.memory_space<vmem>>
      %dma_start3A_706 = tpu.memref_squeeze %dma_start3A_705 : memref<1x128xi32, #tpu.memory_space<vmem>> -> memref<128xi32, #tpu.memory_space<vmem>>
      %dma_start3A_707 = arith.constant 0 : i32
      %dma_start3A_708 = tpu.memref_slice %arg5[%dma_start3A_707] : memref<1000000xf32, #tpu.memory_space<vmem_shared>> -> memref<1000000xf32, #tpu.memory_space<vmem_shared>>
      tpu.enqueue_indirect_dma source(%dma_start3A_708 : memref<1000000xf32, #tpu.memory_space<vmem_shared>>) target(%dma_start3A_703 : memref<128xf32, #tpu.memory_space<vmem>>) offsets(%dma_start3A_706 : memref<128xi32, #tpu.memory_space<vmem>>) semaphore(%arg14 : memref<!tpu.dma_semaphore, #tpu.memory_space<semaphore_mem>>)
      %dma_start3A_709 = arith.constant 13 : i32
      %dma_start3A_710 = arith.constant 13 : i32
      %dma_start3A_711 = arith.constant 0 : i32
      %dma_start3A_712 = tpu.memref_slice %arg9[%dma_start3A_710, %dma_start3A_711] : memref<25x128xf32, #tpu.memory_space<vmem>> -> memref<1x128xf32, #tpu.memory_space<vmem>>
      %dma_start3A_713 = tpu.memref_squeeze %dma_start3A_712 : memref<1x128xf32, #tpu.memory_space<vmem>> -> memref<128xf32, #tpu.memory_space<vmem>>
      %dma_start3A_714 = arith.constant 0 : i32
      %dma_start3A_715 = tpu.memref_slice %arg7[%dma_start3A_709, %dma_start3A_714] : memref<25x128xi32, #tpu.memory_space<vmem>> -> memref<1x128xi32, #tpu.memory_space<vmem>>
      %dma_start3A_716 = tpu.memref_squeeze %dma_start3A_715 : memref<1x128xi32, #tpu.memory_space<vmem>> -> memref<128xi32, #tpu.memory_space<vmem>>
      %dma_start3A_717 = arith.constant 0 : i32
      %dma_start3A_718 = tpu.memref_slice %arg5[%dma_start3A_717] : memref<1000000xf32, #tpu.memory_space<vmem_shared>> -> memref<1000000xf32, #tpu.memory_space<vmem_shared>>
      tpu.enqueue_indirect_dma source(%dma_start3A_718 : memref<1000000xf32, #tpu.memory_space<vmem_shared>>) target(%dma_start3A_713 : memref<128xf32, #tpu.memory_space<vmem>>) offsets(%dma_start3A_716 : memref<128xi32, #tpu.memory_space<vmem>>) semaphore(%arg14 : memref<!tpu.dma_semaphore, #tpu.memory_space<semaphore_mem>>)
      %dma_start3A_719 = arith.constant 14 : i32
      %dma_start3A_720 = arith.constant 14 : i32
      %dma_start3A_721 = arith.constant 0 : i32
      %dma_start3A_722 = tpu.memref_slice %arg9[%dma_start3A_720, %dma_start3A_721] : memref<25x128xf32, #tpu.memory_space<vmem>> -> memref<1x128xf32, #tpu.memory_space<vmem>>
      %dma_start3A_723 = tpu.memref_squeeze %dma_start3A_722 : memref<1x128xf32, #tpu.memory_space<vmem>> -> memref<128xf32, #tpu.memory_space<vmem>>
      %dma_start3A_724 = arith.constant 0 : i32
      %dma_start3A_725 = tpu.memref_slice %arg7[%dma_start3A_719, %dma_start3A_724] : memref<25x128xi32, #tpu.memory_space<vmem>> -> memref<1x128xi32, #tpu.memory_space<vmem>>
      %dma_start3A_726 = tpu.memref_squeeze %dma_start3A_725 : memref<1x128xi32, #tpu.memory_space<vmem>> -> memref<128xi32, #tpu.memory_space<vmem>>
      %dma_start3A_727 = arith.constant 0 : i32
      %dma_start3A_728 = tpu.memref_slice %arg5[%dma_start3A_727] : memref<1000000xf32, #tpu.memory_space<vmem_shared>> -> memref<1000000xf32, #tpu.memory_space<vmem_shared>>
      tpu.enqueue_indirect_dma source(%dma_start3A_728 : memref<1000000xf32, #tpu.memory_space<vmem_shared>>) target(%dma_start3A_723 : memref<128xf32, #tpu.memory_space<vmem>>) offsets(%dma_start3A_726 : memref<128xi32, #tpu.memory_space<vmem>>) semaphore(%arg14 : memref<!tpu.dma_semaphore, #tpu.memory_space<semaphore_mem>>)
      %dma_start3A_729 = arith.constant 15 : i32
      %dma_start3A_730 = arith.constant 15 : i32
      %dma_start3A_731 = arith.constant 0 : i32
      %dma_start3A_732 = tpu.memref_slice %arg9[%dma_start3A_730, %dma_start3A_731] : memref<25x128xf32, #tpu.memory_space<vmem>> -> memref<1x128xf32, #tpu.memory_space<vmem>>
      %dma_start3A_733 = tpu.memref_squeeze %dma_start3A_732 : memref<1x128xf32, #tpu.memory_space<vmem>> -> memref<128xf32, #tpu.memory_space<vmem>>
      %dma_start3A_734 = arith.constant 0 : i32
      %dma_start3A_735 = tpu.memref_slice %arg7[%dma_start3A_729, %dma_start3A_734] : memref<25x128xi32, #tpu.memory_space<vmem>> -> memref<1x128xi32, #tpu.memory_space<vmem>>
      %dma_start3A_736 = tpu.memref_squeeze %dma_start3A_735 : memref<1x128xi32, #tpu.memory_space<vmem>> -> memref<128xi32, #tpu.memory_space<vmem>>
      %dma_start3A_737 = arith.constant 0 : i32
      %dma_start3A_738 = tpu.memref_slice %arg5[%dma_start3A_737] : memref<1000000xf32, #tpu.memory_space<vmem_shared>> -> memref<1000000xf32, #tpu.memory_space<vmem_shared>>
      tpu.enqueue_indirect_dma source(%dma_start3A_738 : memref<1000000xf32, #tpu.memory_space<vmem_shared>>) target(%dma_start3A_733 : memref<128xf32, #tpu.memory_space<vmem>>) offsets(%dma_start3A_736 : memref<128xi32, #tpu.memory_space<vmem>>) semaphore(%arg14 : memref<!tpu.dma_semaphore, #tpu.memory_space<semaphore_mem>>)
      %dma_start3A_739 = arith.constant 16 : i32
      %dma_start3A_740 = arith.constant 16 : i32
      %dma_start3A_741 = arith.constant 0 : i32
      %dma_start3A_742 = tpu.memref_slice %arg9[%dma_start3A_740, %dma_start3A_741] : memref<25x128xf32, #tpu.memory_space<vmem>> -> memref<1x128xf32, #tpu.memory_space<vmem>>
      %dma_start3A_743 = tpu.memref_squeeze %dma_start3A_742 : memref<1x128xf32, #tpu.memory_space<vmem>> -> memref<128xf32, #tpu.memory_space<vmem>>
      %dma_start3A_744 = arith.constant 0 : i32
      %dma_start3A_745 = tpu.memref_slice %arg7[%dma_start3A_739, %dma_start3A_744] : memref<25x128xi32, #tpu.memory_space<vmem>> -> memref<1x128xi32, #tpu.memory_space<vmem>>
      %dma_start3A_746 = tpu.memref_squeeze %dma_start3A_745 : memref<1x128xi32, #tpu.memory_space<vmem>> -> memref<128xi32, #tpu.memory_space<vmem>>
      %dma_start3A_747 = arith.constant 0 : i32
      %dma_start3A_748 = tpu.memref_slice %arg5[%dma_start3A_747] : memref<1000000xf32, #tpu.memory_space<vmem_shared>> -> memref<1000000xf32, #tpu.memory_space<vmem_shared>>
      tpu.enqueue_indirect_dma source(%dma_start3A_748 : memref<1000000xf32, #tpu.memory_space<vmem_shared>>) target(%dma_start3A_743 : memref<128xf32, #tpu.memory_space<vmem>>) offsets(%dma_start3A_746 : memref<128xi32, #tpu.memory_space<vmem>>) semaphore(%arg14 : memref<!tpu.dma_semaphore, #tpu.memory_space<semaphore_mem>>)
      %dma_start3A_749 = arith.constant 17 : i32
      %dma_start3A_750 = arith.constant 17 : i32
      %dma_start3A_751 = arith.constant 0 : i32
      %dma_start3A_752 = tpu.memref_slice %arg9[%dma_start3A_750, %dma_start3A_751] : memref<25x128xf32, #tpu.memory_space<vmem>> -> memref<1x128xf32, #tpu.memory_space<vmem>>
      %dma_start3A_753 = tpu.memref_squeeze %dma_start3A_752 : memref<1x128xf32, #tpu.memory_space<vmem>> -> memref<128xf32, #tpu.memory_space<vmem>>
      %dma_start3A_754 = arith.constant 0 : i32
      %dma_start3A_755 = tpu.memref_slice %arg7[%dma_start3A_749, %dma_start3A_754] : memref<25x128xi32, #tpu.memory_space<vmem>> -> memref<1x128xi32, #tpu.memory_space<vmem>>
      %dma_start3A_756 = tpu.memref_squeeze %dma_start3A_755 : memref<1x128xi32, #tpu.memory_space<vmem>> -> memref<128xi32, #tpu.memory_space<vmem>>
      %dma_start3A_757 = arith.constant 0 : i32
      %dma_start3A_758 = tpu.memref_slice %arg5[%dma_start3A_757] : memref<1000000xf32, #tpu.memory_space<vmem_shared>> -> memref<1000000xf32, #tpu.memory_space<vmem_shared>>
      tpu.enqueue_indirect_dma source(%dma_start3A_758 : memref<1000000xf32, #tpu.memory_space<vmem_shared>>) target(%dma_start3A_753 : memref<128xf32, #tpu.memory_space<vmem>>) offsets(%dma_start3A_756 : memref<128xi32, #tpu.memory_space<vmem>>) semaphore(%arg14 : memref<!tpu.dma_semaphore, #tpu.memory_space<semaphore_mem>>)
      %dma_start3A_759 = arith.constant 18 : i32
      %dma_start3A_760 = arith.constant 18 : i32
      %dma_start3A_761 = arith.constant 0 : i32
      %dma_start3A_762 = tpu.memref_slice %arg9[%dma_start3A_760, %dma_start3A_761] : memref<25x128xf32, #tpu.memory_space<vmem>> -> memref<1x128xf32, #tpu.memory_space<vmem>>
      %dma_start3A_763 = tpu.memref_squeeze %dma_start3A_762 : memref<1x128xf32, #tpu.memory_space<vmem>> -> memref<128xf32, #tpu.memory_space<vmem>>
      %dma_start3A_764 = arith.constant 0 : i32
      %dma_start3A_765 = tpu.memref_slice %arg7[%dma_start3A_759, %dma_start3A_764] : memref<25x128xi32, #tpu.memory_space<vmem>> -> memref<1x128xi32, #tpu.memory_space<vmem>>
      %dma_start3A_766 = tpu.memref_squeeze %dma_start3A_765 : memref<1x128xi32, #tpu.memory_space<vmem>> -> memref<128xi32, #tpu.memory_space<vmem>>
      %dma_start3A_767 = arith.constant 0 : i32
      %dma_start3A_768 = tpu.memref_slice %arg5[%dma_start3A_767] : memref<1000000xf32, #tpu.memory_space<vmem_shared>> -> memref<1000000xf32, #tpu.memory_space<vmem_shared>>
      tpu.enqueue_indirect_dma source(%dma_start3A_768 : memref<1000000xf32, #tpu.memory_space<vmem_shared>>) target(%dma_start3A_763 : memref<128xf32, #tpu.memory_space<vmem>>) offsets(%dma_start3A_766 : memref<128xi32, #tpu.memory_space<vmem>>) semaphore(%arg14 : memref<!tpu.dma_semaphore, #tpu.memory_space<semaphore_mem>>)
      %dma_start3A_769 = arith.constant 19 : i32
      %dma_start3A_770 = arith.constant 19 : i32
      %dma_start3A_771 = arith.constant 0 : i32
      %dma_start3A_772 = tpu.memref_slice %arg9[%dma_start3A_770, %dma_start3A_771] : memref<25x128xf32, #tpu.memory_space<vmem>> -> memref<1x128xf32, #tpu.memory_space<vmem>>
      %dma_start3A_773 = tpu.memref_squeeze %dma_start3A_772 : memref<1x128xf32, #tpu.memory_space<vmem>> -> memref<128xf32, #tpu.memory_space<vmem>>
      %dma_start3A_774 = arith.constant 0 : i32
      %dma_start3A_775 = tpu.memref_slice %arg7[%dma_start3A_769, %dma_start3A_774] : memref<25x128xi32, #tpu.memory_space<vmem>> -> memref<1x128xi32, #tpu.memory_space<vmem>>
      %dma_start3A_776 = tpu.memref_squeeze %dma_start3A_775 : memref<1x128xi32, #tpu.memory_space<vmem>> -> memref<128xi32, #tpu.memory_space<vmem>>
      %dma_start3A_777 = arith.constant 0 : i32
      %dma_start3A_778 = tpu.memref_slice %arg5[%dma_start3A_777] : memref<1000000xf32, #tpu.memory_space<vmem_shared>> -> memref<1000000xf32, #tpu.memory_space<vmem_shared>>
      tpu.enqueue_indirect_dma source(%dma_start3A_778 : memref<1000000xf32, #tpu.memory_space<vmem_shared>>) target(%dma_start3A_773 : memref<128xf32, #tpu.memory_space<vmem>>) offsets(%dma_start3A_776 : memref<128xi32, #tpu.memory_space<vmem>>) semaphore(%arg14 : memref<!tpu.dma_semaphore, #tpu.memory_space<semaphore_mem>>)
      %dma_start3A_779 = arith.constant 20 : i32
      %dma_start3A_780 = arith.constant 20 : i32
      %dma_start3A_781 = arith.constant 0 : i32
      %dma_start3A_782 = tpu.memref_slice %arg9[%dma_start3A_780, %dma_start3A_781] : memref<25x128xf32, #tpu.memory_space<vmem>> -> memref<1x128xf32, #tpu.memory_space<vmem>>
      %dma_start3A_783 = tpu.memref_squeeze %dma_start3A_782 : memref<1x128xf32, #tpu.memory_space<vmem>> -> memref<128xf32, #tpu.memory_space<vmem>>
      %dma_start3A_784 = arith.constant 0 : i32
      %dma_start3A_785 = tpu.memref_slice %arg7[%dma_start3A_779, %dma_start3A_784] : memref<25x128xi32, #tpu.memory_space<vmem>> -> memref<1x128xi32, #tpu.memory_space<vmem>>
      %dma_start3A_786 = tpu.memref_squeeze %dma_start3A_785 : memref<1x128xi32, #tpu.memory_space<vmem>> -> memref<128xi32, #tpu.memory_space<vmem>>
      %dma_start3A_787 = arith.constant 0 : i32
      %dma_start3A_788 = tpu.memref_slice %arg5[%dma_start3A_787] : memref<1000000xf32, #tpu.memory_space<vmem_shared>> -> memref<1000000xf32, #tpu.memory_space<vmem_shared>>
      tpu.enqueue_indirect_dma source(%dma_start3A_788 : memref<1000000xf32, #tpu.memory_space<vmem_shared>>) target(%dma_start3A_783 : memref<128xf32, #tpu.memory_space<vmem>>) offsets(%dma_start3A_786 : memref<128xi32, #tpu.memory_space<vmem>>) semaphore(%arg14 : memref<!tpu.dma_semaphore, #tpu.memory_space<semaphore_mem>>)
      %dma_start3A_789 = arith.constant 21 : i32
      %dma_start3A_790 = arith.constant 21 : i32
      %dma_start3A_791 = arith.constant 0 : i32
      %dma_start3A_792 = tpu.memref_slice %arg9[%dma_start3A_790, %dma_start3A_791] : memref<25x128xf32, #tpu.memory_space<vmem>> -> memref<1x128xf32, #tpu.memory_space<vmem>>
      %dma_start3A_793 = tpu.memref_squeeze %dma_start3A_792 : memref<1x128xf32, #tpu.memory_space<vmem>> -> memref<128xf32, #tpu.memory_space<vmem>>
      %dma_start3A_794 = arith.constant 0 : i32
      %dma_start3A_795 = tpu.memref_slice %arg7[%dma_start3A_789, %dma_start3A_794] : memref<25x128xi32, #tpu.memory_space<vmem>> -> memref<1x128xi32, #tpu.memory_space<vmem>>
      %dma_start3A_796 = tpu.memref_squeeze %dma_start3A_795 : memref<1x128xi32, #tpu.memory_space<vmem>> -> memref<128xi32, #tpu.memory_space<vmem>>
      %dma_start3A_797 = arith.constant 0 : i32
      %dma_start3A_798 = tpu.memref_slice %arg5[%dma_start3A_797] : memref<1000000xf32, #tpu.memory_space<vmem_shared>> -> memref<1000000xf32, #tpu.memory_space<vmem_shared>>
      tpu.enqueue_indirect_dma source(%dma_start3A_798 : memref<1000000xf32, #tpu.memory_space<vmem_shared>>) target(%dma_start3A_793 : memref<128xf32, #tpu.memory_space<vmem>>) offsets(%dma_start3A_796 : memref<128xi32, #tpu.memory_space<vmem>>) semaphore(%arg14 : memref<!tpu.dma_semaphore, #tpu.memory_space<semaphore_mem>>)
      %dma_start3A_799 = arith.constant 22 : i32
      %dma_start3A_800 = arith.constant 22 : i32
      %dma_start3A_801 = arith.constant 0 : i32
      %dma_start3A_802 = tpu.memref_slice %arg9[%dma_start3A_800, %dma_start3A_801] : memref<25x128xf32, #tpu.memory_space<vmem>> -> memref<1x128xf32, #tpu.memory_space<vmem>>
      %dma_start3A_803 = tpu.memref_squeeze %dma_start3A_802 : memref<1x128xf32, #tpu.memory_space<vmem>> -> memref<128xf32, #tpu.memory_space<vmem>>
      %dma_start3A_804 = arith.constant 0 : i32
      %dma_start3A_805 = tpu.memref_slice %arg7[%dma_start3A_799, %dma_start3A_804] : memref<25x128xi32, #tpu.memory_space<vmem>> -> memref<1x128xi32, #tpu.memory_space<vmem>>
      %dma_start3A_806 = tpu.memref_squeeze %dma_start3A_805 : memref<1x128xi32, #tpu.memory_space<vmem>> -> memref<128xi32, #tpu.memory_space<vmem>>
      %dma_start3A_807 = arith.constant 0 : i32
      %dma_start3A_808 = tpu.memref_slice %arg5[%dma_start3A_807] : memref<1000000xf32, #tpu.memory_space<vmem_shared>> -> memref<1000000xf32, #tpu.memory_space<vmem_shared>>
      tpu.enqueue_indirect_dma source(%dma_start3A_808 : memref<1000000xf32, #tpu.memory_space<vmem_shared>>) target(%dma_start3A_803 : memref<128xf32, #tpu.memory_space<vmem>>) offsets(%dma_start3A_806 : memref<128xi32, #tpu.memory_space<vmem>>) semaphore(%arg14 : memref<!tpu.dma_semaphore, #tpu.memory_space<semaphore_mem>>)
      %dma_start3A_809 = arith.constant 23 : i32
      %dma_start3A_810 = arith.constant 23 : i32
      %dma_start3A_811 = arith.constant 0 : i32
      %dma_start3A_812 = tpu.memref_slice %arg9[%dma_start3A_810, %dma_start3A_811] : memref<25x128xf32, #tpu.memory_space<vmem>> -> memref<1x128xf32, #tpu.memory_space<vmem>>
      %dma_start3A_813 = tpu.memref_squeeze %dma_start3A_812 : memref<1x128xf32, #tpu.memory_space<vmem>> -> memref<128xf32, #tpu.memory_space<vmem>>
      %dma_start3A_814 = arith.constant 0 : i32
      %dma_start3A_815 = tpu.memref_slice %arg7[%dma_start3A_809, %dma_start3A_814] : memref<25x128xi32, #tpu.memory_space<vmem>> -> memref<1x128xi32, #tpu.memory_space<vmem>>
      %dma_start3A_816 = tpu.memref_squeeze %dma_start3A_815 : memref<1x128xi32, #tpu.memory_space<vmem>> -> memref<128xi32, #tpu.memory_space<vmem>>
      %dma_start3A_817 = arith.constant 0 : i32
      %dma_start3A_818 = tpu.memref_slice %arg5[%dma_start3A_817] : memref<1000000xf32, #tpu.memory_space<vmem_shared>> -> memref<1000000xf32, #tpu.memory_space<vmem_shared>>
      tpu.enqueue_indirect_dma source(%dma_start3A_818 : memref<1000000xf32, #tpu.memory_space<vmem_shared>>) target(%dma_start3A_813 : memref<128xf32, #tpu.memory_space<vmem>>) offsets(%dma_start3A_816 : memref<128xi32, #tpu.memory_space<vmem>>) semaphore(%arg14 : memref<!tpu.dma_semaphore, #tpu.memory_space<semaphore_mem>>)
      %dma_start3A_819 = arith.constant 24 : i32
      %dma_start3A_820 = arith.constant 24 : i32
      %dma_start3A_821 = arith.constant 0 : i32
      %dma_start3A_822 = tpu.memref_slice %arg9[%dma_start3A_820, %dma_start3A_821] : memref<25x128xf32, #tpu.memory_space<vmem>> -> memref<1x128xf32, #tpu.memory_space<vmem>>
      %dma_start3A_823 = tpu.memref_squeeze %dma_start3A_822 : memref<1x128xf32, #tpu.memory_space<vmem>> -> memref<128xf32, #tpu.memory_space<vmem>>
      %dma_start3A_824 = arith.constant 0 : i32
      %dma_start3A_825 = tpu.memref_slice %arg7[%dma_start3A_819, %dma_start3A_824] : memref<25x128xi32, #tpu.memory_space<vmem>> -> memref<1x128xi32, #tpu.memory_space<vmem>>
      %dma_start3A_826 = tpu.memref_squeeze %dma_start3A_825 : memref<1x128xi32, #tpu.memory_space<vmem>> -> memref<128xi32, #tpu.memory_space<vmem>>
      %dma_start3A_827 = arith.constant 0 : i32
      %dma_start3A_828 = tpu.memref_slice %arg5[%dma_start3A_827] : memref<1000000xf32, #tpu.memory_space<vmem_shared>> -> memref<1000000xf32, #tpu.memory_space<vmem_shared>>
      tpu.enqueue_indirect_dma source(%dma_start3A_828 : memref<1000000xf32, #tpu.memory_space<vmem_shared>>) target(%dma_start3A_823 : memref<128xf32, #tpu.memory_space<vmem>>) offsets(%dma_start3A_826 : memref<128xi32, #tpu.memory_space<vmem>>) semaphore(%arg14 : memref<!tpu.dma_semaphore, #tpu.memory_space<semaphore_mem>>)
      %dma_wait3A_829 = arith.constant 0 : i32
      %dma_wait3A_830 = arith.constant 0 : i32
      %dma_wait3A_831 = arith.constant 0 : i32
      %dma_wait3A_832 = tpu.memref_slice %arg9[%dma_wait3A_830, %dma_wait3A_831] : memref<25x128xf32, #tpu.memory_space<vmem>> -> memref<1x128xf32, #tpu.memory_space<vmem>>
      %dma_wait3A_833 = tpu.memref_squeeze %dma_wait3A_832 : memref<1x128xf32, #tpu.memory_space<vmem>> -> memref<128xf32, #tpu.memory_space<vmem>>
      %dma_wait3A_834 = arith.constant 0 : i32
      %dma_wait3A_835 = tpu.memref_slice %arg7[%dma_wait3A_829, %dma_wait3A_834] : memref<25x128xi32, #tpu.memory_space<vmem>> -> memref<1x128xi32, #tpu.memory_space<vmem>>
      %dma_wait3A_836 = tpu.memref_squeeze %dma_wait3A_835 : memref<1x128xi32, #tpu.memory_space<vmem>> -> memref<128xi32, #tpu.memory_space<vmem>>
      %dma_wait3A_837 = arith.constant 0 : i32
      %dma_wait3A_838 = tpu.memref_slice %arg5[%dma_wait3A_837] : memref<1000000xf32, #tpu.memory_space<vmem_shared>> -> memref<1000000xf32, #tpu.memory_space<vmem_shared>>
      tpu.wait_indirect_dma semaphore(%arg14 : memref<!tpu.dma_semaphore, #tpu.memory_space<semaphore_mem>>) src(%dma_wait3A_838 : memref<1000000xf32, #tpu.memory_space<vmem_shared>>) dst(%dma_wait3A_833 : memref<128xf32, #tpu.memory_space<vmem>>)
      %dma_wait3A_839 = arith.constant 1 : i32
      %dma_wait3A_840 = arith.constant 1 : i32
      %dma_wait3A_841 = arith.constant 0 : i32
      %dma_wait3A_842 = tpu.memref_slice %arg9[%dma_wait3A_840, %dma_wait3A_841] : memref<25x128xf32, #tpu.memory_space<vmem>> -> memref<1x128xf32, #tpu.memory_space<vmem>>
      %dma_wait3A_843 = tpu.memref_squeeze %dma_wait3A_842 : memref<1x128xf32, #tpu.memory_space<vmem>> -> memref<128xf32, #tpu.memory_space<vmem>>
      %dma_wait3A_844 = arith.constant 0 : i32
      %dma_wait3A_845 = tpu.memref_slice %arg7[%dma_wait3A_839, %dma_wait3A_844] : memref<25x128xi32, #tpu.memory_space<vmem>> -> memref<1x128xi32, #tpu.memory_space<vmem>>
      %dma_wait3A_846 = tpu.memref_squeeze %dma_wait3A_845 : memref<1x128xi32, #tpu.memory_space<vmem>> -> memref<128xi32, #tpu.memory_space<vmem>>
      %dma_wait3A_847 = arith.constant 0 : i32
      %dma_wait3A_848 = tpu.memref_slice %arg5[%dma_wait3A_847] : memref<1000000xf32, #tpu.memory_space<vmem_shared>> -> memref<1000000xf32, #tpu.memory_space<vmem_shared>>
      tpu.wait_indirect_dma semaphore(%arg14 : memref<!tpu.dma_semaphore, #tpu.memory_space<semaphore_mem>>) src(%dma_wait3A_848 : memref<1000000xf32, #tpu.memory_space<vmem_shared>>) dst(%dma_wait3A_843 : memref<128xf32, #tpu.memory_space<vmem>>)
      %dma_wait3A_849 = arith.constant 2 : i32
      %dma_wait3A_850 = arith.constant 2 : i32
      %dma_wait3A_851 = arith.constant 0 : i32
      %dma_wait3A_852 = tpu.memref_slice %arg9[%dma_wait3A_850, %dma_wait3A_851] : memref<25x128xf32, #tpu.memory_space<vmem>> -> memref<1x128xf32, #tpu.memory_space<vmem>>
      %dma_wait3A_853 = tpu.memref_squeeze %dma_wait3A_852 : memref<1x128xf32, #tpu.memory_space<vmem>> -> memref<128xf32, #tpu.memory_space<vmem>>
      %dma_wait3A_854 = arith.constant 0 : i32
      %dma_wait3A_855 = tpu.memref_slice %arg7[%dma_wait3A_849, %dma_wait3A_854] : memref<25x128xi32, #tpu.memory_space<vmem>> -> memref<1x128xi32, #tpu.memory_space<vmem>>
      %dma_wait3A_856 = tpu.memref_squeeze %dma_wait3A_855 : memref<1x128xi32, #tpu.memory_space<vmem>> -> memref<128xi32, #tpu.memory_space<vmem>>
      %dma_wait3A_857 = arith.constant 0 : i32
      %dma_wait3A_858 = tpu.memref_slice %arg5[%dma_wait3A_857] : memref<1000000xf32, #tpu.memory_space<vmem_shared>> -> memref<1000000xf32, #tpu.memory_space<vmem_shared>>
      tpu.wait_indirect_dma semaphore(%arg14 : memref<!tpu.dma_semaphore, #tpu.memory_space<semaphore_mem>>) src(%dma_wait3A_858 : memref<1000000xf32, #tpu.memory_space<vmem_shared>>) dst(%dma_wait3A_853 : memref<128xf32, #tpu.memory_space<vmem>>)
      %dma_wait3A_859 = arith.constant 3 : i32
      %dma_wait3A_860 = arith.constant 3 : i32
      %dma_wait3A_861 = arith.constant 0 : i32
      %dma_wait3A_862 = tpu.memref_slice %arg9[%dma_wait3A_860, %dma_wait3A_861] : memref<25x128xf32, #tpu.memory_space<vmem>> -> memref<1x128xf32, #tpu.memory_space<vmem>>
      %dma_wait3A_863 = tpu.memref_squeeze %dma_wait3A_862 : memref<1x128xf32, #tpu.memory_space<vmem>> -> memref<128xf32, #tpu.memory_space<vmem>>
      %dma_wait3A_864 = arith.constant 0 : i32
      %dma_wait3A_865 = tpu.memref_slice %arg7[%dma_wait3A_859, %dma_wait3A_864] : memref<25x128xi32, #tpu.memory_space<vmem>> -> memref<1x128xi32, #tpu.memory_space<vmem>>
      %dma_wait3A_866 = tpu.memref_squeeze %dma_wait3A_865 : memref<1x128xi32, #tpu.memory_space<vmem>> -> memref<128xi32, #tpu.memory_space<vmem>>
      %dma_wait3A_867 = arith.constant 0 : i32
      %dma_wait3A_868 = tpu.memref_slice %arg5[%dma_wait3A_867] : memref<1000000xf32, #tpu.memory_space<vmem_shared>> -> memref<1000000xf32, #tpu.memory_space<vmem_shared>>
      tpu.wait_indirect_dma semaphore(%arg14 : memref<!tpu.dma_semaphore, #tpu.memory_space<semaphore_mem>>) src(%dma_wait3A_868 : memref<1000000xf32, #tpu.memory_space<vmem_shared>>) dst(%dma_wait3A_863 : memref<128xf32, #tpu.memory_space<vmem>>)
      %dma_wait3A_869 = arith.constant 4 : i32
      %dma_wait3A_870 = arith.constant 4 : i32
      %dma_wait3A_871 = arith.constant 0 : i32
      %dma_wait3A_872 = tpu.memref_slice %arg9[%dma_wait3A_870, %dma_wait3A_871] : memref<25x128xf32, #tpu.memory_space<vmem>> -> memref<1x128xf32, #tpu.memory_space<vmem>>
      %dma_wait3A_873 = tpu.memref_squeeze %dma_wait3A_872 : memref<1x128xf32, #tpu.memory_space<vmem>> -> memref<128xf32, #tpu.memory_space<vmem>>
      %dma_wait3A_874 = arith.constant 0 : i32
      %dma_wait3A_875 = tpu.memref_slice %arg7[%dma_wait3A_869, %dma_wait3A_874] : memref<25x128xi32, #tpu.memory_space<vmem>> -> memref<1x128xi32, #tpu.memory_space<vmem>>
      %dma_wait3A_876 = tpu.memref_squeeze %dma_wait3A_875 : memref<1x128xi32, #tpu.memory_space<vmem>> -> memref<128xi32, #tpu.memory_space<vmem>>
      %dma_wait3A_877 = arith.constant 0 : i32
      %dma_wait3A_878 = tpu.memref_slice %arg5[%dma_wait3A_877] : memref<1000000xf32, #tpu.memory_space<vmem_shared>> -> memref<1000000xf32, #tpu.memory_space<vmem_shared>>
      tpu.wait_indirect_dma semaphore(%arg14 : memref<!tpu.dma_semaphore, #tpu.memory_space<semaphore_mem>>) src(%dma_wait3A_878 : memref<1000000xf32, #tpu.memory_space<vmem_shared>>) dst(%dma_wait3A_873 : memref<128xf32, #tpu.memory_space<vmem>>)
      %dma_wait3A_879 = arith.constant 5 : i32
      %dma_wait3A_880 = arith.constant 5 : i32
      %dma_wait3A_881 = arith.constant 0 : i32
      %dma_wait3A_882 = tpu.memref_slice %arg9[%dma_wait3A_880, %dma_wait3A_881] : memref<25x128xf32, #tpu.memory_space<vmem>> -> memref<1x128xf32, #tpu.memory_space<vmem>>
      %dma_wait3A_883 = tpu.memref_squeeze %dma_wait3A_882 : memref<1x128xf32, #tpu.memory_space<vmem>> -> memref<128xf32, #tpu.memory_space<vmem>>
      %dma_wait3A_884 = arith.constant 0 : i32
      %dma_wait3A_885 = tpu.memref_slice %arg7[%dma_wait3A_879, %dma_wait3A_884] : memref<25x128xi32, #tpu.memory_space<vmem>> -> memref<1x128xi32, #tpu.memory_space<vmem>>
      %dma_wait3A_886 = tpu.memref_squeeze %dma_wait3A_885 : memref<1x128xi32, #tpu.memory_space<vmem>> -> memref<128xi32, #tpu.memory_space<vmem>>
      %dma_wait3A_887 = arith.constant 0 : i32
      %dma_wait3A_888 = tpu.memref_slice %arg5[%dma_wait3A_887] : memref<1000000xf32, #tpu.memory_space<vmem_shared>> -> memref<1000000xf32, #tpu.memory_space<vmem_shared>>
      tpu.wait_indirect_dma semaphore(%arg14 : memref<!tpu.dma_semaphore, #tpu.memory_space<semaphore_mem>>) src(%dma_wait3A_888 : memref<1000000xf32, #tpu.memory_space<vmem_shared>>) dst(%dma_wait3A_883 : memref<128xf32, #tpu.memory_space<vmem>>)
      %dma_wait3A_889 = arith.constant 6 : i32
      %dma_wait3A_890 = arith.constant 6 : i32
      %dma_wait3A_891 = arith.constant 0 : i32
      %dma_wait3A_892 = tpu.memref_slice %arg9[%dma_wait3A_890, %dma_wait3A_891] : memref<25x128xf32, #tpu.memory_space<vmem>> -> memref<1x128xf32, #tpu.memory_space<vmem>>
      %dma_wait3A_893 = tpu.memref_squeeze %dma_wait3A_892 : memref<1x128xf32, #tpu.memory_space<vmem>> -> memref<128xf32, #tpu.memory_space<vmem>>
      %dma_wait3A_894 = arith.constant 0 : i32
      %dma_wait3A_895 = tpu.memref_slice %arg7[%dma_wait3A_889, %dma_wait3A_894] : memref<25x128xi32, #tpu.memory_space<vmem>> -> memref<1x128xi32, #tpu.memory_space<vmem>>
      %dma_wait3A_896 = tpu.memref_squeeze %dma_wait3A_895 : memref<1x128xi32, #tpu.memory_space<vmem>> -> memref<128xi32, #tpu.memory_space<vmem>>
      %dma_wait3A_897 = arith.constant 0 : i32
      %dma_wait3A_898 = tpu.memref_slice %arg5[%dma_wait3A_897] : memref<1000000xf32, #tpu.memory_space<vmem_shared>> -> memref<1000000xf32, #tpu.memory_space<vmem_shared>>
      tpu.wait_indirect_dma semaphore(%arg14 : memref<!tpu.dma_semaphore, #tpu.memory_space<semaphore_mem>>) src(%dma_wait3A_898 : memref<1000000xf32, #tpu.memory_space<vmem_shared>>) dst(%dma_wait3A_893 : memref<128xf32, #tpu.memory_space<vmem>>)
      %dma_wait3A_899 = arith.constant 7 : i32
      %dma_wait3A_900 = arith.constant 7 : i32
      %dma_wait3A_901 = arith.constant 0 : i32
      %dma_wait3A_902 = tpu.memref_slice %arg9[%dma_wait3A_900, %dma_wait3A_901] : memref<25x128xf32, #tpu.memory_space<vmem>> -> memref<1x128xf32, #tpu.memory_space<vmem>>
      %dma_wait3A_903 = tpu.memref_squeeze %dma_wait3A_902 : memref<1x128xf32, #tpu.memory_space<vmem>> -> memref<128xf32, #tpu.memory_space<vmem>>
      %dma_wait3A_904 = arith.constant 0 : i32
      %dma_wait3A_905 = tpu.memref_slice %arg7[%dma_wait3A_899, %dma_wait3A_904] : memref<25x128xi32, #tpu.memory_space<vmem>> -> memref<1x128xi32, #tpu.memory_space<vmem>>
      %dma_wait3A_906 = tpu.memref_squeeze %dma_wait3A_905 : memref<1x128xi32, #tpu.memory_space<vmem>> -> memref<128xi32, #tpu.memory_space<vmem>>
      %dma_wait3A_907 = arith.constant 0 : i32
      %dma_wait3A_908 = tpu.memref_slice %arg5[%dma_wait3A_907] : memref<1000000xf32, #tpu.memory_space<vmem_shared>> -> memref<1000000xf32, #tpu.memory_space<vmem_shared>>
      tpu.wait_indirect_dma semaphore(%arg14 : memref<!tpu.dma_semaphore, #tpu.memory_space<semaphore_mem>>) src(%dma_wait3A_908 : memref<1000000xf32, #tpu.memory_space<vmem_shared>>) dst(%dma_wait3A_903 : memref<128xf32, #tpu.memory_space<vmem>>)
      %dma_wait3A_909 = arith.constant 8 : i32
      %dma_wait3A_910 = arith.constant 8 : i32
      %dma_wait3A_911 = arith.constant 0 : i32
      %dma_wait3A_912 = tpu.memref_slice %arg9[%dma_wait3A_910, %dma_wait3A_911] : memref<25x128xf32, #tpu.memory_space<vmem>> -> memref<1x128xf32, #tpu.memory_space<vmem>>
      %dma_wait3A_913 = tpu.memref_squeeze %dma_wait3A_912 : memref<1x128xf32, #tpu.memory_space<vmem>> -> memref<128xf32, #tpu.memory_space<vmem>>
      %dma_wait3A_914 = arith.constant 0 : i32
      %dma_wait3A_915 = tpu.memref_slice %arg7[%dma_wait3A_909, %dma_wait3A_914] : memref<25x128xi32, #tpu.memory_space<vmem>> -> memref<1x128xi32, #tpu.memory_space<vmem>>
      %dma_wait3A_916 = tpu.memref_squeeze %dma_wait3A_915 : memref<1x128xi32, #tpu.memory_space<vmem>> -> memref<128xi32, #tpu.memory_space<vmem>>
      %dma_wait3A_917 = arith.constant 0 : i32
      %dma_wait3A_918 = tpu.memref_slice %arg5[%dma_wait3A_917] : memref<1000000xf32, #tpu.memory_space<vmem_shared>> -> memref<1000000xf32, #tpu.memory_space<vmem_shared>>
      tpu.wait_indirect_dma semaphore(%arg14 : memref<!tpu.dma_semaphore, #tpu.memory_space<semaphore_mem>>) src(%dma_wait3A_918 : memref<1000000xf32, #tpu.memory_space<vmem_shared>>) dst(%dma_wait3A_913 : memref<128xf32, #tpu.memory_space<vmem>>)
      %dma_wait3A_919 = arith.constant 9 : i32
      %dma_wait3A_920 = arith.constant 9 : i32
      %dma_wait3A_921 = arith.constant 0 : i32
      %dma_wait3A_922 = tpu.memref_slice %arg9[%dma_wait3A_920, %dma_wait3A_921] : memref<25x128xf32, #tpu.memory_space<vmem>> -> memref<1x128xf32, #tpu.memory_space<vmem>>
      %dma_wait3A_923 = tpu.memref_squeeze %dma_wait3A_922 : memref<1x128xf32, #tpu.memory_space<vmem>> -> memref<128xf32, #tpu.memory_space<vmem>>
      %dma_wait3A_924 = arith.constant 0 : i32
      %dma_wait3A_925 = tpu.memref_slice %arg7[%dma_wait3A_919, %dma_wait3A_924] : memref<25x128xi32, #tpu.memory_space<vmem>> -> memref<1x128xi32, #tpu.memory_space<vmem>>
      %dma_wait3A_926 = tpu.memref_squeeze %dma_wait3A_925 : memref<1x128xi32, #tpu.memory_space<vmem>> -> memref<128xi32, #tpu.memory_space<vmem>>
      %dma_wait3A_927 = arith.constant 0 : i32
      %dma_wait3A_928 = tpu.memref_slice %arg5[%dma_wait3A_927] : memref<1000000xf32, #tpu.memory_space<vmem_shared>> -> memref<1000000xf32, #tpu.memory_space<vmem_shared>>
      tpu.wait_indirect_dma semaphore(%arg14 : memref<!tpu.dma_semaphore, #tpu.memory_space<semaphore_mem>>) src(%dma_wait3A_928 : memref<1000000xf32, #tpu.memory_space<vmem_shared>>) dst(%dma_wait3A_923 : memref<128xf32, #tpu.memory_space<vmem>>)
      %dma_wait3A_929 = arith.constant 10 : i32
      %dma_wait3A_930 = arith.constant 10 : i32
      %dma_wait3A_931 = arith.constant 0 : i32
      %dma_wait3A_932 = tpu.memref_slice %arg9[%dma_wait3A_930, %dma_wait3A_931] : memref<25x128xf32, #tpu.memory_space<vmem>> -> memref<1x128xf32, #tpu.memory_space<vmem>>
      %dma_wait3A_933 = tpu.memref_squeeze %dma_wait3A_932 : memref<1x128xf32, #tpu.memory_space<vmem>> -> memref<128xf32, #tpu.memory_space<vmem>>
      %dma_wait3A_934 = arith.constant 0 : i32
      %dma_wait3A_935 = tpu.memref_slice %arg7[%dma_wait3A_929, %dma_wait3A_934] : memref<25x128xi32, #tpu.memory_space<vmem>> -> memref<1x128xi32, #tpu.memory_space<vmem>>
      %dma_wait3A_936 = tpu.memref_squeeze %dma_wait3A_935 : memref<1x128xi32, #tpu.memory_space<vmem>> -> memref<128xi32, #tpu.memory_space<vmem>>
      %dma_wait3A_937 = arith.constant 0 : i32
      %dma_wait3A_938 = tpu.memref_slice %arg5[%dma_wait3A_937] : memref<1000000xf32, #tpu.memory_space<vmem_shared>> -> memref<1000000xf32, #tpu.memory_space<vmem_shared>>
      tpu.wait_indirect_dma semaphore(%arg14 : memref<!tpu.dma_semaphore, #tpu.memory_space<semaphore_mem>>) src(%dma_wait3A_938 : memref<1000000xf32, #tpu.memory_space<vmem_shared>>) dst(%dma_wait3A_933 : memref<128xf32, #tpu.memory_space<vmem>>)
      %dma_wait3A_939 = arith.constant 11 : i32
      %dma_wait3A_940 = arith.constant 11 : i32
      %dma_wait3A_941 = arith.constant 0 : i32
      %dma_wait3A_942 = tpu.memref_slice %arg9[%dma_wait3A_940, %dma_wait3A_941] : memref<25x128xf32, #tpu.memory_space<vmem>> -> memref<1x128xf32, #tpu.memory_space<vmem>>
      %dma_wait3A_943 = tpu.memref_squeeze %dma_wait3A_942 : memref<1x128xf32, #tpu.memory_space<vmem>> -> memref<128xf32, #tpu.memory_space<vmem>>
      %dma_wait3A_944 = arith.constant 0 : i32
      %dma_wait3A_945 = tpu.memref_slice %arg7[%dma_wait3A_939, %dma_wait3A_944] : memref<25x128xi32, #tpu.memory_space<vmem>> -> memref<1x128xi32, #tpu.memory_space<vmem>>
      %dma_wait3A_946 = tpu.memref_squeeze %dma_wait3A_945 : memref<1x128xi32, #tpu.memory_space<vmem>> -> memref<128xi32, #tpu.memory_space<vmem>>
      %dma_wait3A_947 = arith.constant 0 : i32
      %dma_wait3A_948 = tpu.memref_slice %arg5[%dma_wait3A_947] : memref<1000000xf32, #tpu.memory_space<vmem_shared>> -> memref<1000000xf32, #tpu.memory_space<vmem_shared>>
      tpu.wait_indirect_dma semaphore(%arg14 : memref<!tpu.dma_semaphore, #tpu.memory_space<semaphore_mem>>) src(%dma_wait3A_948 : memref<1000000xf32, #tpu.memory_space<vmem_shared>>) dst(%dma_wait3A_943 : memref<128xf32, #tpu.memory_space<vmem>>)
      %dma_wait3A_949 = arith.constant 12 : i32
      %dma_wait3A_950 = arith.constant 12 : i32
      %dma_wait3A_951 = arith.constant 0 : i32
      %dma_wait3A_952 = tpu.memref_slice %arg9[%dma_wait3A_950, %dma_wait3A_951] : memref<25x128xf32, #tpu.memory_space<vmem>> -> memref<1x128xf32, #tpu.memory_space<vmem>>
      %dma_wait3A_953 = tpu.memref_squeeze %dma_wait3A_952 : memref<1x128xf32, #tpu.memory_space<vmem>> -> memref<128xf32, #tpu.memory_space<vmem>>
      %dma_wait3A_954 = arith.constant 0 : i32
      %dma_wait3A_955 = tpu.memref_slice %arg7[%dma_wait3A_949, %dma_wait3A_954] : memref<25x128xi32, #tpu.memory_space<vmem>> -> memref<1x128xi32, #tpu.memory_space<vmem>>
      %dma_wait3A_956 = tpu.memref_squeeze %dma_wait3A_955 : memref<1x128xi32, #tpu.memory_space<vmem>> -> memref<128xi32, #tpu.memory_space<vmem>>
      %dma_wait3A_957 = arith.constant 0 : i32
      %dma_wait3A_958 = tpu.memref_slice %arg5[%dma_wait3A_957] : memref<1000000xf32, #tpu.memory_space<vmem_shared>> -> memref<1000000xf32, #tpu.memory_space<vmem_shared>>
      tpu.wait_indirect_dma semaphore(%arg14 : memref<!tpu.dma_semaphore, #tpu.memory_space<semaphore_mem>>) src(%dma_wait3A_958 : memref<1000000xf32, #tpu.memory_space<vmem_shared>>) dst(%dma_wait3A_953 : memref<128xf32, #tpu.memory_space<vmem>>)
      %dma_wait3A_959 = arith.constant 13 : i32
      %dma_wait3A_960 = arith.constant 13 : i32
      %dma_wait3A_961 = arith.constant 0 : i32
      %dma_wait3A_962 = tpu.memref_slice %arg9[%dma_wait3A_960, %dma_wait3A_961] : memref<25x128xf32, #tpu.memory_space<vmem>> -> memref<1x128xf32, #tpu.memory_space<vmem>>
      %dma_wait3A_963 = tpu.memref_squeeze %dma_wait3A_962 : memref<1x128xf32, #tpu.memory_space<vmem>> -> memref<128xf32, #tpu.memory_space<vmem>>
      %dma_wait3A_964 = arith.constant 0 : i32
      %dma_wait3A_965 = tpu.memref_slice %arg7[%dma_wait3A_959, %dma_wait3A_964] : memref<25x128xi32, #tpu.memory_space<vmem>> -> memref<1x128xi32, #tpu.memory_space<vmem>>
      %dma_wait3A_966 = tpu.memref_squeeze %dma_wait3A_965 : memref<1x128xi32, #tpu.memory_space<vmem>> -> memref<128xi32, #tpu.memory_space<vmem>>
      %dma_wait3A_967 = arith.constant 0 : i32
      %dma_wait3A_968 = tpu.memref_slice %arg5[%dma_wait3A_967] : memref<1000000xf32, #tpu.memory_space<vmem_shared>> -> memref<1000000xf32, #tpu.memory_space<vmem_shared>>
      tpu.wait_indirect_dma semaphore(%arg14 : memref<!tpu.dma_semaphore, #tpu.memory_space<semaphore_mem>>) src(%dma_wait3A_968 : memref<1000000xf32, #tpu.memory_space<vmem_shared>>) dst(%dma_wait3A_963 : memref<128xf32, #tpu.memory_space<vmem>>)
      %dma_wait3A_969 = arith.constant 14 : i32
      %dma_wait3A_970 = arith.constant 14 : i32
      %dma_wait3A_971 = arith.constant 0 : i32
      %dma_wait3A_972 = tpu.memref_slice %arg9[%dma_wait3A_970, %dma_wait3A_971] : memref<25x128xf32, #tpu.memory_space<vmem>> -> memref<1x128xf32, #tpu.memory_space<vmem>>
      %dma_wait3A_973 = tpu.memref_squeeze %dma_wait3A_972 : memref<1x128xf32, #tpu.memory_space<vmem>> -> memref<128xf32, #tpu.memory_space<vmem>>
      %dma_wait3A_974 = arith.constant 0 : i32
      %dma_wait3A_975 = tpu.memref_slice %arg7[%dma_wait3A_969, %dma_wait3A_974] : memref<25x128xi32, #tpu.memory_space<vmem>> -> memref<1x128xi32, #tpu.memory_space<vmem>>
      %dma_wait3A_976 = tpu.memref_squeeze %dma_wait3A_975 : memref<1x128xi32, #tpu.memory_space<vmem>> -> memref<128xi32, #tpu.memory_space<vmem>>
      %dma_wait3A_977 = arith.constant 0 : i32
      %dma_wait3A_978 = tpu.memref_slice %arg5[%dma_wait3A_977] : memref<1000000xf32, #tpu.memory_space<vmem_shared>> -> memref<1000000xf32, #tpu.memory_space<vmem_shared>>
      tpu.wait_indirect_dma semaphore(%arg14 : memref<!tpu.dma_semaphore, #tpu.memory_space<semaphore_mem>>) src(%dma_wait3A_978 : memref<1000000xf32, #tpu.memory_space<vmem_shared>>) dst(%dma_wait3A_973 : memref<128xf32, #tpu.memory_space<vmem>>)
      %dma_wait3A_979 = arith.constant 15 : i32
      %dma_wait3A_980 = arith.constant 15 : i32
      %dma_wait3A_981 = arith.constant 0 : i32
      %dma_wait3A_982 = tpu.memref_slice %arg9[%dma_wait3A_980, %dma_wait3A_981] : memref<25x128xf32, #tpu.memory_space<vmem>> -> memref<1x128xf32, #tpu.memory_space<vmem>>
      %dma_wait3A_983 = tpu.memref_squeeze %dma_wait3A_982 : memref<1x128xf32, #tpu.memory_space<vmem>> -> memref<128xf32, #tpu.memory_space<vmem>>
      %dma_wait3A_984 = arith.constant 0 : i32
      %dma_wait3A_985 = tpu.memref_slice %arg7[%dma_wait3A_979, %dma_wait3A_984] : memref<25x128xi32, #tpu.memory_space<vmem>> -> memref<1x128xi32, #tpu.memory_space<vmem>>
      %dma_wait3A_986 = tpu.memref_squeeze %dma_wait3A_985 : memref<1x128xi32, #tpu.memory_space<vmem>> -> memref<128xi32, #tpu.memory_space<vmem>>
      %dma_wait3A_987 = arith.constant 0 : i32
      %dma_wait3A_988 = tpu.memref_slice %arg5[%dma_wait3A_987] : memref<1000000xf32, #tpu.memory_space<vmem_shared>> -> memref<1000000xf32, #tpu.memory_space<vmem_shared>>
      tpu.wait_indirect_dma semaphore(%arg14 : memref<!tpu.dma_semaphore, #tpu.memory_space<semaphore_mem>>) src(%dma_wait3A_988 : memref<1000000xf32, #tpu.memory_space<vmem_shared>>) dst(%dma_wait3A_983 : memref<128xf32, #tpu.memory_space<vmem>>)
      %dma_wait3A_989 = arith.constant 16 : i32
      %dma_wait3A_990 = arith.constant 16 : i32
      %dma_wait3A_991 = arith.constant 0 : i32
      %dma_wait3A_992 = tpu.memref_slice %arg9[%dma_wait3A_990, %dma_wait3A_991] : memref<25x128xf32, #tpu.memory_space<vmem>> -> memref<1x128xf32, #tpu.memory_space<vmem>>
      %dma_wait3A_993 = tpu.memref_squeeze %dma_wait3A_992 : memref<1x128xf32, #tpu.memory_space<vmem>> -> memref<128xf32, #tpu.memory_space<vmem>>
      %dma_wait3A_994 = arith.constant 0 : i32
      %dma_wait3A_995 = tpu.memref_slice %arg7[%dma_wait3A_989, %dma_wait3A_994] : memref<25x128xi32, #tpu.memory_space<vmem>> -> memref<1x128xi32, #tpu.memory_space<vmem>>
      %dma_wait3A_996 = tpu.memref_squeeze %dma_wait3A_995 : memref<1x128xi32, #tpu.memory_space<vmem>> -> memref<128xi32, #tpu.memory_space<vmem>>
      %dma_wait3A_997 = arith.constant 0 : i32
      %dma_wait3A_998 = tpu.memref_slice %arg5[%dma_wait3A_997] : memref<1000000xf32, #tpu.memory_space<vmem_shared>> -> memref<1000000xf32, #tpu.memory_space<vmem_shared>>
      tpu.wait_indirect_dma semaphore(%arg14 : memref<!tpu.dma_semaphore, #tpu.memory_space<semaphore_mem>>) src(%dma_wait3A_998 : memref<1000000xf32, #tpu.memory_space<vmem_shared>>) dst(%dma_wait3A_993 : memref<128xf32, #tpu.memory_space<vmem>>)
      %dma_wait3A_999 = arith.constant 17 : i32
      %dma_wait3A_1000 = arith.constant 17 : i32
      %dma_wait3A_1001 = arith.constant 0 : i32
      %dma_wait3A_1002 = tpu.memref_slice %arg9[%dma_wait3A_1000, %dma_wait3A_1001] : memref<25x128xf32, #tpu.memory_space<vmem>> -> memref<1x128xf32, #tpu.memory_space<vmem>>
      %dma_wait3A_1003 = tpu.memref_squeeze %dma_wait3A_1002 : memref<1x128xf32, #tpu.memory_space<vmem>> -> memref<128xf32, #tpu.memory_space<vmem>>
      %dma_wait3A_1004 = arith.constant 0 : i32
      %dma_wait3A_1005 = tpu.memref_slice %arg7[%dma_wait3A_999, %dma_wait3A_1004] : memref<25x128xi32, #tpu.memory_space<vmem>> -> memref<1x128xi32, #tpu.memory_space<vmem>>
      %dma_wait3A_1006 = tpu.memref_squeeze %dma_wait3A_1005 : memref<1x128xi32, #tpu.memory_space<vmem>> -> memref<128xi32, #tpu.memory_space<vmem>>
      %dma_wait3A_1007 = arith.constant 0 : i32
      %dma_wait3A_1008 = tpu.memref_slice %arg5[%dma_wait3A_1007] : memref<1000000xf32, #tpu.memory_space<vmem_shared>> -> memref<1000000xf32, #tpu.memory_space<vmem_shared>>
      tpu.wait_indirect_dma semaphore(%arg14 : memref<!tpu.dma_semaphore, #tpu.memory_space<semaphore_mem>>) src(%dma_wait3A_1008 : memref<1000000xf32, #tpu.memory_space<vmem_shared>>) dst(%dma_wait3A_1003 : memref<128xf32, #tpu.memory_space<vmem>>)
      %dma_wait3A_1009 = arith.constant 18 : i32
      %dma_wait3A_1010 = arith.constant 18 : i32
      %dma_wait3A_1011 = arith.constant 0 : i32
      %dma_wait3A_1012 = tpu.memref_slice %arg9[%dma_wait3A_1010, %dma_wait3A_1011] : memref<25x128xf32, #tpu.memory_space<vmem>> -> memref<1x128xf32, #tpu.memory_space<vmem>>
      %dma_wait3A_1013 = tpu.memref_squeeze %dma_wait3A_1012 : memref<1x128xf32, #tpu.memory_space<vmem>> -> memref<128xf32, #tpu.memory_space<vmem>>
      %dma_wait3A_1014 = arith.constant 0 : i32
      %dma_wait3A_1015 = tpu.memref_slice %arg7[%dma_wait3A_1009, %dma_wait3A_1014] : memref<25x128xi32, #tpu.memory_space<vmem>> -> memref<1x128xi32, #tpu.memory_space<vmem>>
      %dma_wait3A_1016 = tpu.memref_squeeze %dma_wait3A_1015 : memref<1x128xi32, #tpu.memory_space<vmem>> -> memref<128xi32, #tpu.memory_space<vmem>>
      %dma_wait3A_1017 = arith.constant 0 : i32
      %dma_wait3A_1018 = tpu.memref_slice %arg5[%dma_wait3A_1017] : memref<1000000xf32, #tpu.memory_space<vmem_shared>> -> memref<1000000xf32, #tpu.memory_space<vmem_shared>>
      tpu.wait_indirect_dma semaphore(%arg14 : memref<!tpu.dma_semaphore, #tpu.memory_space<semaphore_mem>>) src(%dma_wait3A_1018 : memref<1000000xf32, #tpu.memory_space<vmem_shared>>) dst(%dma_wait3A_1013 : memref<128xf32, #tpu.memory_space<vmem>>)
      %dma_wait3A_1019 = arith.constant 19 : i32
      %dma_wait3A_1020 = arith.constant 19 : i32
      %dma_wait3A_1021 = arith.constant 0 : i32
      %dma_wait3A_1022 = tpu.memref_slice %arg9[%dma_wait3A_1020, %dma_wait3A_1021] : memref<25x128xf32, #tpu.memory_space<vmem>> -> memref<1x128xf32, #tpu.memory_space<vmem>>
      %dma_wait3A_1023 = tpu.memref_squeeze %dma_wait3A_1022 : memref<1x128xf32, #tpu.memory_space<vmem>> -> memref<128xf32, #tpu.memory_space<vmem>>
      %dma_wait3A_1024 = arith.constant 0 : i32
      %dma_wait3A_1025 = tpu.memref_slice %arg7[%dma_wait3A_1019, %dma_wait3A_1024] : memref<25x128xi32, #tpu.memory_space<vmem>> -> memref<1x128xi32, #tpu.memory_space<vmem>>
      %dma_wait3A_1026 = tpu.memref_squeeze %dma_wait3A_1025 : memref<1x128xi32, #tpu.memory_space<vmem>> -> memref<128xi32, #tpu.memory_space<vmem>>
      %dma_wait3A_1027 = arith.constant 0 : i32
      %dma_wait3A_1028 = tpu.memref_slice %arg5[%dma_wait3A_1027] : memref<1000000xf32, #tpu.memory_space<vmem_shared>> -> memref<1000000xf32, #tpu.memory_space<vmem_shared>>
      tpu.wait_indirect_dma semaphore(%arg14 : memref<!tpu.dma_semaphore, #tpu.memory_space<semaphore_mem>>) src(%dma_wait3A_1028 : memref<1000000xf32, #tpu.memory_space<vmem_shared>>) dst(%dma_wait3A_1023 : memref<128xf32, #tpu.memory_space<vmem>>)
      %dma_wait3A_1029 = arith.constant 20 : i32
      %dma_wait3A_1030 = arith.constant 20 : i32
      %dma_wait3A_1031 = arith.constant 0 : i32
      %dma_wait3A_1032 = tpu.memref_slice %arg9[%dma_wait3A_1030, %dma_wait3A_1031] : memref<25x128xf32, #tpu.memory_space<vmem>> -> memref<1x128xf32, #tpu.memory_space<vmem>>
      %dma_wait3A_1033 = tpu.memref_squeeze %dma_wait3A_1032 : memref<1x128xf32, #tpu.memory_space<vmem>> -> memref<128xf32, #tpu.memory_space<vmem>>
      %dma_wait3A_1034 = arith.constant 0 : i32
      %dma_wait3A_1035 = tpu.memref_slice %arg7[%dma_wait3A_1029, %dma_wait3A_1034] : memref<25x128xi32, #tpu.memory_space<vmem>> -> memref<1x128xi32, #tpu.memory_space<vmem>>
      %dma_wait3A_1036 = tpu.memref_squeeze %dma_wait3A_1035 : memref<1x128xi32, #tpu.memory_space<vmem>> -> memref<128xi32, #tpu.memory_space<vmem>>
      %dma_wait3A_1037 = arith.constant 0 : i32
      %dma_wait3A_1038 = tpu.memref_slice %arg5[%dma_wait3A_1037] : memref<1000000xf32, #tpu.memory_space<vmem_shared>> -> memref<1000000xf32, #tpu.memory_space<vmem_shared>>
      tpu.wait_indirect_dma semaphore(%arg14 : memref<!tpu.dma_semaphore, #tpu.memory_space<semaphore_mem>>) src(%dma_wait3A_1038 : memref<1000000xf32, #tpu.memory_space<vmem_shared>>) dst(%dma_wait3A_1033 : memref<128xf32, #tpu.memory_space<vmem>>)
      %dma_wait3A_1039 = arith.constant 21 : i32
      %dma_wait3A_1040 = arith.constant 21 : i32
      %dma_wait3A_1041 = arith.constant 0 : i32
      %dma_wait3A_1042 = tpu.memref_slice %arg9[%dma_wait3A_1040, %dma_wait3A_1041] : memref<25x128xf32, #tpu.memory_space<vmem>> -> memref<1x128xf32, #tpu.memory_space<vmem>>
      %dma_wait3A_1043 = tpu.memref_squeeze %dma_wait3A_1042 : memref<1x128xf32, #tpu.memory_space<vmem>> -> memref<128xf32, #tpu.memory_space<vmem>>
      %dma_wait3A_1044 = arith.constant 0 : i32
      %dma_wait3A_1045 = tpu.memref_slice %arg7[%dma_wait3A_1039, %dma_wait3A_1044] : memref<25x128xi32, #tpu.memory_space<vmem>> -> memref<1x128xi32, #tpu.memory_space<vmem>>
      %dma_wait3A_1046 = tpu.memref_squeeze %dma_wait3A_1045 : memref<1x128xi32, #tpu.memory_space<vmem>> -> memref<128xi32, #tpu.memory_space<vmem>>
      %dma_wait3A_1047 = arith.constant 0 : i32
      %dma_wait3A_1048 = tpu.memref_slice %arg5[%dma_wait3A_1047] : memref<1000000xf32, #tpu.memory_space<vmem_shared>> -> memref<1000000xf32, #tpu.memory_space<vmem_shared>>
      tpu.wait_indirect_dma semaphore(%arg14 : memref<!tpu.dma_semaphore, #tpu.memory_space<semaphore_mem>>) src(%dma_wait3A_1048 : memref<1000000xf32, #tpu.memory_space<vmem_shared>>) dst(%dma_wait3A_1043 : memref<128xf32, #tpu.memory_space<vmem>>)
      %dma_wait3A_1049 = arith.constant 22 : i32
      %dma_wait3A_1050 = arith.constant 22 : i32
      %dma_wait3A_1051 = arith.constant 0 : i32
      %dma_wait3A_1052 = tpu.memref_slice %arg9[%dma_wait3A_1050, %dma_wait3A_1051] : memref<25x128xf32, #tpu.memory_space<vmem>> -> memref<1x128xf32, #tpu.memory_space<vmem>>
      %dma_wait3A_1053 = tpu.memref_squeeze %dma_wait3A_1052 : memref<1x128xf32, #tpu.memory_space<vmem>> -> memref<128xf32, #tpu.memory_space<vmem>>
      %dma_wait3A_1054 = arith.constant 0 : i32
      %dma_wait3A_1055 = tpu.memref_slice %arg7[%dma_wait3A_1049, %dma_wait3A_1054] : memref<25x128xi32, #tpu.memory_space<vmem>> -> memref<1x128xi32, #tpu.memory_space<vmem>>
      %dma_wait3A_1056 = tpu.memref_squeeze %dma_wait3A_1055 : memref<1x128xi32, #tpu.memory_space<vmem>> -> memref<128xi32, #tpu.memory_space<vmem>>
      %dma_wait3A_1057 = arith.constant 0 : i32
      %dma_wait3A_1058 = tpu.memref_slice %arg5[%dma_wait3A_1057] : memref<1000000xf32, #tpu.memory_space<vmem_shared>> -> memref<1000000xf32, #tpu.memory_space<vmem_shared>>
      tpu.wait_indirect_dma semaphore(%arg14 : memref<!tpu.dma_semaphore, #tpu.memory_space<semaphore_mem>>) src(%dma_wait3A_1058 : memref<1000000xf32, #tpu.memory_space<vmem_shared>>) dst(%dma_wait3A_1053 : memref<128xf32, #tpu.memory_space<vmem>>)
      %dma_wait3A_1059 = arith.constant 23 : i32
      %dma_wait3A_1060 = arith.constant 23 : i32
      %dma_wait3A_1061 = arith.constant 0 : i32
      %dma_wait3A_1062 = tpu.memref_slice %arg9[%dma_wait3A_1060, %dma_wait3A_1061] : memref<25x128xf32, #tpu.memory_space<vmem>> -> memref<1x128xf32, #tpu.memory_space<vmem>>
      %dma_wait3A_1063 = tpu.memref_squeeze %dma_wait3A_1062 : memref<1x128xf32, #tpu.memory_space<vmem>> -> memref<128xf32, #tpu.memory_space<vmem>>
      %dma_wait3A_1064 = arith.constant 0 : i32
      %dma_wait3A_1065 = tpu.memref_slice %arg7[%dma_wait3A_1059, %dma_wait3A_1064] : memref<25x128xi32, #tpu.memory_space<vmem>> -> memref<1x128xi32, #tpu.memory_space<vmem>>
      %dma_wait3A_1066 = tpu.memref_squeeze %dma_wait3A_1065 : memref<1x128xi32, #tpu.memory_space<vmem>> -> memref<128xi32, #tpu.memory_space<vmem>>
      %dma_wait3A_1067 = arith.constant 0 : i32
      %dma_wait3A_1068 = tpu.memref_slice %arg5[%dma_wait3A_1067] : memref<1000000xf32, #tpu.memory_space<vmem_shared>> -> memref<1000000xf32, #tpu.memory_space<vmem_shared>>
      tpu.wait_indirect_dma semaphore(%arg14 : memref<!tpu.dma_semaphore, #tpu.memory_space<semaphore_mem>>) src(%dma_wait3A_1068 : memref<1000000xf32, #tpu.memory_space<vmem_shared>>) dst(%dma_wait3A_1063 : memref<128xf32, #tpu.memory_space<vmem>>)
      %dma_wait3A_1069 = arith.constant 24 : i32
      %dma_wait3A_1070 = arith.constant 24 : i32
      %dma_wait3A_1071 = arith.constant 0 : i32
      %dma_wait3A_1072 = tpu.memref_slice %arg9[%dma_wait3A_1070, %dma_wait3A_1071] : memref<25x128xf32, #tpu.memory_space<vmem>> -> memref<1x128xf32, #tpu.memory_space<vmem>>
      %dma_wait3A_1073 = tpu.memref_squeeze %dma_wait3A_1072 : memref<1x128xf32, #tpu.memory_space<vmem>> -> memref<128xf32, #tpu.memory_space<vmem>>
      %dma_wait3A_1074 = arith.constant 0 : i32
      %dma_wait3A_1075 = tpu.memref_slice %arg7[%dma_wait3A_1069, %dma_wait3A_1074] : memref<25x128xi32, #tpu.memory_space<vmem>> -> memref<1x128xi32, #tpu.memory_space<vmem>>
      %dma_wait3A_1076 = tpu.memref_squeeze %dma_wait3A_1075 : memref<1x128xi32, #tpu.memory_space<vmem>> -> memref<128xi32, #tpu.memory_space<vmem>>
      %dma_wait3A_1077 = arith.constant 0 : i32
      %dma_wait3A_1078 = tpu.memref_slice %arg5[%dma_wait3A_1077] : memref<1000000xf32, #tpu.memory_space<vmem_shared>> -> memref<1000000xf32, #tpu.memory_space<vmem_shared>>
      tpu.wait_indirect_dma semaphore(%arg14 : memref<!tpu.dma_semaphore, #tpu.memory_space<semaphore_mem>>) src(%dma_wait3A_1078 : memref<1000000xf32, #tpu.memory_space<vmem_shared>>) dst(%dma_wait3A_1073 : memref<128xf32, #tpu.memory_space<vmem>>)
      %add3A_1079 = arith.constant 2 : i32
      %add3A_1080 = arith.addi %add3A_566, %add3A_1079 : i32
      %le3A_1081 = arith.constant 31 : i32
      %le3A_1082 = arith.cmpi sle, %add3A_1080, %le3A_1081 : i32
      %convert_element_type3A_1083 = arith.extui %le3A_1082 : i1 to i32
      %cond3A_1084 = arith.constant 0 : i32
      %cond3A_1085 = arith.cmpi ne, %convert_element_type3A_1083, %cond3A_1084 : i32
      scf.if %cond3A_1085 {
        %add3A_1093 = arith.constant 2 : i32
        %add3A_1094 = arith.addi %add3A_566, %add3A_1093 : i32
        %mul3A_1095 = arith.constant 25 : i32
        %mul3A_1096 = arith.muli %add3A_1094, %mul3A_1095 : i32
        %add3A_1097 = arith.addi %mul3A_2, %mul3A_1096 : i32
        %dma_start3A_1098 = arith.constant 0 : i32
        %dma_start3A_1099 = tpu.memref_slice %arg2[%add3A_1097, %dma_start3A_1098] : memref<25600x128xi32, #tpu.memory_space<hbm>> -> memref<25x128xi32, #tpu.memory_space<hbm>>
        %dma_start3A_1100 = arith.constant 0 : i32
        %dma_start3A_1101 = tpu.memref_slice %arg2[%add3A_1097, %dma_start3A_1100] : memref<25600x128xi32, #tpu.memory_space<hbm>> -> memref<25x128xi32, #tpu.memory_space<hbm>>
        tpu.enqueue_dma source(%dma_start3A_1101 : memref<25x128xi32, #tpu.memory_space<hbm>>) target(%arg7 : memref<25x128xi32, #tpu.memory_space<vmem>>) target_semaphore(%arg12 : memref<!tpu.dma_semaphore, #tpu.memory_space<semaphore_mem>>)
      } else {
      }
      %mul3A_1086 = arith.constant 25 : i32
      %mul3A_1087 = arith.muli %add3A_566, %mul3A_1086 : i32
      %add3A_1088 = arith.addi %mul3A_2, %mul3A_1087 : i32
      %dma_start3A_1089 = arith.constant 0 : i32
      %dma_start3A_1090 = tpu.memref_slice %arg4[%add3A_1088, %dma_start3A_1089] : memref<25600x128xf32, #tpu.memory_space<hbm>> -> memref<25x128xf32, #tpu.memory_space<hbm>>
      %dma_start3A_1091 = arith.constant 0 : i32
      %dma_start3A_1092 = tpu.memref_slice %arg4[%add3A_1088, %dma_start3A_1091] : memref<25600x128xf32, #tpu.memory_space<hbm>> -> memref<25x128xf32, #tpu.memory_space<hbm>>
      tpu.enqueue_dma source(%arg9 : memref<25x128xf32, #tpu.memory_space<vmem>>) target(%dma_start3A_1092 : memref<25x128xf32, #tpu.memory_space<hbm>>) target_semaphore(%arg16 : memref<!tpu.dma_semaphore, #tpu.memory_space<semaphore_mem>>)
    }
    %scan3A_24 = arith.constant 16 : i32
    %add3A_25 = arith.constant 750 : i32
    %add3A_26 = arith.addi %mul3A_2, %add3A_25 : i32
    %dma_wait3A = arith.constant 0 : i32
    %dma_wait3A_27 = tpu.memref_slice %arg4[%add3A_26, %dma_wait3A] : memref<25600x128xf32, #tpu.memory_space<hbm>> -> memref<25x128xf32, #tpu.memory_space<hbm>>
    %dma_wait3A_28 = arith.constant 0 : i32
    %dma_wait3A_29 = tpu.memref_slice %arg4[%add3A_26, %dma_wait3A_28] : memref<25600x128xf32, #tpu.memory_space<hbm>> -> memref<25x128xf32, #tpu.memory_space<hbm>>
    tpu.wait_dma2 semaphore(%arg15 : memref<!tpu.dma_semaphore, #tpu.memory_space<semaphore_mem>>) src(%arg8 : memref<25x128xf32, #tpu.memory_space<vmem>>) dst(%dma_wait3A_29 : memref<25x128xf32, #tpu.memory_space<hbm>>)
    %add3A_30 = arith.constant 775 : i32
    %add3A_31 = arith.addi %mul3A_2, %add3A_30 : i32
    %dma_wait3A_32 = arith.constant 0 : i32
    %dma_wait3A_33 = tpu.memref_slice %arg4[%add3A_31, %dma_wait3A_32] : memref<25600x128xf32, #tpu.memory_space<hbm>> -> memref<25x128xf32, #tpu.memory_space<hbm>>
    %dma_wait3A_34 = arith.constant 0 : i32
    %dma_wait3A_35 = tpu.memref_slice %arg4[%add3A_31, %dma_wait3A_34] : memref<25600x128xf32, #tpu.memory_space<hbm>> -> memref<25x128xf32, #tpu.memory_space<hbm>>
    tpu.wait_dma2 semaphore(%arg16 : memref<!tpu.dma_semaphore, #tpu.memory_space<semaphore_mem>>) src(%arg9 : memref<25x128xf32, #tpu.memory_space<vmem>>) dst(%dma_wait3A_35 : memref<25x128xf32, #tpu.memory_space<hbm>>)
    return
  }
}

module attributes {stable_mosaic.version = 14 : i64} {
  func.func @_head_body(%arg0: i32, %arg1: memref<3200x128xf32, #tpu.memory_space<vmem>>, %arg2: memref<1x2xf32, #tpu.memory_space<vmem>>, %arg3: memref<2x128x128xf32, #tpu.memory_space<vmem>>, %arg4: memref<128x128xf32, #tpu.memory_space<vmem>>) attributes {dimension_semantics = [#tpu.dimension_semantics<arbitrary>], iteration_bounds = array<i64: 8>, scalar_prefetch = 0 : i64, scratch_operands = 1 : i64, tpu.core_type = #tpu.core_type<tc>, window_params = [{transform_indices = @transform_0, window_bounds = array<i64: 3200, 128>}, {pipeline_mode = #tpu.pipeline_mode<synchronous>, transform_indices = @transform_1, window_bounds = array<i64: 1, 2>}, {pipeline_mode = #tpu.pipeline_mode<synchronous>, transform_indices = @transform_2, window_bounds = array<i64: 2, 128, 128>}]} {
    %get3A = arith.constant 0 : index
    %get3A_0 = arith.constant 0 : index
    %get3A_1 = vector.load %arg1[%get3A, %get3A_0] : memref<3200x128xf32, #tpu.memory_space<vmem>>, vector<3200x128xf32>
    %reshape3A = vector.shape_cast %get3A_1 : vector<3200x128xf32> to vector<25x128x128xf32>
    %reduce_sum3A = arith.constant dense<0.000000e+00> : vector<128x128xf32>
    %reduce_sum3A_2 = vector.multi_reduction <add>, %reshape3A, %reduce_sum3A [0] : vector<25x128x128xf32> to vector<128x128xf32>
    %eq3A = arith.constant 0 : i32
    %eq3A_3 = arith.cmpi eq, %arg0, %eq3A : i32
    %convert_element_type3A = arith.extui %eq3A_3 : i1 to i32
    %cond3A = arith.constant 0 : i32
    %cond3A_4 = arith.cmpi ne, %convert_element_type3A, %cond3A : i32
    scf.if %cond3A_4 {
      %swap3A = arith.constant 0 : index
      %swap3A_14 = arith.constant 0 : index
      %swap3A_15 = vector.load %arg4[%swap3A, %swap3A_14] : memref<128x128xf32, #tpu.memory_space<vmem>>, vector<128x128xf32>
      tpu.vector_store %arg4[%swap3A, %swap3A_14], %reduce_sum3A_2 {strides = array<i32>} : memref<128x128xf32, #tpu.memory_space<vmem>>, vector<128x128xf32>,
    } else {
    }
    %gt3A = arith.constant 0 : i32
    %gt3A_5 = arith.cmpi sgt, %arg0, %gt3A : i32
    %convert_element_type3A_6 = arith.extui %gt3A_5 : i1 to i32
    %cond3A_7 = arith.constant 0 : i32
    %cond3A_8 = arith.cmpi ne, %convert_element_type3A_6, %cond3A_7 : i32
    scf.if %cond3A_8 {
      %get3A_14 = arith.constant 0 : index
      %get3A_15 = arith.constant 0 : index
      %get3A_16 = vector.load %arg4[%get3A_14, %get3A_15] : memref<128x128xf32, #tpu.memory_space<vmem>>, vector<128x128xf32>
      %add3A = arith.addf %get3A_16, %reduce_sum3A_2 : vector<128x128xf32>
      %swap3A = arith.constant 0 : index
      %swap3A_17 = arith.constant 0 : index
      %swap3A_18 = vector.load %arg4[%swap3A, %swap3A_17] : memref<128x128xf32, #tpu.memory_space<vmem>>, vector<128x128xf32>
      tpu.vector_store %arg4[%swap3A, %swap3A_17], %add3A {strides = array<i32>} : memref<128x128xf32, #tpu.memory_space<vmem>>, vector<128x128xf32>,
    } else {
    }
    %eq3A_9 = arith.constant 7 : i32
    %eq3A_10 = arith.cmpi eq, %arg0, %eq3A_9 : i32
    %convert_element_type3A_11 = arith.extui %eq3A_10 : i1 to i32
    %cond3A_12 = arith.constant 0 : i32
    %cond3A_13 = arith.cmpi ne, %convert_element_type3A_11, %cond3A_12 : i32
    scf.if %cond3A_13 {
      %get3A_14 = arith.constant 0 : index
      %get3A_15 = arith.constant 0 : index
      %get3A_16 = vector.load %arg2[%get3A_14, %get3A_15] : memref<1x2xf32, #tpu.memory_space<vmem>>, vector<1x2xf32>
      %get3A_17 = arith.constant 0 : index
      %get3A_18 = arith.constant 0 : index
      %get3A_19 = vector.load %arg4[%get3A_17, %get3A_18] : memref<128x128xf32, #tpu.memory_space<vmem>>, vector<128x128xf32>
      %slice3A = vector.extract_strided_slice %get3A_16 {offsets = [0, 0], sizes = [1, 1], strides = [1, 1]} : vector<1x2xf32> to vector<1x1xf32>
      %squeeze3A = vector.extract %slice3A[0, 0] : f32 from vector<1x1xf32>
      %slice3A_20 = vector.extract_strided_slice %get3A_16 {offsets = [0, 1], sizes = [1, 1], strides = [1, 1]} : vector<1x2xf32> to vector<1x1xf32>
      %squeeze3A_21 = vector.extract %slice3A_20[0, 0] : f32 from vector<1x1xf32>
      %sub3A = arith.subf %squeeze3A, %squeeze3A_21 : f32
      %add3A = vector.broadcast %sub3A : f32 to vector<128x128xf32>
      %add3A_22 = arith.addf %get3A_19, %add3A : vector<128x128xf32>
      %iota3A = tpu.iota {dimensions = array<i32: 0>} : vector<2x128x128xi32>
      %eq3A_23 = arith.constant 0 : i32
      %eq3A_24 = vector.broadcast %eq3A_23 : i32 to vector<2x128x128xi32>
      %eq3A_25 = arith.cmpi eq, %iota3A, %eq3A_24 : vector<2x128x128xi32>
      %broadcast_in_dim3A = vector.shape_cast %add3A_22 : vector<128x128xf32> to vector<1x128x128xf32>
      %neg3A = arith.constant 0.000000e+00 : f32
      %neg3A_26 = vector.broadcast %neg3A : f32 to vector<1x128x128xf32>
      %neg3A_27 = arith.subf %neg3A_26, %broadcast_in_dim3A : vector<1x128x128xf32>
      %broadcast_in_dim3A_28 = vector.shape_cast %add3A_22 : vector<128x128xf32> to vector<1x128x128xf32>
      %broadcast_in_dim3A_29 = vector.shape_cast %neg3A_27 : vector<1x128x128xf32> to vector<1x128x128xf32>
      %broadcast_in_dim3A_30 = vector.broadcast %broadcast_in_dim3A_29 : vector<1x128x128xf32> to vector<2x128x128xf32>
      %broadcast_in_dim3A_31 = vector.shape_cast %broadcast_in_dim3A_28 : vector<1x128x128xf32> to vector<1x128x128xf32>
      %broadcast_in_dim3A_32 = vector.broadcast %broadcast_in_dim3A_31 : vector<1x128x128xf32> to vector<2x128x128xf32>
      %select_n3A = arith.select %eq3A_25, %broadcast_in_dim3A_30, %broadcast_in_dim3A_32 : vector<2x128x128xi1>, vector<2x128x128xf32>
      %max3A = arith.constant 0.000000e+00 : f32
      %max3A_33 = vector.broadcast %max3A : f32 to vector<2x128x128xf32>
      %max3A_34 = arith.maximumf %select_n3A, %max3A_33 : vector<2x128x128xf32>
      %abs3A = math.absf %select_n3A : vector<2x128x128xf32>
      %neg3A_35 = arith.constant 0.000000e+00 : f32
      %neg3A_36 = vector.broadcast %neg3A_35 : f32 to vector<2x128x128xf32>
      %neg3A_37 = arith.subf %neg3A_36, %abs3A : vector<2x128x128xf32>
      %exp3A = math.exp %neg3A_37 : vector<2x128x128xf32>
      %log1p3A = math.log1p %exp3A : vector<2x128x128xf32>
      %add3A_38 = arith.addf %max3A_34, %log1p3A : vector<2x128x128xf32>
      %neg3A_39 = arith.constant 0.000000e+00 : f32
      %neg3A_40 = vector.broadcast %neg3A_39 : f32 to vector<2x128x128xf32>
      %neg3A_41 = arith.subf %neg3A_40, %add3A_38 : vector<2x128x128xf32>
      %swap3A = arith.constant 0 : index
      %swap3A_42 = arith.constant 0 : index
      %swap3A_43 = arith.constant 0 : index
      %swap3A_44 = vector.load %arg3[%swap3A, %swap3A_42, %swap3A_43] : memref<2x128x128xf32, #tpu.memory_space<vmem>>, vector<2x128x128xf32>
      tpu.vector_store %arg3[%swap3A, %swap3A_42, %swap3A_43], %neg3A_41 {strides = array<i32>} : memref<2x128x128xf32, #tpu.memory_space<vmem>>, vector<2x128x128xf32>,
    } else {
    }
    return
  }
  func.func @transform_0(%arg0: i32) -> (i32, i32) {
    %c0_i32 = arith.constant 0 : i32
    %c0_i32_0 = arith.constant 0 : i32
    return %arg0, %c0_i32 : i32, i32
  }
  func.func @transform_1(%arg0: i32) -> (i32, i32) {
    %c0_i32 = arith.constant 0 : i32
    %c0_i32_0 = arith.constant 0 : i32
    %c0_i32_1 = arith.constant 0 : i32
    return %c0_i32, %c0_i32_0 : i32, i32
  }
  func.func @transform_2(%arg0: i32) -> (i32, i32, i32) {
    %c0_i32 = arith.constant 0 : i32
    %c0_i32_0 = arith.constant 0 : i32
    %c0_i32_1 = arith.constant 0 : i32
    %c0_i32_2 = arith.constant 0 : i32
    return %c0_i32, %c0_i32_0, %c0_i32_1 : i32, i32, i32
  }
}

module attributes {stable_mosaic.version = 14 : i64} {
  func.func @_project_body(%arg0: i32, %arg1: memref<64x51200xf32, #tpu.memory_space<vmem>>, %arg2: memref<64x2xf32, #tpu.memory_space<vmem>>, %arg3: memref<51200xf32, #tpu.memory_space<vmem>>) attributes {dimension_semantics = [#tpu.dimension_semantics<arbitrary>], iteration_bounds = array<i64: 20>, scalar_prefetch = 0 : i64, scratch_operands = 0 : i64, tpu.core_type = #tpu.core_type<tc>, window_params = [{transform_indices = @transform_0, window_bounds = array<i64: 64, 51200>}, {pipeline_mode = #tpu.pipeline_mode<synchronous>, transform_indices = @transform_1, window_bounds = array<i64: 64, 2>}, {transform_indices = @transform_2, window_bounds = array<i64: 51200>}]} {
    %get3A = arith.constant 0 : index
    %get3A_0 = arith.constant 0 : index
    %get3A_1 = vector.load %arg1[%get3A, %get3A_0] : memref<64x51200xf32, #tpu.memory_space<vmem>>, vector<64x51200xf32>
    %get3A_2 = arith.constant 0 : index
    %get3A_3 = arith.constant 0 : index
    %get3A_4 = vector.load %arg2[%get3A_2, %get3A_3] : memref<64x2xf32, #tpu.memory_space<vmem>>, vector<64x2xf32>
    %slice3A = vector.extract_strided_slice %get3A_4 {offsets = [0, 0], sizes = [64, 1], strides = [1, 1]} : vector<64x2xf32> to vector<64x1xf32>
    %slice3A_5 = vector.extract_strided_slice %get3A_4 {offsets = [0, 1], sizes = [64, 1], strides = [1, 1]} : vector<64x2xf32> to vector<64x1xf32>
    %sub3A = arith.subf %slice3A, %slice3A_5 : vector<64x1xf32>
    %mul3A = arith.constant 5.000000e-03 : f32
    %mul3A_6 = vector.broadcast %mul3A : f32 to vector<64x1xf32>
    %mul3A_7 = arith.mulf %sub3A, %mul3A_6 : vector<64x1xf32>
    %dot_general3A = arith.constant dense<0.000000e+00> : vector<1x51200xf32>
    %dot_general3A_8 = tpu.matmul %mul3A_7, %get3A_1, %dot_general3A {dimension_numbers = #tpu.dot_dimension_numbers<[0], [0], [1], [1], [0, 1, 1, 1], [], []>, transpose_lhs_hint = false} : vector<64x1xf32>, vector<64x51200xf32>, vector<1x51200xf32> -> vector<1x51200xf32>
    %reshape3A = vector.shape_cast %dot_general3A_8 : vector<1x51200xf32> to vector<51200xf32>
    %swap3A = arith.constant 0 : index
    %swap3A_9 = vector.load %arg3[%swap3A] : memref<51200xf32, #tpu.memory_space<vmem>>, vector<51200xf32>
    tpu.vector_store %arg3[%swap3A], %reshape3A {strides = array<i32>} : memref<51200xf32, #tpu.memory_space<vmem>>, vector<51200xf32>,
    return
  }
  func.func @transform_0(%arg0: i32) -> (i32, i32) {
    %c0_i32 = arith.constant 0 : i32
    %c0_i32_0 = arith.constant 0 : i32
    return %c0_i32, %arg0 : i32, i32
  }
  func.func @transform_1(%arg0: i32) -> (i32, i32) {
    %c0_i32 = arith.constant 0 : i32
    %c0_i32_0 = arith.constant 0 : i32
    %c0_i32_1 = arith.constant 0 : i32
    return %c0_i32, %c0_i32_0 : i32, i32
  }
  func.func @transform_2(%arg0: i32) -> i32 {
    %c0_i32 = arith.constant 0 : i32
    return %arg0 : i32
  }
}

</mosaic_0001>

<sc_bundles>
// kernel: kernel.5.cloned.1.call-start
scs
__scs_entry_jumppad:
0x0: {  	(pc) =	sbr.rel $0x88, $3  }
0x1: {  	(tag) =	ssettag $0x0;
	lr =	simm.s32 $0x1  }
0x2: {  	[smem:$0x3F9D] =	sst lr;
	_ =	strace $0xD0000000  }
0x3: {  	_ = 	snop  }
0x4: {  	_ = 	snop  }
0x5: {  	_ = 	snop  }
0x6: {  	_ = 	snop  }
0x7: {  	_ = 	snop  }
__scs_overlays_trampoline_lowered:
0x8: {  	[smem:$0x3FAC] =	sst s0  }
0x9: {  	[smem:$0x3FAD] =	sst s1  }
0xa: {  	[smem:$0x3FAE] =	sst s2  }
0xb: {  	[smem:$0x3FAF] =	sst s3  }
0xc: {  	[smem:$0x3FB0] =	sst s4  }
0xd: {  	[smem:$0x3FB1] =	sst s5  }
0xe: {  	[smem:$0x3FB2] =	sst s6  }
0xf: {  	[smem:$0x3FB3] =	sst s7  }
0x10: {  	[smem:$0x3FB4] =	sst s8  }
0x11: {  	[smem:$0x3FB5] =	sst s9;
	s0 =	simm.s32 @!p0 $0x0  }
0x12: {  	s1 =	sld [smem:$0x3F9B];
	s0 =	simm.s32 @p0 $0x1  }
0x13: {  	[smem:$0x3FB6] =	sst s0;
	s0 =	simm.s32 @!p1 $0x0  }
0x14: {  	s2 =	sld [smem:$0x3F9A];
	s0 =	simm.s32 @p1 $0x1  }
0x15: {  	[smem:$0x3FB7] =	sst s0;
	s0 =	simm.s32 @!p2 $0x0  }
0x16: {  	s3 =	sld [smem:$0x3FDB];
	s0 =	simm.s32 @p2 $0x1  }
0x17: {  	s4 =	simm.s32 $0x1BF5;
	[smem:$0x3FB9] =	sst s0  }
0x18: {  	s0 =	sld [smem:$0x3F9C];
	_ =	swait.ge [sflag:s4], $0x0  }
0x19: {  	s7 =	sld [smem:$0x3F9D]  }
0x1a: {  	s8 =	sadd.s32 $0xFFFFE003, lr  }
0x1b: {  	s9 =	sadd.s32 $0xFFFFFEF7, lr;
	s5 =	simm.s32 $0xFFFFFFFF;
	p2 =	slt.u32 s8, $0xFFFFF086  }
0x1c: {  	p1 =	slt.u32 s9, $0xF7A;
	s5 =	simm.s32 @!p2 $0x0  }
0x1d: {  	s5 =	simm.s32 @p1 $0x1;
	p0 =	seq.s32 s7, s2  }
0x1e: {  	s7 =	smul.u32 @!p0 $0xF7A, s2;
	p2 =	seq.s32 @!p0 s5, $0x0  }
0x1f: {  	s9 =	smul.u32 $0xF7A, s1;
	s8 =	simm.s32 @!p0 $0x1BF5;
	p2 =	por !p2, p0  }
0x20: {  	[sflag:s8] =	ssyncset.s32 @!p0 $0xFFFFF086;
	s6 =	sadd.s32 @!p0 s3, s7;
	s7 =	simm.s32 @!p0 $0x108  }
0x21: {  	s3 =	sadd.s32 s3, s9;
	s6 =	sadd.s32 @!p0 $0x88, s6;
	s7 =	simm.s32 @p2 $0x1082  }
0x22: {  	[simem:s7], [sflag:s8] =	dma.local @!p0 [hbm:s6], $0xF7A  }
0x23: {  	s9 =	sor.u32 $0xD0000000, s2;
	s6 =	simm.s32 $0x108;
	_ =	swait.ge @!p0 [sflag:s8], $0x0  }
0x24: {  	s3 =	sadd.s32 $0x88, s3;
	s6 =	simm.s32 @!p1 $0x1082;
	[sflag:s4] =	ssyncset.s32 $0xFFFFF086  }
0x25: {  	[simem:s6], [sflag:s4] =	dma.local [hbm:s3], $0xF7A  }
0x26: {  	[smem:$0x3F9D] =	sst s1;
	(tag) =	ssettag s2;
	_ =	strace s9  }
0x27: {  	s1 =	sld [smem:$0x3FAD]  }
0x28: {  	s2 =	sld [smem:$0x3FAE]  }
0x29: {  	s4 =	sld [smem:$0x3FB0]  }
0x2a: {  	p0 =	seq.s32 s5, $0x0;
	s5 =	sld [smem:$0x3FB1]  }
0x2b: {  	s6 =	sld [smem:$0x3FB2]  }
0x2c: {  	s7 =	sld [smem:$0x3FB3]  }
0x2d: {  	s3 =	simm.s32 $0x108;
	s8 =	sld [smem:$0x3FB4]  }
0x2e: {  	s3 =	simm.s32 @!p0 $0x1082;
	s9 =	sld [smem:$0x3FB5]  }
0x2f: {  	lr =	sadd.s32 s0, s3;
	s0 =	sld [smem:$0x3FAC]  }
0x30: {  	s3 =	sld [smem:$0x3FAF]  }
0x31: {  	[smem:$0x3FB8] =	sst s10  }
0x32: {  	s10 =	sld [smem:$0x3FB6];
	_ =	sdelay $0x3  }
0x33: {  	p0 =	seq.s32 s10, $0x1;
	s10 =	sld [smem:$0x3FB8];
	_ =	sdelay $0x3  }
0x34: {  	[smem:$0x3FB8] =	sst s10  }
0x35: {  	s10 =	sld [smem:$0x3FB7];
	_ =	sdelay $0x3  }
0x36: {  	p1 =	seq.s32 s10, $0x1;
	s10 =	sld [smem:$0x3FB8];
	_ =	sdelay $0x3  }
0x37: {  	[smem:$0x3FB8] =	sst s10  }
0x38: {  	s10 =	sld [smem:$0x3FB9]  }
0x39: {  	_ = 	snop;
	(pc) =	sbr.ind lr, $3  }
0x3a: {  	_ = 	snop  }
0x3b: {  	_ = 	snop  }
0x3c: {  	p2 =	seq.s32 s10, $0x1;
	s10 =	sld [smem:$0x3FB8]  }
0x3d: {  	_ =	shalt  }
0x3e: {  	_ =	shalt  }
0x3f: {  	_ =	shalt  }
0x40: {  	_ =	shalt  }
0x41: {  	_ =	shalt  }
0x42: {  	_ =	shalt  }
0x43: {  	_ =	shalt  }
0x44: {  	_ =	shalt  }
0x45: {  	_ =	shalt  }
0x46: {  	_ =	shalt  }
0x47: {  	_ =	shalt  }
0x48: {  	_ =	shalt  }
0x49: {  	_ =	shalt  }
0x4a: {  	_ =	shalt  }
0x4b: {  	_ =	shalt  }
0x4c: {  	_ =	shalt  }
0x4d: {  	_ =	shalt  }
0x4e: {  	_ =	shalt  }
0x4f: {  	_ =	shalt  }
0x50: {  	_ =	shalt  }
0x51: {  	_ =	shalt  }
0x52: {  	_ =	shalt  }
0x53: {  	_ =	shalt  }
0x54: {  	_ =	shalt  }
0x55: {  	_ =	shalt  }
0x56: {  	_ =	shalt  }
0x57: {  	_ =	shalt  }
0x58: {  	_ =	shalt  }
0x59: {  	_ =	shalt  }
0x5a: {  	_ =	shalt  }
0x5b: {  	_ =	shalt  }
0x5c: {  	_ =	shalt  }
0x5d: {  	_ =	shalt  }
0x5e: {  	_ =	shalt  }
0x5f: {  	_ =	shalt  }
0x60: {  	_ =	shalt  }
0x61: {  	_ =	shalt  }
0x62: {  	_ =	shalt  }
0x63: {  	_ =	shalt  }
0x64: {  	_ =	shalt  }
0x65: {  	_ =	shalt  }
0x66: {  	_ =	shalt  }
0x67: {  	_ =	shalt  }
0x68: {  	_ =	shalt  }
0x69: {  	_ =	shalt  }
0x6a: {  	_ =	shalt  }
0x6b: {  	_ =	shalt  }
0x6c: {  	_ =	shalt  }
0x6d: {  	_ =	shalt  }
0x6e: {  	_ =	shalt  }
0x6f: {  	_ =	shalt  }
0x70: {  	_ =	shalt  }
0x71: {  	_ =	shalt  }
0x72: {  	_ =	shalt  }
0x73: {  	_ =	shalt  }
0x74: {  	_ =	shalt  }
0x75: {  	_ =	shalt  }
0x76: {  	_ =	shalt  }
0x77: {  	_ =	shalt  }
0x78: {  	_ =	shalt  }
0x79: {  	_ =	shalt  }
0x7a: {  	_ =	shalt  }
0x7b: {  	_ =	shalt  }
0x7c: {  	_ =	shalt  }
0x7d: {  	_ =	shalt  }
0x7e: {  	_ =	shalt  }
0x7f: {  	_ =	shalt  }
0x80: {  	_ =	shalt  }
0x81: {  	_ =	shalt  }
0x82: {  	_ =	shalt  }
0x83: {  	_ =	shalt  }
0x84: {  	_ =	shalt  }
0x85: {  	_ =	shalt  }
0x86: {  	_ =	shalt  }
0x87: {  	_ =	shalt  }
.Lfunc_end0:
.L_simem_size_0:
called_computation_lowered:
.L_overlay_start_0:
0x88: {  	s2 =	sld [smem:$0x3FD9]  }
0x89: {  	s3 =	sld [smem:$0x3FFE];
	_ =	sdelay $0x1  }
0x8a: {  	s1 =	srdreg.scid  }
0x8b: {  	s0 =	sand.u32 $0x1, s1  }
0x8c: {  	s16 =	sshll.u32 s0, $0xA;
	s2 =	sadd.s32 s3, s2  }
0x8d: {  	s2 =	sadd.s32 s2, s16  }
0x8e: {  	[smem:$0x3FC4] =	sst s2  }
0x8f: {  	_ = 	snop  }
0x90: {  	(tm) =	ssettm $0x1  }
0x91: {  	s17 =	sld [smem:$0x3FFB];
	_ =	sdelay $0x3  }
0x92: {  	_ =	strace s17  }
0x93: {  	s2 =	sld [smem:$0x3FFC];
	_ =	sdelay $0x3  }
0x94: {  	_ =	strace s2  }
0x95: {  	s2 =	sld [smem:$0x3FFD];
	_ =	sdelay $0x3  }
0x96: {  	_ =	strace s2  }
0x97: {  	_ =	strace $0x8FFFFFFF  }
0x98: {  	s18 =	sld [smem:$0x3FDB];
	_ =	sdelay $0x1  }
0x99: {  	s19 =	simm.s32 $_scs_section_size  }
0x9a: {  	s4 =	simm.s32 $_size__tile_overlayer_lowered;
	s5 =	simm.s32 $_tile_overlayer_lowered  }
0x9b: {  	s22 =	simm.s32 $0x1BFF;
	s21 =	sshll.u32 s5, $0x1;
	s2 =	sadd.s32 s19, s18  }
0x9c: {  	s6 =	simm.s32 $0x0;
	s20 =	sshll.u32 s4, $0x1;
	s4 =	sadd.s32 s21, s2  }
0x9d: {  	[timem:s6], [sflag:s22] =	dma.local [hbm:s4], s20  }
0x9e: {  	_ =	swait.ge [sflag:s22], s20  }
0x9f: {  	s3 =	ssub.s32 $0x0, s20;
	[sflag:s22] =	ssyncset.done $0x0  }
0xa0: {  	[sflag:s22] =	ssyncadd.s32 s3;
	_ =	sdelay $0x1  }
0xa1: {  	s23 =	simm.s32 $0x1B8B  }
0xa2: {  	_ =	swait.ge [sflag:s23], $0x1  }
0xa3: {  	[sflag:s23] =	ssyncset.done $0x0  }
0xa4: {  	s25 =	simm.s32 $0x1B8E;
	s24 =	sld [smem:$0x3FFE];
	[sflag:s23] =	ssyncadd.s32 $0xFFFFFFFF  }
0xa5: {  	s26 =	simm.s32 $execute0_lowered;
	[smem:$0x3FD2] =	sst s25  }
0xa6: {  	s4 =	sshll.u32 s26, $0x1;
	_ =	strace $0x80000046;
	[dreg:$0x1] =	wrdreg $0xFFFFFFFF  }
0xa7: {  	s28 =	simm.s32 $_size_execute0_lowered;
	s2 =	sadd.s32 s2, s4;
	[dreg:$0x0] =	wrdreg $0x0  }
0xa8: {  	s4 =	sshll.u32 s28, $0x1;
	[dreg:$0x2] =	wrdreg s2  }
0xa9: {  	[dreg:$0x3] =	wrdreg s4  }
0xaa: {  	[dreg:$0x4] =	wrdreg $0xC0  }
0xab: {  	_ =	task [dreg:s6], $0x5FFFF  }
0xac: {  	[dreg:$0x1] =	wrdreg $0xFFFFFFFF  }
0xad: {  	[dreg:$0x0] =	wrdreg $0x60  }
0xae: {  	[dreg:$0x2] =	wrdreg s24  }
0xaf: {  	[dreg:$0x3] =	wrdreg $0x0  }
0xb0: {  	[dreg:$0x4] =	wrdreg $0x9  }
0xb1: {  	_ =	task.clear_ibuf [dreg:s6], $0x5FFFF;
	_ =	strace $0x90000046  }
0xb2: {  	s29 =	simm.s32 $0x9;
	_ =	strace $0x80000048  }
0xb3: {  	_ =	swait.ge [sflag:s29], $0x1  }
0xb4: {  	[sflag:s29] =	ssyncadd.s32 $0xFFFFFFFF  }
0xb5: {  	_ =	strace $0x90000048  }
0xb6: {  	_ =	sfence  }
0xb7: {  	s30 =	sld [smem:$0x0];
	_ =	sdelay $0x2  }
0xb8: {  	s31 =	sshll.u32 s1, $0xD;
	s1 =	sshrl.u32 s1, $0x2  }
0xb9: {  	s3 =	sand.u32 $0x4000, s31;
	s1 =	sadd.s32 s1, s30  }
0xba: {  	s0 =	sor.u32 s3, s0;
	s1 =	sshll.u32 s1, $0x11  }
0xbb: {  	s0 =	sor.u32 s1, s0  }
0xbc: {  	s0 =	sadd.s32 $0x8F2B, s0  }
0xbd: {  	[sflag:s0] =	ssyncadd.remote.s32 $0x1  }
0xbe: {  	_ =	sfence.sel $0xFFFF  }
0xbf: {  	[dreg:$0x0] =	wrdreg $0xFFFFFFFF;
	(pc) =	sbr.abs _section_cstart, $3  }
0xc0: {  	[dreg:$0x1] =	wrdreg $0xFFFFFFFF  }
0xc1: {  	_ =	task.clear_ibuf [dreg:s6], $0x2FFFF;
	_ =	strace $0x9FFFFFFF  }
0xc2: {  	(tm) =	ssettm $0x7FFFFFFF  }
0xc3: {  	_ =	shalt  }
tec
execute0_lowered:
.L_overlay_start_1:
0x0: {  	(tag) =	ssettag $0x1  }
0x1: {  	s0 =	srdreg.scid;
	s2 =	rddreg [dreg:$0x1]  }
0x2: {  	s3 =	simm.s32 $0x0;
	s4 =	sand.u32 $0x1, s0;
	s0 =	rddreg [dreg:$0x0]  }
0x3: {  	s11 =	simm.s32 $0x10DA8;
	[smem:$0x7FF] =	sst s3  }
0x4: {  	s12 =	simm.s32 $0xF528;
	_ =	strace $0x80000047;
	[dreg:$0x8] =	wrdreg s11  }
0x5: {  	s13 =	simm.s32 $0x10E28;
	[dreg:$0x9] =	wrdreg s12  }
0x6: {  	s14 =	simm.s32 $0xF5A8;
	[dreg:$0xa] =	wrdreg s13  }
0x7: {  	s15 =	simm.s32 $0x10EA8;
	[dreg:$0xb] =	wrdreg s14  }
0x8: {  	s16 =	simm.s32 $0xF628;
	[dreg:$0xc] =	wrdreg s15  }
0x9: {  	s17 =	simm.s32 $0x10F28;
	[dreg:$0xd] =	wrdreg s16  }
0xa: {  	s18 =	simm.s32 $0xF6A8;
	[dreg:$0xe] =	wrdreg s17  }
0xb: {  	s19 =	simm.s32 $0x10FA8;
	[dreg:$0xf] =	wrdreg s18  }
0xc: {  	s20 =	simm.s32 $0xF728;
	[dreg:$0x10] =	wrdreg s19  }
0xd: {  	s21 =	simm.s32 $0x11028;
	[dreg:$0x11] =	wrdreg s20  }
0xe: {  	s22 =	simm.s32 $0xF7A8;
	[dreg:$0x12] =	wrdreg s21  }
0xf: {  	s23 =	simm.s32 $0x110A8;
	[dreg:$0x13] =	wrdreg s22  }
0x10: {  	s24 =	simm.s32 $0xF828;
	[dreg:$0x14] =	wrdreg s23  }
0x11: {  	s25 =	simm.s32 $0x11128;
	[dreg:$0x15] =	wrdreg s24  }
0x12: {  	[dreg:$0x16] =	wrdreg s25;
	s11 =	simm.s32 $0x112A8  }
0x13: {  	s12 =	simm.s32 $0xFA28;
	[dreg:$0x1c] =	wrdreg s11  }
0x14: {  	s13 =	simm.s32 $0x11328;
	[dreg:$0x1d] =	wrdreg s12  }
0x15: {  	s14 =	simm.s32 $0xFAA8;
	[dreg:$0x1e] =	wrdreg s13  }
0x16: {  	s15 =	simm.s32 $0x113A8;
	[dreg:$0x1f] =	wrdreg s14  }
0x17: {  	s16 =	simm.s32 $0xFB28;
	[smem:$0x7BA] =	sst s15  }
0x18: {  	s17 =	simm.s32 $0x11428;
	[smem:$0x7BB] =	sst s16  }
0x19: {  	s18 =	simm.s32 $0xFBA8;
	[smem:$0x7BC] =	sst s17  }
0x1a: {  	s19 =	simm.s32 $0x114A8;
	[smem:$0x7BD] =	sst s18  }
0x1b: {  	s20 =	simm.s32 $0xFC28;
	[smem:$0x7BE] =	sst s19  }
0x1c: {  	s21 =	simm.s32 $0x11528;
	[smem:$0x7BF] =	sst s20  }
0x1d: {  	s22 =	simm.s32 $0xFCA8;
	[smem:$0x7C0] =	sst s21  }
0x1e: {  	s23 =	simm.s32 $0x115A8;
	[smem:$0x7C1] =	sst s22  }
0x1f: {  	s24 =	simm.s32 $0xFD28;
	[smem:$0x7C2] =	sst s23  }
0x20: {  	s25 =	simm.s32 $0x11628;
	[smem:$0x7C3] =	sst s24  }
0x21: {  	[smem:$0x7C4] =	sst s25;
	s11 =	simm.s32 $0x117A8  }
0x22: {  	s12 =	simm.s32 $0xFF28;
	[smem:$0x7CA] =	sst s11  }
0x23: {  	s13 =	simm.s32 $0x11828;
	[smem:$0x7CB] =	sst s12  }
0x24: {  	s14 =	simm.s32 $0xFFA8;
	[smem:$0x7CC] =	sst s13  }
0x25: {  	s15 =	simm.s32 $0x118A8;
	[smem:$0x7CD] =	sst s14  }
0x26: {  	s16 =	simm.s32 $0x10028;
	[smem:$0x7CE] =	sst s15  }
0x27: {  	s17 =	simm.s32 $0x11928;
	[smem:$0x7CF] =	sst s16  }
0x28: {  	s18 =	simm.s32 $0x10128;
	[smem:$0x7D0] =	sst s17  }
0x29: {  	s19 =	simm.s32 $0x11A28;
	[smem:$0x7D1] =	sst s18  }
0x2a: {  	s20 =	simm.s32 $0x101A8;
	[smem:$0x7D2] =	sst s19  }
0x2b: {  	s21 =	simm.s32 $0x11AA8;
	[smem:$0x7D3] =	sst s20  }
0x2c: {  	s22 =	simm.s32 $0x10228;
	[smem:$0x7D4] =	sst s21  }
0x2d: {  	s23 =	simm.s32 $0x11B28;
	[smem:$0x7D5] =	sst s22  }
0x2e: {  	s24 =	simm.s32 $0x102A8;
	[smem:$0x7D6] =	sst s23  }
0x2f: {  	s25 =	simm.s32 $0x11BA8;
	[smem:$0x7D7] =	sst s24  }
0x30: {  	[smem:$0x7D8] =	sst s25;
	s12 =	simm.s32 $0x103A8  }
0x31: {  	s13 =	simm.s32 $0x11CA8;
	[smem:$0x7DB] =	sst s12  }
0x32: {  	s15 =	simm.s32 $0x10428;
	[smem:$0x7DC] =	sst s13  }
0x33: {  	s17 =	simm.s32 $0x11D28;
	[smem:$0x7DD] =	sst s15  }
0x34: {  	s18 =	simm.s32 $0x104A8;
	[smem:$0x7DE] =	sst s17  }
0x35: {  	s20 =	simm.s32 $0x11DA8;
	[smem:$0x7DF] =	sst s18  }
0x36: {  	s10 =	stileid.u32;
	s21 =	simm.s32 $0x10528;
	[smem:$0x7E0] =	sst s20  }
0x37: {  	s1 =	smul.u32 $0x640, s10;
	s22 =	simm.s32 $0x11E28;
	[smem:$0x7E1] =	sst s21  }
0x38: {  	s9 =	smul.u32 $0x6400, s10;
	s24 =	simm.s32 $0x105A8;
	[smem:$0x7E3] =	sst s22  }
0x39: {  	s5 =	smul.u32 $0x320, s4;
	s25 =	simm.s32 $0x11EA8;
	[smem:$0x7E4] =	sst s24  }
0x3a: {  	s6 =	sadd.s32 $0x83400, s0;
	[smem:$0x7E5] =	sst s25;
	s13 =	simm.s32 $0x10728  }
0x3b: {  	s26 =	smul.u32 $0x3200, s4;
	s15 =	simm.s32 $0x107A8;
	[smem:$0x7EE] =	sst s13  }
0x3c: {  	s14 =	ssub.s32 $0x2, s4;
	s17 =	simm.s32 $0x10828;
	[smem:$0x7F1] =	sst s15  }
0x3d: {  	s19 =	sshll.u32 s10, $0x1;
	s18 =	simm.s32 $0x12128;
	[smem:$0x7F4] =	sst s17  }
0x3e: {  	s4 =	sor.u32 s4, s19;
	s19 =	simm.s32 $0x108A8;
	[smem:$0x7F5] =	sst s18  }
0x3f: {  	s5 =	sadd.s32 s5, s1;
	s20 =	simm.s32 $0x121A8;
	[smem:$0x7F6] =	sst s19  }
0x40: {  	s1 =	sadd.s32 $0xA00, s0;
	s21 =	simm.s32 $0x10928;
	[smem:$0x7F7] =	sst s20  }
0x41: {  	s5 =	sshll.u32 s5, $0x4;
	s22 =	simm.s32 $0x12228;
	[smem:$0x7F8] =	sst s21  }
0x42: {  	s24 =	simm.s32 $0x122A8;
	s25 =	simm.s32 $0x10A28;
	[smem:$0x7F9] =	sst s22  }
0x43: {  	s7 =	sadd.s32 s1, s5;
	s5 =	sadd.s32 s5, s6;
	[smem:$0x7FB] =	sst s24  }
0x44: {  	s6 =	sadd.s32 s9, s6;
	s9 =	simm.s32 $0xF4A8;
	[smem:$0x7FC] =	sst s25  }
0x45: {  	s8 =	sadd.s32 $0x4B0, s7;
	[dreg:$0x7] =	wrdreg s9  }
0x46: {  	s5 =	sadd.s32 $0x190, s5;
	[dreg:$0x3] =	wrdreg s8  }
0x47: {  	s7 =	sadd.s32 $0x320, s7;
	[dreg:$0x4] =	wrdreg s5  }
0x48: {  	s28 =	simm.s32 $0x12528;
	s9 =	simm.s32 $0xF9A8;
	[dreg:$0x5] =	wrdreg s7  }
0x49: {  	s29 =	simm.s32 $0x10CA8;
	s8 =	sadd.s32 s26, s6;
	[dreg:$0x1b] =	wrdreg s9  }
0x4a: {  	s30 =	simm.s32 $0x125A8;
	s26 =	simm.s32 $0xF8A8;
	[dreg:$0x6] =	wrdreg s8  }
0x4b: {  	s31 =	simm.s32 $0x5;
	s6 =	simm.s32 $0x111A8;
	[dreg:$0x17] =	wrdreg s26  }
0x4c: {  	p0 =	seq.s32 s10, $0xF;
	s7 =	simm.s32 $0xF928;
	[dreg:$0x18] =	wrdreg s6  }
0x4d: {  	s4 =	smul.u32 $0x3200, s4;
	s9 =	simm.s32 $0xFEA8;
	[dreg:$0x19] =	wrdreg s7  }
0x4e: {  	s16 =	sshrl.u32 s14, $0x1;
	s5 =	simm.s32 $0x11F28;
	[smem:$0x7C9] =	sst s9  }
0x4f: {  	s13 =	simm.s32 $0x100A8;
	s1 =	sadd.s32 s1, s4;
	[smem:$0x7E8] =	sst s5  }
0x50: {  	s15 =	simm.s32 $0x80;
	s8 =	simm.s32 $0x11228;
	[smem:$0x7E9] =	sst s1  }
0x51: {  	s17 =	simm.s32 $0x4;
	s26 =	simm.s32 $0xFDA8;
	[dreg:$0x1a] =	wrdreg s8  }
0x52: {  	s18 =	simm.s32 $0x3;
	s6 =	simm.s32 $0x116A8;
	[smem:$0x7C5] =	sst s26  }
0x53: {  	s19 =	simm.s32 $0x119A8;
	s7 =	simm.s32 $0xFE28;
	[smem:$0x7C6] =	sst s6  }
0x54: {  	s20 =	simm.s32 $0x10AA8;
	s9 =	simm.s32 $0x11C28;
	[smem:$0x7C7] =	sst s7  }
0x55: {  	s21 =	simm.s32 $0x123A8;
	s1 =	sadd.s32 $0x190, s1;
	[smem:$0x7DA] =	sst s9  }
0x56: {  	s22 =	simm.s32 $0x10B28;
	s8 =	simm.s32 $0x11728;
	[smem:$0x7EA] =	sst s1  }
0x57: {  	s24 =	simm.s32 $0x10BA8;
	s6 =	simm.s32 $0x106A8;
	[smem:$0x7C8] =	sst s8  }
0x58: {  	s26 =	smul.u32 $0xF428, s10;
	s9 =	simm.s32 $0x11FA8;
	[smem:$0x7EB] =	sst s6  }
0x59: {  	s25 =	simm.s32 $0x124A8;
	s8 =	simm.s32 $0x10328;
	[smem:$0x7ED] =	sst s9  }
0x5a: {  	s4 =	simm.s32 $0x0;
	[smem:$0x7D9] =	sst s8;
	s11 =	sshrl.u32 s26, $0x3  }
0x5b: {  	s8 =	ssub.s32 s14, s16;
	s14 =	simm.s32 $0x12028;
	s16 =	simm.s32 $0x120A8  }
0x5c: {  	s7 =	sadd.s32 s11, s0;
	s11 =	sadd.s32 s26, s2;
	[smem:$0x7F0] =	sst s14  }
0x5d: {  	s26 =	simm.s32 $0x10628;
	s0 =	sadd.s32 $0x813CB, s0;
	[smem:$0x7F3] =	sst s16  }
0x5e: {  	s12 =	smax.u32 s8, $0x1;
	s14 =	simm.s32 $0x2;
	[smem:$0x7E6] =	sst s0  }
0x5f: {  	s16 =	simm.s32 $0x10D28;
	s23 =	sadd.s32 $0x64A00, s7;
	[smem:$0x7E7] =	sst s26  }
0x60: {  	s7 =	sadd.s32 $0xE4E58, s2;
	[smem:$0x7EC] =	sst s12;
	s11 =	sshrl.u32 @!p0 s11, $0x3  }
0x61: {  	s12 =	simm.s32 $0xF428;
	s26 =	simm.s32 $0x12328;
	[smem:$0x7E2] =	sst s23  }
0x62: {  	s0 =	simm.s32 $0x7;
	s1 =	sshrl.u32 @p0 s7, $0x3;
	[smem:$0x7FD] =	sst s26  }
0x63: {  	s23 =	simm.s32 $0x109A8;
	[smem:$0x7EF] =	sst s1;
	s1 =	sshll.u32 @!p0 s10, $0x6  }
0x64: {  	s26 =	simm.s32 $0x10C28;
	[smem:$0x7FA] =	sst s23;
	s1 =	sor.u32 @!p0 $0x1C01, s1  }
0x65: {  	s23 =	simm.s32 $0x12428;
	[smem:$0x7F2] =	sst s1;
	s1 =	simm.s32 $0x6  }
.LBB2_1:
0x66: {  	s6 =	sld [smem:$0x7E6]  }
0x67: {  	s7 =	sld [smem:$0x7EF];
	_ =	sdelay $0x1  }
0x68: {  	s5 =	simm.s32 @p0 $0x1FC1  }
0x69: {  	[spmem:s7], [sflag:s5] =	dma.local @p0 [hbm:s6], $0x1E7D  }
0x6a: {  	s5 =	simm.s32 @p0 $0x1  }
0x6b: {  	_ =	swait.ge @p0 [sflag:s5], $0x1E7D  }
0x6c: {  	[sflag:s5] =	ssyncset.done @p0 $0x0;
	s6 =	sld [smem:$0x7F2]  }
0x6d: {  	[sflag:s5] =	ssyncadd.s32 @p0 $0xFFFFE183;
	s5 =	sld [smem:$0x7E2];
	_ =	sdelay $0x2  }
0x6e: {  	[spmem:s11], [sflag:s6] =	dma.local @!p0 [hbm:s5], $0x1E85  }
0x6f: {  	s5 =	simm.s32 @!p0 $0x1  }
0x70: {  	_ =	swait.ge @!p0 [sflag:s5], $0x1E85  }
0x71: {  	[sflag:s5] =	ssyncset.done @!p0 $0x0  }
0x72: {  	[sflag:s5] =	ssyncadd.s32 @!p0 $0xFFFFE17B  }
0x73: {  	[bflag:$0x0] =	sbarrier.arrive $0xFFFF  }
0x74: {  	s9 =	sld [smem:$0x7E9];
	_ =	sdelay $0x1  }
0x75: {  	s10 =	sld [smem:$0x7EA]  }
0x76: {  	[tilespmem:s12], [sflag:$0x2] =	stream.linear.gather [hbm4b:s9+s3], $0xC80, $0x38;
	[tilespmem:$0x12628] =	vst v63  }
0x77: {  	s5 =	simm.s32 $0x0  }
0x78: {  	[tilespmem:s13], [sflag:$0x3] =	stream.linear.gather [hbm4b:s10+s3], $0xC80, $0x38;
	[tilespmem:$0x12628] =	vst v63  }
.LBB2_2:
0x79: {  	_ =	swait.ge [sflag:s14], $0xC80  }
0x7a: {  	p1 =	seq.s32 s5, $0x0;
	[sflag:s14] =	ssyncset.done $0x0  }
0x7b: {  	s7 =	simm.s32 @!p1 $0x6;
	[sflag:s14] =	ssyncadd.s32 $0xFFFFF380  }
0x7c: {  	_ =	swait.ge @!p1 [sflag:s7], $0xC80  }
0x7d: {  	s10 =	rddreg [dreg:$0x7]  }
0x7e: {  	s8 =	rddreg [dreg:$0x8]  }
0x7f: {  	[sflag:s7] =	ssyncset.done @!p1 $0x0;
	s9 =	rddreg [dreg:$0x9]  }
0x80: {  	s6 =	rddreg [dreg:$0xa];
	[sflag:s7] =	ssyncadd.s32 @!p1 $0xFFFFF380  }
0x81: {  	[tilespmem:s16], [sflag:$0x4] =	stream.indirect.gather [spmem:s2], $0x1, s12, s15, $0xb8;
	[tilespmem:$0x12628] =	vst v63  }
0x82: {  	s7 =	rddreg [dreg:$0xb]  }
0x83: {  	[tilespmem:s8], [sflag:$0x4] =	stream.indirect.gather [spmem:s2], $0x1, s10, s15, $0xb8;
	[tilespmem:$0x12628] =	vst v63  }
0x84: {  	s8 =	rddreg [dreg:$0xc]  }
0x85: {  	s10 =	rddreg [dreg:$0xe]  }
0x86: {  	[tilespmem:s6], [sflag:$0x4] =	stream.indirect.gather [spmem:s2], $0x1, s9, s15, $0xb8;
	[tilespmem:$0x12628] =	vst v63  }
0x87: {  	s9 =	rddreg [dreg:$0xd]  }
0x88: {  	[tilespmem:s8], [sflag:$0x4] =	stream.indirect.gather [spmem:s2], $0x1, s7, s15, $0xb8;
	[tilespmem:$0x12628] =	vst v63  }
0x89: {  	s7 =	rddreg [dreg:$0xf]  }
0x8a: {  	s8 =	rddreg [dreg:$0x10]  }
0x8b: {  	[tilespmem:s10], [sflag:$0x4] =	stream.indirect.gather [spmem:s2], $0x1, s9, s15, $0xb8;
	[tilespmem:$0x12628] =	vst v63  }
0x8c: {  	s9 =	rddreg [dreg:$0x11]  }
0x8d: {  	s10 =	rddreg [dreg:$0x12]  }
0x8e: {  	[tilespmem:s8], [sflag:$0x4] =	stream.indirect.gather [spmem:s2], $0x1, s7, s15, $0xb8;
	[tilespmem:$0x12628] =	vst v63  }
0x8f: {  	s7 =	rddreg [dreg:$0x13]  }
0x90: {  	s8 =	rddreg [dreg:$0x14]  }
0x91: {  	[tilespmem:s10], [sflag:$0x4] =	stream.indirect.gather [spmem:s2], $0x1, s9, s15, $0xb8;
	[tilespmem:$0x12628] =	vst v63  }
0x92: {  	s9 =	rddreg [dreg:$0x15]  }
0x93: {  	s10 =	rddreg [dreg:$0x16]  }
0x94: {  	[tilespmem:s8], [sflag:$0x4] =	stream.indirect.gather [spmem:s2], $0x1, s7, s15, $0xb8;
	[tilespmem:$0x12628] =	vst v63  }
0x95: {  	s7 =	rddreg [dreg:$0x17]  }
0x96: {  	s8 =	rddreg [dreg:$0x18]  }
0x97: {  	[tilespmem:s10], [sflag:$0x4] =	stream.indirect.gather [spmem:s2], $0x1, s9, s15, $0xb8;
	[tilespmem:$0x12628] =	vst v63  }
0x98: {  	s9 =	rddreg [dreg:$0x19]  }
0x99: {  	s10 =	rddreg [dreg:$0x1a]  }
0x9a: {  	[tilespmem:s8], [sflag:$0x4] =	stream.indirect.gather [spmem:s2], $0x1, s7, s15, $0xb8;
	[tilespmem:$0x12628] =	vst v63  }
0x9b: {  	s7 =	rddreg [dreg:$0x1b]  }
0x9c: {  	s8 =	rddreg [dreg:$0x1c]  }
0x9d: {  	[tilespmem:s10], [sflag:$0x4] =	stream.indirect.gather [spmem:s2], $0x1, s9, s15, $0xb8;
	[tilespmem:$0x12628] =	vst v63  }
0x9e: {  	s9 =	rddreg [dreg:$0x1d]  }
0x9f: {  	s10 =	rddreg [dreg:$0x1e]  }
0xa0: {  	[tilespmem:s8], [sflag:$0x4] =	stream.indirect.gather [spmem:s2], $0x1, s7, s15, $0xb8;
	[tilespmem:$0x12628] =	vst v63  }
0xa1: {  	s7 =	rddreg [dreg:$0x1f]  }
0xa2: {  	s8 =	sld [smem:$0x7BA]  }
0xa3: {  	[tilespmem:s10], [sflag:$0x4] =	stream.indirect.gather [spmem:s2], $0x1, s9, s15, $0xb8;
	[tilespmem:$0x12628] =	vst v63  }
0xa4: {  	s9 =	sld [smem:$0x7BB]  }
0xa5: {  	s10 =	sld [smem:$0x7BC]  }
0xa6: {  	[tilespmem:s8], [sflag:$0x4] =	stream.indirect.gather [spmem:s2], $0x1, s7, s15, $0xb8;
	[tilespmem:$0x12628] =	vst v63  }
0xa7: {  	s7 =	sld [smem:$0x7BD]  }
0xa8: {  	s8 =	sld [smem:$0x7BE]  }
0xa9: {  	[tilespmem:s10], [sflag:$0x4] =	stream.indirect.gather [spmem:s2], $0x1, s9, s15, $0xb8;
	[tilespmem:$0x12628] =	vst v63  }
0xaa: {  	s9 =	sld [smem:$0x7BF]  }
0xab: {  	s10 =	sld [smem:$0x7C0]  }
0xac: {  	[tilespmem:s8], [sflag:$0x4] =	stream.indirect.gather [spmem:s2], $0x1, s7, s15, $0xb8;
	[tilespmem:$0x12628] =	vst v63  }
0xad: {  	s7 =	sld [smem:$0x7C1]  }
0xae: {  	s8 =	sld [smem:$0x7C2]  }
0xaf: {  	[tilespmem:s10], [sflag:$0x4] =	stream.indirect.gather [spmem:s2], $0x1, s9, s15, $0xb8;
	[tilespmem:$0x12628] =	vst v63  }
0xb0: {  	s9 =	sld [smem:$0x7C3]  }
0xb1: {  	s10 =	sld [smem:$0x7C4]  }
0xb2: {  	[tilespmem:s8], [sflag:$0x4] =	stream.indirect.gather [spmem:s2], $0x1, s7, s15, $0xb8;
	[tilespmem:$0x12628] =	vst v63  }
0xb3: {  	s7 =	sld [smem:$0x7C5]  }
0xb4: {  	s8 =	sld [smem:$0x7C6]  }
0xb5: {  	[tilespmem:s10], [sflag:$0x4] =	stream.indirect.gather [spmem:s2], $0x1, s9, s15, $0xb8;
	[tilespmem:$0x12628] =	vst v63  }
0xb6: {  	s9 =	sld [smem:$0x7C7]  }
0xb7: {  	s10 =	sld [smem:$0x7C8]  }
0xb8: {  	[tilespmem:s8], [sflag:$0x4] =	stream.indirect.gather [spmem:s2], $0x1, s7, s15, $0xb8;
	[tilespmem:$0x12628] =	vst v63  }
0xb9: {  	s7 =	sld [smem:$0x7C9]  }
0xba: {  	s8 =	sld [smem:$0x7CA]  }
0xbb: {  	[tilespmem:s10], [sflag:$0x4] =	stream.indirect.gather [spmem:s2], $0x1, s9, s15, $0xb8;
	[tilespmem:$0x12628] =	vst v63  }
0xbc: {  	s9 =	sld [smem:$0x7CB]  }
0xbd: {  	s10 =	sld [smem:$0x7CC]  }
0xbe: {  	[tilespmem:s8], [sflag:$0x4] =	stream.indirect.gather [spmem:s2], $0x1, s7, s15, $0xb8;
	[tilespmem:$0x12628] =	vst v63  }
0xbf: {  	s7 =	sld [smem:$0x7CD]  }
0xc0: {  	s8 =	sld [smem:$0x7CE]  }
0xc1: {  	[tilespmem:s10], [sflag:$0x4] =	stream.indirect.gather [spmem:s2], $0x1, s9, s15, $0xb8;
	[tilespmem:$0x12628] =	vst v63  }
0xc2: {  	s9 =	sld [smem:$0x7CF]  }
0xc3: {  	s10 =	sld [smem:$0x7D0]  }
0xc4: {  	[tilespmem:s8], [sflag:$0x4] =	stream.indirect.gather [spmem:s2], $0x1, s7, s15, $0xb8;
	[tilespmem:$0x12628] =	vst v63  }
0xc5: {  	_ = 	snop  }
0xc6: {  	[tilespmem:s10], [sflag:$0x4] =	stream.indirect.gather [spmem:s2], $0x1, s9, s15, $0xb8;
	[tilespmem:$0x12628] =	vst v63  }
0xc7: {  	_ =	swait.ge [sflag:s17], $0x80  }
0xc8: {  	[sflag:s17] =	ssyncset.done $0x0  }
0xc9: {  	[sflag:s17] =	ssyncadd.s32 $0xFFFFFF80  }
0xca: {  	_ =	swait.ge [sflag:s17], $0x80  }
0xcb: {  	[sflag:s17] =	ssyncset.done $0x0  }
0xcc: {  	[sflag:s17] =	ssyncadd.s32 $0xFFFFFF80  }
0xcd: {  	_ =	swait.ge [sflag:s17], $0x80  }
0xce: {  	[sflag:s17] =	ssyncset.done $0x0  }
0xcf: {  	[sflag:s17] =	ssyncadd.s32 $0xFFFFFF80  }
0xd0: {  	_ =	swait.ge [sflag:s17], $0x80  }
0xd1: {  	[sflag:s17] =	ssyncset.done $0x0  }
0xd2: {  	[sflag:s17] =	ssyncadd.s32 $0xFFFFFF80  }
0xd3: {  	_ =	swait.ge [sflag:s17], $0x80  }
0xd4: {  	[sflag:s17] =	ssyncset.done $0x0  }
0xd5: {  	[sflag:s17] =	ssyncadd.s32 $0xFFFFFF80  }
0xd6: {  	_ =	swait.ge [sflag:s17], $0x80  }
0xd7: {  	[sflag:s17] =	ssyncset.done $0x0  }
0xd8: {  	[sflag:s17] =	ssyncadd.s32 $0xFFFFFF80  }
0xd9: {  	_ =	swait.ge [sflag:s17], $0x80  }
0xda: {  	[sflag:s17] =	ssyncset.done $0x0  }
0xdb: {  	[sflag:s17] =	ssyncadd.s32 $0xFFFFFF80  }
0xdc: {  	_ =	swait.ge [sflag:s17], $0x80  }
0xdd: {  	[sflag:s17] =	ssyncset.done $0x0  }
0xde: {  	[sflag:s17] =	ssyncadd.s32 $0xFFFFFF80  }
0xdf: {  	_ =	swait.ge [sflag:s17], $0x80  }
0xe0: {  	[sflag:s17] =	ssyncset.done $0x0  }
0xe1: {  	[sflag:s17] =	ssyncadd.s32 $0xFFFFFF80  }
0xe2: {  	_ =	swait.ge [sflag:s17], $0x80  }
0xe3: {  	[sflag:s17] =	ssyncset.done $0x0  }
0xe4: {  	[sflag:s17] =	ssyncadd.s32 $0xFFFFFF80  }
0xe5: {  	_ =	swait.ge [sflag:s17], $0x80  }
0xe6: {  	[sflag:s17] =	ssyncset.done $0x0  }
0xe7: {  	[sflag:s17] =	ssyncadd.s32 $0xFFFFFF80  }
0xe8: {  	_ =	swait.ge [sflag:s17], $0x80  }
0xe9: {  	[sflag:s17] =	ssyncset.done $0x0  }
0xea: {  	[sflag:s17] =	ssyncadd.s32 $0xFFFFFF80  }
0xeb: {  	_ =	swait.ge [sflag:s17], $0x80  }
0xec: {  	[sflag:s17] =	ssyncset.done $0x0  }
0xed: {  	[sflag:s17] =	ssyncadd.s32 $0xFFFFFF80  }
0xee: {  	_ =	swait.ge [sflag:s17], $0x80  }
0xef: {  	[sflag:s17] =	ssyncset.done $0x0  }
0xf0: {  	[sflag:s17] =	ssyncadd.s32 $0xFFFFFF80  }
0xf1: {  	_ =	swait.ge [sflag:s17], $0x80  }
0xf2: {  	[sflag:s17] =	ssyncset.done $0x0  }
0xf3: {  	[sflag:s17] =	ssyncadd.s32 $0xFFFFFF80  }
0xf4: {  	_ =	swait.ge [sflag:s17], $0x80  }
0xf5: {  	[sflag:s17] =	ssyncset.done $0x0  }
0xf6: {  	[sflag:s17] =	ssyncadd.s32 $0xFFFFFF80  }
0xf7: {  	_ =	swait.ge [sflag:s17], $0x80  }
0xf8: {  	[sflag:s17] =	ssyncset.done $0x0  }
0xf9: {  	[sflag:s17] =	ssyncadd.s32 $0xFFFFFF80  }
0xfa: {  	_ =	swait.ge [sflag:s17], $0x80  }
0xfb: {  	[sflag:s17] =	ssyncset.done $0x0  }
0xfc: {  	[sflag:s17] =	ssyncadd.s32 $0xFFFFFF80  }
0xfd: {  	_ =	swait.ge [sflag:s17], $0x80  }
0xfe: {  	[sflag:s17] =	ssyncset.done $0x0  }
0xff: {  	[sflag:s17] =	ssyncadd.s32 $0xFFFFFF80  }
0x100: {  	_ =	swait.ge [sflag:s17], $0x80  }
0x101: {  	[sflag:s17] =	ssyncset.done $0x0  }
0x102: {  	[sflag:s17] =	ssyncadd.s32 $0xFFFFFF80  }
0x103: {  	_ =	swait.ge [sflag:s17], $0x80  }
0x104: {  	[sflag:s17] =	ssyncset.done $0x0  }
0x105: {  	[sflag:s17] =	ssyncadd.s32 $0xFFFFFF80  }
0x106: {  	_ =	swait.ge [sflag:s17], $0x80  }
0x107: {  	[sflag:s17] =	ssyncset.done $0x0  }
0x108: {  	[sflag:s17] =	ssyncadd.s32 $0xFFFFFF80  }
0x109: {  	_ =	swait.ge [sflag:s17], $0x80  }
0x10a: {  	[sflag:s17] =	ssyncset.done $0x0  }
0x10b: {  	[sflag:s17] =	ssyncadd.s32 $0xFFFFFF80  }
0x10c: {  	_ =	swait.ge [sflag:s17], $0x80  }
0x10d: {  	[sflag:s17] =	ssyncset.done $0x0  }
0x10e: {  	p2 =	seq.s32 s5, $0x2EE0;
	[sflag:s17] =	ssyncadd.s32 $0xFFFFFF80  }
0x10f: {  	s7 =	simm.s32 @!p2 $0x0;
	_ =	swait.ge [sflag:s17], $0x80  }
0x110: {  	s9 =	simm.s32 @!p2 $0xF428;
	s6 =	rddreg [dreg:$0x5];
	[sflag:s17] =	ssyncset.done $0x0  }
0x111: {  	s10 =	rddreg [dreg:$0x6];
	[sflag:s17] =	ssyncadd.s32 $0xFFFFFF80;
	s6 =	sadd.s32 @!p2 s5, s6  }
0x112: {  	[tilespmem:s9], [sflag:$0x2] =	stream.linear.gather @!p2 [hbm4b:s6+s7], $0xC80, $0x38;
	[tilespmem:$0x12628] =	vst v63  }
0x113: {  	s9 =	sadd.s32 s5, s10  }
0x114: {  	[hbm4b:s9+s3] =	stream.linear.scatter [tilespmem:s16], [sflag:$0x6], $0xC80, $0x38;
	[tilespmem:$0x12628] =	vst v63  }
0x115: {  	_ =	swait.ge [sflag:s18], $0xC80  }
0x116: {  	[sflag:s18] =	ssyncset.done $0x0  }
0x117: {  	s6 =	simm.s32 @!p1 $0x7;
	[sflag:s18] =	ssyncadd.s32 $0xFFFFF380  }
0x118: {  	_ =	swait.ge @!p1 [sflag:s6], $0xC80  }
0x119: {  	s10 =	sld [smem:$0x7D1]  }
0x11a: {  	[sflag:s6] =	ssyncset.done @!p1 $0x0;
	s9 =	sld [smem:$0x7D2]  }
0x11b: {  	s8 =	sld [smem:$0x7D4];
	[sflag:s6] =	ssyncadd.s32 @!p1 $0xFFFFF380  }
0x11c: {  	[tilespmem:s19], [sflag:$0x5] =	stream.indirect.gather [spmem:s2], $0x1, s13, s15, $0xb8;
	[tilespmem:$0x12628] =	vst v63  }
0x11d: {  	s6 =	sld [smem:$0x7D3]  }
0x11e: {  	[tilespmem:s9], [sflag:$0x5] =	stream.indirect.gather [spmem:s2], $0x1, s10, s15, $0xb8;
	[tilespmem:$0x12628] =	vst v63  }
0x11f: {  	s9 =	sld [smem:$0x7D5]  }
0x120: {  	s10 =	sld [smem:$0x7D6]  }
0x121: {  	[tilespmem:s8], [sflag:$0x5] =	stream.indirect.gather [spmem:s2], $0x1, s6, s15, $0xb8;
	[tilespmem:$0x12628] =	vst v63  }
0x122: {  	s6 =	sld [smem:$0x7D7]  }
0x123: {  	s8 =	sld [smem:$0x7D8]  }
0x124: {  	[tilespmem:s10], [sflag:$0x5] =	stream.indirect.gather [spmem:s2], $0x1, s9, s15, $0xb8;
	[tilespmem:$0x12628] =	vst v63  }
0x125: {  	s9 =	sld [smem:$0x7D9]  }
0x126: {  	s10 =	sld [smem:$0x7DA]  }
0x127: {  	[tilespmem:s8], [sflag:$0x5] =	stream.indirect.gather [spmem:s2], $0x1, s6, s15, $0xb8;
	[tilespmem:$0x12628] =	vst v63  }
0x128: {  	s6 =	sld [smem:$0x7DB]  }
0x129: {  	s8 =	sld [smem:$0x7DC]  }
0x12a: {  	[tilespmem:s10], [sflag:$0x5] =	stream.indirect.gather [spmem:s2], $0x1, s9, s15, $0xb8;
	[tilespmem:$0x12628] =	vst v63  }
0x12b: {  	s9 =	sld [smem:$0x7DD]  }
0x12c: {  	s10 =	sld [smem:$0x7DE]  }
0x12d: {  	[tilespmem:s8], [sflag:$0x5] =	stream.indirect.gather [spmem:s2], $0x1, s6, s15, $0xb8;
	[tilespmem:$0x12628] =	vst v63  }
0x12e: {  	s6 =	sld [smem:$0x7DF]  }
0x12f: {  	s8 =	sld [smem:$0x7E0]  }
0x130: {  	[tilespmem:s10], [sflag:$0x5] =	stream.indirect.gather [spmem:s2], $0x1, s9, s15, $0xb8;
	[tilespmem:$0x12628] =	vst v63  }
0x131: {  	s9 =	sld [smem:$0x7E1]  }
0x132: {  	s10 =	sld [smem:$0x7E3]  }
0x133: {  	[tilespmem:s8], [sflag:$0x5] =	stream.indirect.gather [spmem:s2], $0x1, s6, s15, $0xb8;
	[tilespmem:$0x12628] =	vst v63  }
0x134: {  	s6 =	sld [smem:$0x7E4]  }
0x135: {  	s8 =	sld [smem:$0x7E5]  }
0x136: {  	[tilespmem:s10], [sflag:$0x5] =	stream.indirect.gather [spmem:s2], $0x1, s9, s15, $0xb8;
	[tilespmem:$0x12628] =	vst v63  }
0x137: {  	s9 =	sld [smem:$0x7E7]  }
0x138: {  	s10 =	sld [smem:$0x7E8]  }
0x139: {  	[tilespmem:s8], [sflag:$0x5] =	stream.indirect.gather [spmem:s2], $0x1, s6, s15, $0xb8;
	[tilespmem:$0x12628] =	vst v63  }
0x13a: {  	s6 =	sld [smem:$0x7EB]  }
0x13b: {  	s8 =	sld [smem:$0x7ED]  }
0x13c: {  	[tilespmem:s10], [sflag:$0x5] =	stream.indirect.gather [spmem:s2], $0x1, s9, s15, $0xb8;
	[tilespmem:$0x12628] =	vst v63  }
0x13d: {  	s9 =	sld [smem:$0x7EE]  }
0x13e: {  	s10 =	sld [smem:$0x7F0]  }
0x13f: {  	[tilespmem:s8], [sflag:$0x5] =	stream.indirect.gather [spmem:s2], $0x1, s6, s15, $0xb8;
	[tilespmem:$0x12628] =	vst v63  }
0x140: {  	s6 =	sld [smem:$0x7F1]  }
0x141: {  	s8 =	sld [smem:$0x7F3]  }
0x142: {  	[tilespmem:s10], [sflag:$0x5] =	stream.indirect.gather [spmem:s2], $0x1, s9, s15, $0xb8;
	[tilespmem:$0x12628] =	vst v63  }
0x143: {  	s9 =	sld [smem:$0x7F4]  }
0x144: {  	s10 =	sld [smem:$0x7F5]  }
0x145: {  	[tilespmem:s8], [sflag:$0x5] =	stream.indirect.gather [spmem:s2], $0x1, s6, s15, $0xb8;
	[tilespmem:$0x12628] =	vst v63  }
0x146: {  	s6 =	sld [smem:$0x7F6]  }
0x147: {  	s8 =	sld [smem:$0x7F7]  }
0x148: {  	[tilespmem:s10], [sflag:$0x5] =	stream.indirect.gather [spmem:s2], $0x1, s9, s15, $0xb8;
	[tilespmem:$0x12628] =	vst v63  }
0x149: {  	s9 =	sld [smem:$0x7F8]  }
0x14a: {  	s10 =	sld [smem:$0x7F9]  }
0x14b: {  	[tilespmem:s8], [sflag:$0x5] =	stream.indirect.gather [spmem:s2], $0x1, s6, s15, $0xb8;
	[tilespmem:$0x12628] =	vst v63  }
0x14c: {  	s6 =	sld [smem:$0x7FA]  }
0x14d: {  	s8 =	sld [smem:$0x7FB]  }
0x14e: {  	[tilespmem:s10], [sflag:$0x5] =	stream.indirect.gather [spmem:s2], $0x1, s9, s15, $0xb8;
	[tilespmem:$0x12628] =	vst v63  }
0x14f: {  	s9 =	sld [smem:$0x7FC]  }
0x150: {  	s10 =	sld [smem:$0x7FD]  }
0x151: {  	[tilespmem:s8], [sflag:$0x5] =	stream.indirect.gather [spmem:s2], $0x1, s6, s15, $0xb8;
	[tilespmem:$0x12628] =	vst v63  }
0x152: {  	_ = 	snop  }
0x153: {  	[tilespmem:s10], [sflag:$0x5] =	stream.indirect.gather [spmem:s2], $0x1, s9, s15, $0xb8;
	[tilespmem:$0x12628] =	vst v63  }
0x154: {  	_ = 	snop  }
0x155: {  	[tilespmem:s21], [sflag:$0x5] =	stream.indirect.gather [spmem:s2], $0x1, s20, s15, $0xb8;
	[tilespmem:$0x12628] =	vst v63  }
0x156: {  	_ = 	snop  }
0x157: {  	[tilespmem:s23], [sflag:$0x5] =	stream.indirect.gather [spmem:s2], $0x1, s22, s15, $0xb8;
	[tilespmem:$0x12628] =	vst v63  }
0x158: {  	_ = 	snop  }
0x159: {  	[tilespmem:s25], [sflag:$0x5] =	stream.indirect.gather [spmem:s2], $0x1, s24, s15, $0xb8;
	[tilespmem:$0x12628] =	vst v63  }
0x15a: {  	_ = 	snop  }
0x15b: {  	[tilespmem:s28], [sflag:$0x5] =	stream.indirect.gather [spmem:s2], $0x1, s26, s15, $0xb8;
	[tilespmem:$0x12628] =	vst v63  }
0x15c: {  	_ = 	snop  }
0x15d: {  	[tilespmem:s30], [sflag:$0x5] =	stream.indirect.gather [spmem:s2], $0x1, s29, s15, $0xb8;
	[tilespmem:$0x12628] =	vst v63  }
0x15e: {  	_ =	swait.ge [sflag:s31], $0x80  }
0x15f: {  	[sflag:s31] =	ssyncset.done $0x0  }
0x160: {  	[sflag:s31] =	ssyncadd.s32 $0xFFFFFF80  }
0x161: {  	_ =	swait.ge [sflag:s31], $0x80  }
0x162: {  	[sflag:s31] =	ssyncset.done $0x0  }
0x163: {  	[sflag:s31] =	ssyncadd.s32 $0xFFFFFF80  }
0x164: {  	_ =	swait.ge [sflag:s31], $0x80  }
0x165: {  	[sflag:s31] =	ssyncset.done $0x0  }
0x166: {  	[sflag:s31] =	ssyncadd.s32 $0xFFFFFF80  }
0x167: {  	_ =	swait.ge [sflag:s31], $0x80  }
0x168: {  	[sflag:s31] =	ssyncset.done $0x0  }
0x169: {  	[sflag:s31] =	ssyncadd.s32 $0xFFFFFF80  }
0x16a: {  	_ =	swait.ge [sflag:s31], $0x80  }
0x16b: {  	[sflag:s31] =	ssyncset.done $0x0  }
0x16c: {  	[sflag:s31] =	ssyncadd.s32 $0xFFFFFF80  }
0x16d: {  	_ =	swait.ge [sflag:s31], $0x80  }
0x16e: {  	[sflag:s31] =	ssyncset.done $0x0  }
0x16f: {  	[sflag:s31] =	ssyncadd.s32 $0xFFFFFF80  }
0x170: {  	_ =	swait.ge [sflag:s31], $0x80  }
0x171: {  	[sflag:s31] =	ssyncset.done $0x0  }
0x172: {  	[sflag:s31] =	ssyncadd.s32 $0xFFFFFF80  }
0x173: {  	_ =	swait.ge [sflag:s31], $0x80  }
0x174: {  	[sflag:s31] =	ssyncset.done $0x0  }
0x175: {  	[sflag:s31] =	ssyncadd.s32 $0xFFFFFF80  }
0x176: {  	_ =	swait.ge [sflag:s31], $0x80  }
0x177: {  	[sflag:s31] =	ssyncset.done $0x0  }
0x178: {  	[sflag:s31] =	ssyncadd.s32 $0xFFFFFF80  }
0x179: {  	_ =	swait.ge [sflag:s31], $0x80  }
0x17a: {  	[sflag:s31] =	ssyncset.done $0x0  }
0x17b: {  	[sflag:s31] =	ssyncadd.s32 $0xFFFFFF80  }
0x17c: {  	_ =	swait.ge [sflag:s31], $0x80  }
0x17d: {  	[sflag:s31] =	ssyncset.done $0x0  }
0x17e: {  	[sflag:s31] =	ssyncadd.s32 $0xFFFFFF80  }
0x17f: {  	_ =	swait.ge [sflag:s31], $0x80  }
0x180: {  	[sflag:s31] =	ssyncset.done $0x0  }
0x181: {  	[sflag:s31] =	ssyncadd.s32 $0xFFFFFF80  }
0x182: {  	_ =	swait.ge [sflag:s31], $0x80  }
0x183: {  	[sflag:s31] =	ssyncset.done $0x0  }
0x184: {  	[sflag:s31] =	ssyncadd.s32 $0xFFFFFF80  }
0x185: {  	_ =	swait.ge [sflag:s31], $0x80  }
0x186: {  	[sflag:s31] =	ssyncset.done $0x0  }
0x187: {  	[sflag:s31] =	ssyncadd.s32 $0xFFFFFF80  }
0x188: {  	_ =	swait.ge [sflag:s31], $0x80  }
0x189: {  	[sflag:s31] =	ssyncset.done $0x0  }
0x18a: {  	[sflag:s31] =	ssyncadd.s32 $0xFFFFFF80  }
0x18b: {  	_ =	swait.ge [sflag:s31], $0x80  }
0x18c: {  	[sflag:s31] =	ssyncset.done $0x0  }
0x18d: {  	[sflag:s31] =	ssyncadd.s32 $0xFFFFFF80  }
0x18e: {  	_ =	swait.ge [sflag:s31], $0x80  }
0x18f: {  	[sflag:s31] =	ssyncset.done $0x0  }
0x190: {  	[sflag:s31] =	ssyncadd.s32 $0xFFFFFF80  }
0x191: {  	_ =	swait.ge [sflag:s31], $0x80  }
0x192: {  	[sflag:s31] =	ssyncset.done $0x0  }
0x193: {  	[sflag:s31] =	ssyncadd.s32 $0xFFFFFF80  }
0x194: {  	_ =	swait.ge [sflag:s31], $0x80  }
0x195: {  	[sflag:s31] =	ssyncset.done $0x0  }
0x196: {  	[sflag:s31] =	ssyncadd.s32 $0xFFFFFF80  }
0x197: {  	_ =	swait.ge [sflag:s31], $0x80  }
0x198: {  	[sflag:s31] =	ssyncset.done $0x0  }
0x199: {  	[sflag:s31] =	ssyncadd.s32 $0xFFFFFF80  }
0x19a: {  	_ =	swait.ge [sflag:s31], $0x80  }
0x19b: {  	[sflag:s31] =	ssyncset.done $0x0  }
0x19c: {  	[sflag:s31] =	ssyncadd.s32 $0xFFFFFF80  }
0x19d: {  	_ =	swait.ge [sflag:s31], $0x80  }
0x19e: {  	[sflag:s31] =	ssyncset.done $0x0  }
0x19f: {  	[sflag:s31] =	ssyncadd.s32 $0xFFFFFF80  }
0x1a0: {  	_ =	swait.ge [sflag:s31], $0x80  }
0x1a1: {  	[sflag:s31] =	ssyncset.done $0x0  }
0x1a2: {  	[sflag:s31] =	ssyncadd.s32 $0xFFFFFF80  }
0x1a3: {  	_ =	swait.ge [sflag:s31], $0x80  }
0x1a4: {  	[sflag:s31] =	ssyncset.done $0x0  }
0x1a5: {  	[sflag:s31] =	ssyncadd.s32 $0xFFFFFF80  }
0x1a6: {  	_ =	swait.ge [sflag:s31], $0x80  }
0x1a7: {  	s6 =	rddreg [dreg:$0x3]  }
0x1a8: {  	s10 =	rddreg [dreg:$0x4]  }
0x1a9: {  	s6 =	sadd.s32 @!p2 s5, s6;
	s10 =	sadd.s32 s5, s10;
	s5 =	sadd.s32 $0x320, s5  }
0x1aa: {  	p1 =	sne.s32 s5, $0x3200  }
.Ltmp0:
0x1ab: {  	[sflag:s31] =	ssyncset.done $0x0;
	(pc) =	sbr.rel @p1 .LBB2_2-.Ltmp0, $4  }
0x1ac: {  	s9 =	simm.s32 @!p2 $0x100A8;
	[sflag:s31] =	ssyncadd.s32 $0xFFFFFF80  }
0x1ad: {  	[tilespmem:s9], [sflag:$0x3] =	stream.linear.gather @!p2 [hbm4b:s6+s7], $0xC80, $0x38;
	[tilespmem:$0x12628] =	vst v63  }
0x1ae: {  	_ = 	snop  }
0x1af: {  	[hbm4b:s10+s3] =	stream.linear.scatter [tilespmem:s19], [sflag:$0x7], $0xC80, $0x38;
	[tilespmem:$0x12628] =	vst v63  }
0x1b0: {  	_ =	swait.ge [sflag:s1], $0xC80  }
0x1b1: {  	[sflag:s1] =	ssyncset.done $0x0  }
0x1b2: {  	[sflag:s1] =	ssyncadd.s32 $0xFFFFF380  }
0x1b3: {  	_ =	swait.ge [sflag:s0], $0xC80  }
0x1b4: {  	s5 =	sld [smem:$0x7EC];
	_ =	sdelay $0x1  }
0x1b5: {  	s4 =	sadd.s32 $0x1, s4  }
0x1b6: {  	p1 =	sne.s32 s4, s5  }
.Ltmp1:
0x1b7: {  	_ = 	snop;
	(pc) =	sbr.rel @p1 .LBB2_1-.Ltmp1, $3  }
0x1b8: {  	_ =	sdelay $0x1  }
0x1b9: {  	[sflag:s0] =	ssyncset.done $0x0  }
0x1ba: {  	[sflag:s0] =	ssyncadd.s32 $0xFFFFF380  }
0x1bb: {  	_ =	sfence.sel $0x180000  }
0x1bc: {  	[bflag:$0x0] =	sbarrier.arrive $0xFFFF  }
0x1bd: {  	_ =	strace $0x90000047  }
0x1be: {  	s0 =	stileid.u32;
	[bflag:$0x2] =	sbarrier.arrive $0xFFFF  }
0x1bf: {  	p0 =	sne.s32 s0, $0x0;
	s0 =	rddreg [dreg:$0x2]  }
0x1c0: {  	s0 =	sadd.s32 @!p0 $0x100000, s0  }
0x1c1: {  	[sflag:s0] =	ssyncadd.tile.s32 @!p0 $0x1;
	_ =	shalt  }
.Lfunc_end2:
_tile_overlayer_lowered:
.L_overlay_start_2:
0x1c2: {  	(tag) =	ssettag $0x2  }
0x1c3: {  	s0 =	rddreg [dreg:$0x0];
	s2 =	stileid.u32  }
0x1c4: {  	s1 =	rddreg [dreg:$0x1];
	p0 =	sne.s32 s2, $0x0  }
0x1c5: {  	s3 =	rddreg [dreg:$0x2];
	[bflag:$0x3] =	sbarrier.arrive $0xFFFF;
	s2 =	simm.s32 @!p0 $0x1C08  }
0x1c6: {  	[timem:s3], [sflag:s2] =	dma.local @!p0 [hbm:s0], s1  }
0x1c7: {  	s0 =	simm.s32 @!p0 $0x8  }
0x1c8: {  	_ =	swait.ge @!p0 [sflag:s0], s1  }
0x1c9: {  	s1 =	ssub.s32 @!p0 $0x0, s1;
	[sflag:s0] =	ssyncset.done @!p0 $0x0  }
0x1ca: {  	[sflag:s0] =	ssyncadd.s32 @!p0 s1  }
0x1cb: {  	[bflag:$0x3] =	sbarrier.arrive $0xFFFF  }
0x1cc: {  	_ =	shalt  }

</sc_bundles>
